<compile_context>
chip_gen: v7x
topology: tpu7x:2x2x1
jax: 0.10.2.dev20260603
libtpu: 0.0.44.dev20260713+nightly
codegen_flags: <defaults>
</compile_context>

<pallas_src>
import functools

import jax
import jax.numpy as jnp
from jax import lax
from jax.experimental import pallas as pl
from jax.experimental.pallas import tpu as pltpu
from jax.experimental.pallas import tpu_sc as plsc

_NC = 2
_NS = 16
_NW = _NC * _NS
_CHUNK = 128
_NB = 6
_GDG = 4
_GDS = _NB - _GDG


def _make_agg(npad, width, chunks):
    rows_per_tile = npad // _NS
    mesh = plsc.VectorSubcoreMesh(core_axis_name="c", subcore_axis_name="s")

    @functools.partial(
        pl.kernel,
        mesh=mesh,
        out_type=jax.ShapeDtypeStruct((_NC, npad, width), jnp.float32),
        compiler_params=pltpu.CompilerParams(use_tc_tiling_on_sc=False),
        scratch_types=[
            pltpu.VMEM((chunks, _CHUNK), jnp.int32),
            pltpu.VMEM((chunks, _CHUNK), jnp.int32),
            pltpu.VMEM((_NB, _CHUNK, width), jnp.float32),
            pltpu.VMEM_SHARED((npad, width), jnp.float32),
            pltpu.SemaphoreType.DMA,
            pltpu.SemaphoreType.DMA,
            pltpu.SemaphoreType.DMA,
        ],
    )
    def agg(h_hbm, src_hbm, dst_hbm, out_hbm, src_v, dst_v, rows_v, acc_sh,
            gsem, ssem, isem):
        c = lax.axis_index("c")
        s = lax.axis_index("s")
        w = c * _NS + s

        pltpu.async_copy(src_hbm.at[w], src_v, isem)
        pltpu.async_copy(dst_hbm.at[w], dst_v, isem)

        def zrow(i, carry):
            for j in range(width // 16):
                rows_v[0, i, pl.ds(j * 16, 16)] = jnp.zeros((16,), jnp.float32)
            return carry
        lax.fori_loop(0, _CHUNK, zrow, 0)
        n_full = rows_per_tile // _CHUNK
        for b in range(n_full):
            pltpu.sync_copy(
                rows_v.at[0],
                acc_sh.at[pl.ds(s * rows_per_tile + b * _CHUNK, _CHUNK)])
        rem = rows_per_tile - n_full * _CHUNK
        if rem:
            pltpu.sync_copy(
                rows_v.at[0, pl.ds(0, rem)],
                acc_sh.at[pl.ds(s * rows_per_tile + n_full * _CHUNK, rem)])
        pltpu.make_async_copy(src_hbm.at[w], src_v, isem).wait()
        pltpu.make_async_copy(dst_hbm.at[w], dst_v, isem).wait()
        plsc.subcore_barrier()

        def gather(ci, b):
            pltpu.async_copy(h_hbm.at[src_v.at[ci]], rows_v.at[b], gsem)

        def gather_wait(ci, b):
            pltpu.make_async_copy(h_hbm.at[src_v.at[ci]], rows_v.at[b],
                                  gsem).wait()

        def scat(ci, b):
            pltpu.async_copy(rows_v.at[b], acc_sh.at[dst_v.at[ci]], ssem,
                             add=True)

        def scat_wait(ci, b):
            pltpu.make_async_copy(rows_v.at[b], acc_sh.at[dst_v.at[ci]],
                                  ssem).wait()

        for b0 in range(_GDG):
            gather(b0, b0)

        def body(ci, carry):
            b = lax.rem(ci, _NB)
            gather_wait(ci, b)
            scat(ci, b)

            @pl.when(ci >= _GDS)
            def _():
                cp = ci - _GDS
                scat_wait(cp, lax.rem(cp, _NB))

            @pl.when(ci + _GDG < chunks)
            def _():
                cn = ci + _GDG
                gather(cn, lax.rem(cn, _NB))
            return carry
        lax.fori_loop(0, chunks, body, 0)
        for k in range(max(chunks - _GDS, 0), chunks):
            scat_wait(k, k % _NB)
        plsc.subcore_barrier()

        pltpu.sync_copy(
            acc_sh.at[pl.ds(s * rows_per_tile, rows_per_tile)],
            out_hbm.at[c, pl.ds(s * rows_per_tile, rows_per_tile)])

    return agg


def _make_agg_lohi(npad, width, chunks):
    rows_per_tile = npad // _NS
    mesh = plsc.VectorSubcoreMesh(core_axis_name="c", subcore_axis_name="s")

    @functools.partial(
        pl.kernel,
        mesh=mesh,
        out_type=jax.ShapeDtypeStruct((_NC, npad, width), jnp.float32),
        compiler_params=pltpu.CompilerParams(use_tc_tiling_on_sc=False),
        scratch_types=[
            pltpu.VMEM((chunks, _CHUNK), jnp.int32),
            pltpu.VMEM((chunks, _CHUNK), jnp.int32),
            pltpu.VMEM((_NB, _CHUNK, width), jnp.float32),
            pltpu.VMEM_SHARED((npad, width), jnp.float32),
            pltpu.SemaphoreType.DMA,
            pltpu.SemaphoreType.DMA,
            pltpu.SemaphoreType.DMA,
        ],
    )
    def agg(hlo_hbm, hhi_hbm, src_hbm, dst_hbm, out_hbm, src_v, dst_v, rows_v,
            acc_sh, gsem, ssem, isem):
        c = lax.axis_index("c")
        s = lax.axis_index("s")

        pltpu.async_copy(src_hbm.at[s], src_v, isem)
        pltpu.async_copy(dst_hbm.at[s], dst_v, isem)

        def zrow(i, carry):
            for j in range(width // 16):
                rows_v[0, i, pl.ds(j * 16, 16)] = jnp.zeros((16,), jnp.float32)
            return carry
        lax.fori_loop(0, _CHUNK, zrow, 0)
        n_full = rows_per_tile // _CHUNK
        for b in range(n_full):
            pltpu.sync_copy(
                rows_v.at[0],
                acc_sh.at[pl.ds(s * rows_per_tile + b * _CHUNK, _CHUNK)])
        rem = rows_per_tile - n_full * _CHUNK
        if rem:
            pltpu.sync_copy(
                rows_v.at[0, pl.ds(0, rem)],
                acc_sh.at[pl.ds(s * rows_per_tile + n_full * _CHUNK, rem)])
        pltpu.make_async_copy(src_hbm.at[s], src_v, isem).wait()
        pltpu.make_async_copy(dst_hbm.at[s], dst_v, isem).wait()
        plsc.subcore_barrier()

        def run_ring(h_hbm):
            def gather(ci, b):
                pltpu.async_copy(h_hbm.at[src_v.at[ci]], rows_v.at[b], gsem)

            def gather_wait(ci, b):
                pltpu.make_async_copy(h_hbm.at[src_v.at[ci]], rows_v.at[b],
                                      gsem).wait()

            def scat(ci, b):
                pltpu.async_copy(rows_v.at[b], acc_sh.at[dst_v.at[ci]], ssem,
                                 add=True)

            def scat_wait(ci, b):
                pltpu.make_async_copy(rows_v.at[b], acc_sh.at[dst_v.at[ci]],
                                      ssem).wait()

            for b0 in range(_GDG):
                gather(b0, b0)

            def body(ci, carry):
                b = lax.rem(ci, _NB)
                gather_wait(ci, b)
                scat(ci, b)

                @pl.when(ci >= _GDS)
                def _():
                    cp = ci - _GDS
                    scat_wait(cp, lax.rem(cp, _NB))

                @pl.when(ci + _GDG < chunks)
                def _():
                    cn = ci + _GDG
                    gather(cn, lax.rem(cn, _NB))
                return carry
            lax.fori_loop(0, chunks, body, 0)
            for k in range(max(chunks - _GDS, 0), chunks):
                scat_wait(k, k % _NB)

        @pl.when(c == 0)
        def _():
            run_ring(hlo_hbm)

        @pl.when(c == 1)
        def _():
            run_ring(hhi_hbm)
        plsc.subcore_barrier()

        pltpu.sync_copy(
            acc_sh.at[pl.ds(s * rows_per_tile, rows_per_tile)],
            out_hbm.at[c, pl.ds(s * rows_per_tile, rows_per_tile)])

    return agg


def _gin_tail(t, wa_ref, ba_ref, wb_ref, bb_ref, g_ref, be_ref):
    u = jnp.maximum(
        jnp.dot(t, wa_ref[...], preferred_element_type=jnp.float32)
        + ba_ref[...], 0.0)
    v = jnp.dot(u, wb_ref[...], preferred_element_type=jnp.float32) + bb_ref[...]
    hh = jnp.maximum(v, 0.0)
    mu = jnp.mean(hh, axis=0, keepdims=True)
    var = jnp.mean((hh - mu) ** 2, axis=0, keepdims=True)
    return (hh - mu) * lax.rsqrt(var + 1e-5) * g_ref[...] + be_ref[...]


def _gin_core(h, p_ref, eps_ref, wa_ref, ba_ref, wb_ref, bb_ref, g_ref, be_ref):
    n = h.shape[0]
    t = (1.0 + eps_ref[0, 0]) * h + (p_ref[0, :n, :] + p_ref[1, :n, :])
    return _gin_tail(t, wa_ref, ba_ref, wb_ref, bb_ref, g_ref, be_ref)


def _layer_body(h_ref, p_ref, eps_ref, wa_ref, ba_ref, wb_ref, bb_ref, g_ref,
                be_ref, o_ref):
    o_ref[...] = _gin_core(h_ref[...], p_ref, eps_ref, wa_ref, ba_ref, wb_ref,
                           bb_ref, g_ref, be_ref)


def _layer1_body(h_ref, p_ref, eps_ref, wa_ref, ba_ref, wb_ref,
                 bb_ref, g_ref, be_ref, o_ref):
    hx = h_ref[...]
    n = hx.shape[0]
    p = jnp.concatenate(
        [p_ref[0, :n, :], p_ref[1, :n, :]], axis=1)
    t = (1.0 + eps_ref[0, 0]) * hx + p
    o_ref[...] = _gin_tail(t, wa_ref, ba_ref, wb_ref, bb_ref, g_ref, be_ref)


def _final_body(h_ref, p_ref, eps_ref, wa_ref, ba_ref, wb_ref, bb_ref, g_ref,
                be_ref, batch_ref, fc1w_ref, fc1b_ref, fc2w_ref, fc2b_ref,
                o_ref):
    hn = _gin_core(h_ref[...], p_ref, eps_ref, wa_ref, ba_ref, wb_ref, bb_ref,
                   g_ref, be_ref)
    n = hn.shape[0]
    g_segs = o_ref.shape[0]
    onehot = (batch_ref[...] == lax.broadcasted_iota(
        jnp.int32, (n, g_segs), 1)).astype(jnp.float32)
    sums = lax.dot_general(onehot, hn, (((0,), (0,)), ((), ())),
                           preferred_element_type=jnp.float32,
                           precision=lax.Precision.HIGHEST)
    cnt = jnp.sum(onehot, axis=0)
    pooled = sums / jnp.maximum(cnt, 1.0)[:, None]
    oo = jnp.maximum(
        jnp.dot(pooled, fc1w_ref[...], preferred_element_type=jnp.float32)
        + fc1b_ref[...], 0.0)
    o_ref[...] = jnp.dot(oo, fc2w_ref[...],
                         preferred_element_type=jnp.float32) + fc2b_ref[...]


def kernel(x, edge_index, batch, eps1, eps2, eps3, W1a, b1a, W1b, b1b,
           W2a, b2a, W2b, b2b, W3a, b3a, W3b, b3b, g1, be1, g2, be2,
           g3, be3, fc1W, fc1b, fc2W, fc2b):
    n, d = x.shape
    h = W1a.shape[1]
    e = edge_index.shape[1]
    npad = ((n + 16 + 127) // 128) * 128

    ept_raw = e // _NW
    chunks = -(-ept_raw // _CHUNK)
    pad = chunks * _CHUNK - ept_raw
    src = edge_index[0].reshape(_NW, ept_raw)
    dst = edge_index[1].reshape(_NW, ept_raw)
    if pad:
        pad_src = jnp.zeros((_NW, pad), jnp.int32)
        pad_dst = jnp.broadcast_to(
            (jnp.arange(pad, dtype=jnp.int32) % 16) + n, (_NW, pad))
        src = jnp.concatenate([src, pad_src], axis=1)
        dst = jnp.concatenate([dst, pad_dst], axis=1)
    src3 = src.reshape(_NW, chunks, _CHUNK)
    dst3 = dst.reshape(_NW, chunks, _CHUNK)

    agg_h = _make_agg(npad, h, chunks)

    ept1_raw = e // _NS
    chunks1 = -(-ept1_raw // _CHUNK)
    pad1 = chunks1 * _CHUNK - ept1_raw
    src1 = edge_index[0].reshape(_NS, ept1_raw)
    dst1 = edge_index[1].reshape(_NS, ept1_raw)
    if pad1:
        pad_src1 = jnp.zeros((_NS, pad1), jnp.int32)
        pad_dst1 = jnp.broadcast_to(
            (jnp.arange(pad1, dtype=jnp.int32) % 16) + n, (_NS, pad1))
        src1 = jnp.concatenate([src1, pad_src1], axis=1)
        dst1 = jnp.concatenate([dst1, pad_dst1], axis=1)
    src31 = src1.reshape(_NS, chunks1, _CHUNK)
    dst31 = dst1.reshape(_NS, chunks1, _CHUNK)
    agg1 = _make_agg_lohi(npad, h, chunks1)

    layer = pl.pallas_call(
        _layer_body, out_shape=jax.ShapeDtypeStruct((n, h), jnp.float32))
    layer1 = pl.pallas_call(
        _layer1_body, out_shape=jax.ShapeDtypeStruct((n, h), jnp.float32))
    g_segs = 64
    final = pl.pallas_call(
        _final_body,
        out_shape=jax.ShapeDtypeStruct((g_segs, fc2W.shape[1]), jnp.float32))

    r2 = lambda v: v.reshape(1, -1)
    e1, e2, e3 = (jnp.reshape(v, (1, 1)) for v in (eps1, eps2, eps3))

    p1 = agg1(x[:, :h], x[:, h:], src31, dst31)
    h1 = layer1(x, p1, e1, W1a, r2(b1a), W1b, r2(b1b), r2(g1), r2(be1))
    p2 = agg_h(h1, src3, dst3)
    h2 = layer(h1, p2, e2, W2a, r2(b2a), W2b, r2(b2b), r2(g2), r2(be2))
    p3 = agg_h(h2, src3, dst3)
    out = final(h2, p3, e3, W3a, r2(b3a), W3b, r2(b3b), r2(g3), r2(be3),
                batch.reshape(n, 1), fc1W, r2(fc1b), fc2W, r2(fc2b))
    return out

# --- scband reference (transcript-rebuilt; emitter-appended) ---
"""Pipeline reference for scband-gin-net-64991445123405 (READ-ONLY COPY).

The authoritative reference and input builder live on the scoring server;
editing this copy changes nothing except your own understanding.
"""

import jax, jax.numpy as jnp
import numpy as np

N = 10000
E = 320000
D = 128
H = 64
G = 64

def _init(k, fan_in, shape):
    return jax.random.normal(k, shape, dtype=jnp.float32) * (1.0 / np.sqrt(fan_in))

def setup_inputs(seed: int = 0):
    key = jax.random.key(seed)
    ks = jax.random.split(key, 16)
    inp = {}
    inp["x"] = jax.random.normal(ks[0], (N, D), dtype=jnp.float32)
    inp["edge_index"] = jax.random.randint(ks[1], (2, E), 0, N, dtype=jnp.int32)
    inp["batch"] = jnp.sort(jax.random.randint(ks[2], (N,), 0, G, dtype=jnp.int32))
    inp["eps1"] = jnp.zeros((), jnp.float32)
    inp["eps2"] = jnp.zeros((), jnp.float32)
    inp["eps3"] = jnp.zeros((), jnp.float32)
    inp["W1a"] = _init(ks[3], D, (D, H)); inp["b1a"] = jnp.zeros((H,), jnp.float32)
    inp["W1b"] = _init(ks[4], H, (H, H)); inp["b1b"] = jnp.zeros((H,), jnp.float32)
    inp["W2a"] = _init(ks[5], H, (H, H)); inp["b2a"] = jnp.zeros((H,), jnp.float32)
    inp["W2b"] = _init(ks[6], H, (H, H)); inp["b2b"] = jnp.zeros((H,), jnp.float32)
    inp["W3a"] = _init(ks[7], H, (H, H)); inp["b3a"] = jnp.zeros((H,), jnp.float32)
    inp["W3b"] = _init(ks[8], H, (H, H)); inp["b3b"] = jnp.zeros((H,), jnp.float32)
    inp["g1"] = jnp.ones((H,), jnp.float32); inp["be1"] = jnp.zeros((H,), jnp.float32)
    inp["g2"] = jnp.ones((H,), jnp.float32); inp["be2"] = jnp.zeros((H,), jnp.float32)
    inp["g3"] = jnp.ones((H,), jnp.float32); inp["be3"] = jnp.zeros((H,), jnp.float32)
    inp["fc1W"] = _init(ks[9], H, (H, 10)); inp["fc1b"] = jnp.zeros((10,), jnp.float32)
    inp["fc2W"] = _init(ks[10], 10, (10, 1)); inp["fc2b"] = jnp.zeros((1,), jnp.float32)
    return inp

def _gin(x, src, dst, eps, Wa, ba, Wb, bb):
    agg = jnp.zeros(x.shape, x.dtype).at[dst].add(x[src])
    h = (1.0 + eps) * x + agg
    h = jnp.maximum(h @ Wa + ba, 0.0)
    return h @ Wb + bb

def _bn(x, g, b):
    mu = jnp.mean(x, axis=0)
    var = jnp.var(x, axis=0)
    return (x - mu) / jnp.sqrt(var + 1e-5) * g + b

def reference(x, edge_index, batch, eps1, eps2, eps3, W1a, b1a, W1b, b1b, W2a, b2a, W2b, b2b, W3a, b3a, W3b, b3b, g1, be1, g2, be2, g3, be3, fc1W, fc1b, fc2W, fc2b):
    src, dst = edge_index[0], edge_index[1]
    h = jnp.maximum(_gin(x, src, dst, eps1, W1a, b1a, W1b, b1b), 0.0)
    h = _bn(h, g1, be1)
    h = jnp.maximum(_gin(h, src, dst, eps2, W2a, b2a, W2b, b2b), 0.0)
    h = _bn(h, g2, be2)
    h = jnp.maximum(_gin(h, src, dst, eps3, W3a, b3a, W3b, b3b), 0.0)
    h = _bn(h, g3, be3)
    sums = jax.ops.segment_sum(h, batch, num_segments=G)
    cnt = jnp.maximum(jax.ops.segment_sum(jnp.ones((h.shape[0],), h.dtype), batch, num_segments=G), 1.0)
    pooled = sums / cnt[:, None]
    o = jnp.maximum(pooled @ fc1W + fc1b, 0.0)
    return o @ fc2W + fc2b

if __name__ == "__main__":
    import jax
    _d = setup_inputs()
    print(jax.jit(kernel)(*tuple(_d.values())))

</pallas_src>

<mosaic_0001>
#map = affine_map<(d0, d1) -> (0, 0)>
#map1 = affine_map<(d0, d1) -> (0, 0, 0)>
module attributes {stable_mosaic.version = 14 : i64} {
  func.func @agg(%arg0: i32, %arg1: i32, %arg2: memref<10000x64xf32, #tpu.memory_space<hbm>>, %arg3: memref<10000x64xf32, #tpu.memory_space<hbm>>, %arg4: memref<16x157x128xi32, #tpu.memory_space<hbm>>, %arg5: memref<16x157x128xi32, #tpu.memory_space<hbm>>, %arg6: memref<2x10112x64xf32, #tpu.memory_space<hbm>>, %arg7: memref<157x128xi32, #tpu.memory_space<vmem>>, %arg8: memref<157x128xi32, #tpu.memory_space<vmem>>, %arg9: memref<6x128x64xf32, #tpu.memory_space<vmem>>, %arg10: memref<10112x64xf32, #tpu.memory_space<vmem_shared>>, %arg11: memref<!tpu.dma_semaphore, #tpu.memory_space<semaphore_mem>>, %arg12: memref<!tpu.dma_semaphore, #tpu.memory_space<semaphore_mem>>, %arg13: memref<!tpu.dma_semaphore, #tpu.memory_space<semaphore_mem>>) attributes {dimension_semantics = [#tpu.dimension_semantics<core_parallel>, #tpu.dimension_semantics<subcore_parallel>], iteration_bounds = array<i64: 2, 16>, scalar_prefetch = 0 : i64, scratch_operands = 7 : i64, tpu.core_type = #tpu.core_type<sc_vector_subcore>, window_params = [{transform_indices = #map}, {transform_indices = #map}, {transform_indices = #map1}, {transform_indices = #map1}, {transform_indices = #map1}]} {
    %dma_start3A = arith.constant 0 : i32
    %dma_start3A_0 = arith.constant 0 : i32
    %dma_start3A_1 = tpu.memref_slice %arg4[%arg1, %dma_start3A, %dma_start3A_0] : memref<16x157x128xi32, #tpu.memory_space<hbm>> -> memref<1x157x128xi32, #tpu.memory_space<hbm>>
    %dma_start3A_2 = tpu.memref_squeeze %dma_start3A_1 : memref<1x157x128xi32, #tpu.memory_space<hbm>> -> memref<157x128xi32, #tpu.memory_space<hbm>>
    %dma_start3A_3 = arith.constant 0 : i32
    %dma_start3A_4 = arith.constant 0 : i32
    %dma_start3A_5 = tpu.memref_slice %arg4[%arg1, %dma_start3A_3, %dma_start3A_4] : memref<16x157x128xi32, #tpu.memory_space<hbm>> -> memref<1x157x128xi32, #tpu.memory_space<hbm>>
    %dma_start3A_6 = tpu.memref_squeeze %dma_start3A_5 : memref<1x157x128xi32, #tpu.memory_space<hbm>> -> memref<157x128xi32, #tpu.memory_space<hbm>>
    tpu.enqueue_dma source(%dma_start3A_6 : memref<157x128xi32, #tpu.memory_space<hbm>>) target(%arg7 : memref<157x128xi32, #tpu.memory_space<vmem>>) target_semaphore(%arg13 : memref<!tpu.dma_semaphore, #tpu.memory_space<semaphore_mem>>)
    %dma_start3A_7 = arith.constant 0 : i32
    %dma_start3A_8 = arith.constant 0 : i32
    %dma_start3A_9 = tpu.memref_slice %arg5[%arg1, %dma_start3A_7, %dma_start3A_8] : memref<16x157x128xi32, #tpu.memory_space<hbm>> -> memref<1x157x128xi32, #tpu.memory_space<hbm>>
    %dma_start3A_10 = tpu.memref_squeeze %dma_start3A_9 : memref<1x157x128xi32, #tpu.memory_space<hbm>> -> memref<157x128xi32, #tpu.memory_space<hbm>>
    %dma_start3A_11 = arith.constant 0 : i32
    %dma_start3A_12 = arith.constant 0 : i32
    %dma_start3A_13 = tpu.memref_slice %arg5[%arg1, %dma_start3A_11, %dma_start3A_12] : memref<16x157x128xi32, #tpu.memory_space<hbm>> -> memref<1x157x128xi32, #tpu.memory_space<hbm>>
    %dma_start3A_14 = tpu.memref_squeeze %dma_start3A_13 : memref<1x157x128xi32, #tpu.memory_space<hbm>> -> memref<157x128xi32, #tpu.memory_space<hbm>>
    tpu.enqueue_dma source(%dma_start3A_14 : memref<157x128xi32, #tpu.memory_space<hbm>>) target(%arg8 : memref<157x128xi32, #tpu.memory_space<vmem>>) target_semaphore(%arg13 : memref<!tpu.dma_semaphore, #tpu.memory_space<semaphore_mem>>)
    %scan3A = arith.constant 0 : i32
    %scan3A_15 = arith.constant 0 : i32
    %scan3A_16 = arith.constant 128 : i32
    %scan3A_17 = arith.addi %scan3A_15, %scan3A_16 : i32
    %scan3A_18 = arith.constant 1 : i32
    scf.for %scan3A_69 = %scan3A_15 to %scan3A_17 step %scan3A_18  : i32 {
      %broadcast_in_dim3A = arith.constant 0.000000e+00 : f32
      %broadcast_in_dim3A_70 = vector.broadcast %broadcast_in_dim3A : f32 to vector<16xf32>
      %swap3A = arith.constant 0 : i32
      %swap3A_71 = arith.index_cast %swap3A : i32 to index
      %swap3A_72 = arith.index_cast %scan3A_69 : i32 to index
      %swap3A_73 = arith.constant 0 : index
      %swap3A_74 = tpu.vector_load %arg9[%swap3A_71, %swap3A_72, %swap3A_73] {strides = array<i32>} : memref<6x128x64xf32, #tpu.memory_space<vmem>>, vector<1x1x16xf32>,
      %swap3A_75 = vector.shape_cast %swap3A_74 : vector<1x1x16xf32> to vector<16xf32>
      %swap3A_76 = vector.shape_cast %broadcast_in_dim3A_70 : vector<16xf32> to vector<1x1x16xf32>
      tpu.vector_store %arg9[%swap3A_71, %swap3A_72, %swap3A_73], %swap3A_76 {strides = array<i32>} : memref<6x128x64xf32, #tpu.memory_space<vmem>>, vector<1x1x16xf32>,
      %broadcast_in_dim3A_77 = arith.constant 0.000000e+00 : f32
      %broadcast_in_dim3A_78 = vector.broadcast %broadcast_in_dim3A_77 : f32 to vector<16xf32>
      %swap3A_79 = arith.constant 0 : i32
      %swap3A_80 = arith.index_cast %swap3A_79 : i32 to index
      %swap3A_81 = arith.index_cast %scan3A_69 : i32 to index
      %swap3A_82 = arith.constant 16 : index
      %swap3A_83 = tpu.vector_load %arg9[%swap3A_80, %swap3A_81, %swap3A_82] {strides = array<i32>} : memref<6x128x64xf32, #tpu.memory_space<vmem>>, vector<1x1x16xf32>,
      %swap3A_84 = vector.shape_cast %swap3A_83 : vector<1x1x16xf32> to vector<16xf32>
      %swap3A_85 = vector.shape_cast %broadcast_in_dim3A_78 : vector<16xf32> to vector<1x1x16xf32>
      tpu.vector_store %arg9[%swap3A_80, %swap3A_81, %swap3A_82], %swap3A_85 {strides = array<i32>} : memref<6x128x64xf32, #tpu.memory_space<vmem>>, vector<1x1x16xf32>,
      %broadcast_in_dim3A_86 = arith.constant 0.000000e+00 : f32
      %broadcast_in_dim3A_87 = vector.broadcast %broadcast_in_dim3A_86 : f32 to vector<16xf32>
      %swap3A_88 = arith.constant 0 : i32
      %swap3A_89 = arith.index_cast %swap3A_88 : i32 to index
      %swap3A_90 = arith.index_cast %scan3A_69 : i32 to index
      %swap3A_91 = arith.constant 32 : index
      %swap3A_92 = tpu.vector_load %arg9[%swap3A_89, %swap3A_90, %swap3A_91] {strides = array<i32>} : memref<6x128x64xf32, #tpu.memory_space<vmem>>, vector<1x1x16xf32>,
      %swap3A_93 = vector.shape_cast %swap3A_92 : vector<1x1x16xf32> to vector<16xf32>
      %swap3A_94 = vector.shape_cast %broadcast_in_dim3A_87 : vector<16xf32> to vector<1x1x16xf32>
      tpu.vector_store %arg9[%swap3A_89, %swap3A_90, %swap3A_91], %swap3A_94 {strides = array<i32>} : memref<6x128x64xf32, #tpu.memory_space<vmem>>, vector<1x1x16xf32>,
      %broadcast_in_dim3A_95 = arith.constant 0.000000e+00 : f32
      %broadcast_in_dim3A_96 = vector.broadcast %broadcast_in_dim3A_95 : f32 to vector<16xf32>
      %swap3A_97 = arith.constant 0 : i32
      %swap3A_98 = arith.index_cast %swap3A_97 : i32 to index
      %swap3A_99 = arith.index_cast %scan3A_69 : i32 to index
      %swap3A_100 = arith.constant 48 : index
      %swap3A_101 = tpu.vector_load %arg9[%swap3A_98, %swap3A_99, %swap3A_100] {strides = array<i32>} : memref<6x128x64xf32, #tpu.memory_space<vmem>>, vector<1x1x16xf32>,
      %swap3A_102 = vector.shape_cast %swap3A_101 : vector<1x1x16xf32> to vector<16xf32>
      %swap3A_103 = vector.shape_cast %broadcast_in_dim3A_96 : vector<16xf32> to vector<1x1x16xf32>
      tpu.vector_store %arg9[%swap3A_98, %swap3A_99, %swap3A_100], %swap3A_103 {strides = array<i32>} : memref<6x128x64xf32, #tpu.memory_space<vmem>>, vector<1x1x16xf32>,
    }
    %scan3A_19 = arith.constant 128 : i32
    %mul3A = arith.constant 632 : i32
    %mul3A_20 = arith.muli %arg1, %mul3A : i32
    %add3A = arith.constant 0 : i32
    %add3A_21 = arith.addi %mul3A_20, %add3A : i32
    %run_scoped3A = arith.constant 0 : i32
    "tpu.region"() ({
      %run_scoped3A_69 = tpu.sem_alloc : memref<!tpu.dma_semaphore, #tpu.memory_space<semaphore_mem>>
      %dma_start3A_70 = arith.constant 0 : i32
      %dma_start3A_71 = arith.constant 0 : i32
      %dma_start3A_72 = tpu.memref_slice %arg9[%run_scoped3A, %dma_start3A_70, %dma_start3A_71] : memref<6x128x64xf32, #tpu.memory_space<vmem>> -> memref<1x128x64xf32, #tpu.memory_space<vmem>>
      %dma_start3A_73 = tpu.memref_squeeze %dma_start3A_72 : memref<1x128x64xf32, #tpu.memory_space<vmem>> -> memref<128x64xf32, #tpu.memory_space<vmem>>
      %dma_start3A_74 = arith.constant 0 : i32
      %dma_start3A_75 = tpu.memref_slice %arg10[%add3A_21, %dma_start3A_74] : memref<10112x64xf32, #tpu.memory_space<vmem_shared>> -> memref<128x64xf32, #tpu.memory_space<vmem_shared>>
      %dma_start3A_76 = arith.constant 0 : i32
      %dma_start3A_77 = tpu.memref_slice %arg10[%add3A_21, %dma_start3A_76] : memref<10112x64xf32, #tpu.memory_space<vmem_shared>> -> memref<128x64xf32, #tpu.memory_space<vmem_shared>>
      %dma_start3A_78 = arith.constant 0 : i32
      %dma_start3A_79 = arith.constant 0 : i32
      %dma_start3A_80 = tpu.memref_slice %arg9[%run_scoped3A, %dma_start3A_78, %dma_start3A_79] : memref<6x128x64xf32, #tpu.memory_space<vmem>> -> memref<1x128x64xf32, #tpu.memory_space<vmem>>
      %dma_start3A_81 = tpu.memref_squeeze %dma_start3A_80 : memref<1x128x64xf32, #tpu.memory_space<vmem>> -> memref<128x64xf32, #tpu.memory_space<vmem>>
      tpu.enqueue_dma source(%dma_start3A_81 : memref<128x64xf32, #tpu.memory_space<vmem>>) target(%dma_start3A_77 : memref<128x64xf32, #tpu.memory_space<vmem_shared>>) target_semaphore(%run_scoped3A_69 : memref<!tpu.dma_semaphore, #tpu.memory_space<semaphore_mem>>)
      %dma_wait3A_82 = arith.constant 0 : i32
      %dma_wait3A_83 = arith.constant 0 : i32
      %dma_wait3A_84 = tpu.memref_slice %arg9[%run_scoped3A, %dma_wait3A_82, %dma_wait3A_83] : memref<6x128x64xf32, #tpu.memory_space<vmem>> -> memref<1x128x64xf32, #tpu.memory_space<vmem>>
      %dma_wait3A_85 = tpu.memref_squeeze %dma_wait3A_84 : memref<1x128x64xf32, #tpu.memory_space<vmem>> -> memref<128x64xf32, #tpu.memory_space<vmem>>
      %dma_wait3A_86 = arith.constant 0 : i32
      %dma_wait3A_87 = tpu.memref_slice %arg10[%add3A_21, %dma_wait3A_86] : memref<10112x64xf32, #tpu.memory_space<vmem_shared>> -> memref<128x64xf32, #tpu.memory_space<vmem_shared>>
      %dma_wait3A_88 = arith.constant 0 : i32
      %dma_wait3A_89 = tpu.memref_slice %arg10[%add3A_21, %dma_wait3A_88] : memref<10112x64xf32, #tpu.memory_space<vmem_shared>> -> memref<128x64xf32, #tpu.memory_space<vmem_shared>>
      %dma_wait3A_90 = arith.constant 0 : i32
      %dma_wait3A_91 = arith.constant 0 : i32
      %dma_wait3A_92 = tpu.memref_slice %arg9[%run_scoped3A, %dma_wait3A_90, %dma_wait3A_91] : memref<6x128x64xf32, #tpu.memory_space<vmem>> -> memref<1x128x64xf32, #tpu.memory_space<vmem>>
      %dma_wait3A_93 = tpu.memref_squeeze %dma_wait3A_92 : memref<1x128x64xf32, #tpu.memory_space<vmem>> -> memref<128x64xf32, #tpu.memory_space<vmem>>
      tpu.wait_dma2 semaphore(%run_scoped3A_69 : memref<!tpu.dma_semaphore, #tpu.memory_space<semaphore_mem>>) src(%dma_wait3A_93 : memref<128x64xf32, #tpu.memory_space<vmem>>) dst(%dma_wait3A_89 : memref<128x64xf32, #tpu.memory_space<vmem_shared>>)
      tpu.yield
    }) : () -> ()
    %mul3A_22 = arith.constant 632 : i32
    %mul3A_23 = arith.muli %arg1, %mul3A_22 : i32
    %add3A_24 = arith.constant 128 : i32
    %add3A_25 = arith.addi %mul3A_23, %add3A_24 : i32
    %run_scoped3A_26 = arith.constant 0 : i32
    "tpu.region"() ({
      %run_scoped3A_69 = tpu.sem_alloc : memref<!tpu.dma_semaphore, #tpu.memory_space<semaphore_mem>>
      %dma_start3A_70 = arith.constant 0 : i32
      %dma_start3A_71 = arith.constant 0 : i32
      %dma_start3A_72 = tpu.memref_slice %arg9[%run_scoped3A_26, %dma_start3A_70, %dma_start3A_71] : memref<6x128x64xf32, #tpu.memory_space<vmem>> -> memref<1x128x64xf32, #tpu.memory_space<vmem>>
      %dma_start3A_73 = tpu.memref_squeeze %dma_start3A_72 : memref<1x128x64xf32, #tpu.memory_space<vmem>> -> memref<128x64xf32, #tpu.memory_space<vmem>>
      %dma_start3A_74 = arith.constant 0 : i32
      %dma_start3A_75 = tpu.memref_slice %arg10[%add3A_25, %dma_start3A_74] : memref<10112x64xf32, #tpu.memory_space<vmem_shared>> -> memref<128x64xf32, #tpu.memory_space<vmem_shared>>
      %dma_start3A_76 = arith.constant 0 : i32
      %dma_start3A_77 = tpu.memref_slice %arg10[%add3A_25, %dma_start3A_76] : memref<10112x64xf32, #tpu.memory_space<vmem_shared>> -> memref<128x64xf32, #tpu.memory_space<vmem_shared>>
      %dma_start3A_78 = arith.constant 0 : i32
      %dma_start3A_79 = arith.constant 0 : i32
      %dma_start3A_80 = tpu.memref_slice %arg9[%run_scoped3A_26, %dma_start3A_78, %dma_start3A_79] : memref<6x128x64xf32, #tpu.memory_space<vmem>> -> memref<1x128x64xf32, #tpu.memory_space<vmem>>
      %dma_start3A_81 = tpu.memref_squeeze %dma_start3A_80 : memref<1x128x64xf32, #tpu.memory_space<vmem>> -> memref<128x64xf32, #tpu.memory_space<vmem>>
      tpu.enqueue_dma source(%dma_start3A_81 : memref<128x64xf32, #tpu.memory_space<vmem>>) target(%dma_start3A_77 : memref<128x64xf32, #tpu.memory_space<vmem_shared>>) target_semaphore(%run_scoped3A_69 : memref<!tpu.dma_semaphore, #tpu.memory_space<semaphore_mem>>)
      %dma_wait3A_82 = arith.constant 0 : i32
      %dma_wait3A_83 = arith.constant 0 : i32
      %dma_wait3A_84 = tpu.memref_slice %arg9[%run_scoped3A_26, %dma_wait3A_82, %dma_wait3A_83] : memref<6x128x64xf32, #tpu.memory_space<vmem>> -> memref<1x128x64xf32, #tpu.memory_space<vmem>>
      %dma_wait3A_85 = tpu.memref_squeeze %dma_wait3A_84 : memref<1x128x64xf32, #tpu.memory_space<vmem>> -> memref<128x64xf32, #tpu.memory_space<vmem>>
      %dma_wait3A_86 = arith.constant 0 : i32
      %dma_wait3A_87 = tpu.memref_slice %arg10[%add3A_25, %dma_wait3A_86] : memref<10112x64xf32, #tpu.memory_space<vmem_shared>> -> memref<128x64xf32, #tpu.memory_space<vmem_shared>>
      %dma_wait3A_88 = arith.constant 0 : i32
      %dma_wait3A_89 = tpu.memref_slice %arg10[%add3A_25, %dma_wait3A_88] : memref<10112x64xf32, #tpu.memory_space<vmem_shared>> -> memref<128x64xf32, #tpu.memory_space<vmem_shared>>
      %dma_wait3A_90 = arith.constant 0 : i32
      %dma_wait3A_91 = arith.constant 0 : i32
      %dma_wait3A_92 = tpu.memref_slice %arg9[%run_scoped3A_26, %dma_wait3A_90, %dma_wait3A_91] : memref<6x128x64xf32, #tpu.memory_space<vmem>> -> memref<1x128x64xf32, #tpu.memory_space<vmem>>
      %dma_wait3A_93 = tpu.memref_squeeze %dma_wait3A_92 : memref<1x128x64xf32, #tpu.memory_space<vmem>> -> memref<128x64xf32, #tpu.memory_space<vmem>>
      tpu.wait_dma2 semaphore(%run_scoped3A_69 : memref<!tpu.dma_semaphore, #tpu.memory_space<semaphore_mem>>) src(%dma_wait3A_93 : memref<128x64xf32, #tpu.memory_space<vmem>>) dst(%dma_wait3A_89 : memref<128x64xf32, #tpu.memory_space<vmem_shared>>)
      tpu.yield
    }) : () -> ()
    %mul3A_27 = arith.constant 632 : i32
    %mul3A_28 = arith.muli %arg1, %mul3A_27 : i32
    %add3A_29 = arith.constant 256 : i32
    %add3A_30 = arith.addi %mul3A_28, %add3A_29 : i32
    %run_scoped3A_31 = arith.constant 0 : i32
    "tpu.region"() ({
      %run_scoped3A_69 = tpu.sem_alloc : memref<!tpu.dma_semaphore, #tpu.memory_space<semaphore_mem>>
      %dma_start3A_70 = arith.constant 0 : i32
      %dma_start3A_71 = arith.constant 0 : i32
      %dma_start3A_72 = tpu.memref_slice %arg9[%run_scoped3A_31, %dma_start3A_70, %dma_start3A_71] : memref<6x128x64xf32, #tpu.memory_space<vmem>> -> memref<1x128x64xf32, #tpu.memory_space<vmem>>
      %dma_start3A_73 = tpu.memref_squeeze %dma_start3A_72 : memref<1x128x64xf32, #tpu.memory_space<vmem>> -> memref<128x64xf32, #tpu.memory_space<vmem>>
      %dma_start3A_74 = arith.constant 0 : i32
      %dma_start3A_75 = tpu.memref_slice %arg10[%add3A_30, %dma_start3A_74] : memref<10112x64xf32, #tpu.memory_space<vmem_shared>> -> memref<128x64xf32, #tpu.memory_space<vmem_shared>>
      %dma_start3A_76 = arith.constant 0 : i32
      %dma_start3A_77 = tpu.memref_slice %arg10[%add3A_30, %dma_start3A_76] : memref<10112x64xf32, #tpu.memory_space<vmem_shared>> -> memref<128x64xf32, #tpu.memory_space<vmem_shared>>
      %dma_start3A_78 = arith.constant 0 : i32
      %dma_start3A_79 = arith.constant 0 : i32
      %dma_start3A_80 = tpu.memref_slice %arg9[%run_scoped3A_31, %dma_start3A_78, %dma_start3A_79] : memref<6x128x64xf32, #tpu.memory_space<vmem>> -> memref<1x128x64xf32, #tpu.memory_space<vmem>>
      %dma_start3A_81 = tpu.memref_squeeze %dma_start3A_80 : memref<1x128x64xf32, #tpu.memory_space<vmem>> -> memref<128x64xf32, #tpu.memory_space<vmem>>
      tpu.enqueue_dma source(%dma_start3A_81 : memref<128x64xf32, #tpu.memory_space<vmem>>) target(%dma_start3A_77 : memref<128x64xf32, #tpu.memory_space<vmem_shared>>) target_semaphore(%run_scoped3A_69 : memref<!tpu.dma_semaphore, #tpu.memory_space<semaphore_mem>>)
      %dma_wait3A_82 = arith.constant 0 : i32
      %dma_wait3A_83 = arith.constant 0 : i32
      %dma_wait3A_84 = tpu.memref_slice %arg9[%run_scoped3A_31, %dma_wait3A_82, %dma_wait3A_83] : memref<6x128x64xf32, #tpu.memory_space<vmem>> -> memref<1x128x64xf32, #tpu.memory_space<vmem>>
      %dma_wait3A_85 = tpu.memref_squeeze %dma_wait3A_84 : memref<1x128x64xf32, #tpu.memory_space<vmem>> -> memref<128x64xf32, #tpu.memory_space<vmem>>
      %dma_wait3A_86 = arith.constant 0 : i32
      %dma_wait3A_87 = tpu.memref_slice %arg10[%add3A_30, %dma_wait3A_86] : memref<10112x64xf32, #tpu.memory_space<vmem_shared>> -> memref<128x64xf32, #tpu.memory_space<vmem_shared>>
      %dma_wait3A_88 = arith.constant 0 : i32
      %dma_wait3A_89 = tpu.memref_slice %arg10[%add3A_30, %dma_wait3A_88] : memref<10112x64xf32, #tpu.memory_space<vmem_shared>> -> memref<128x64xf32, #tpu.memory_space<vmem_shared>>
      %dma_wait3A_90 = arith.constant 0 : i32
      %dma_wait3A_91 = arith.constant 0 : i32
      %dma_wait3A_92 = tpu.memref_slice %arg9[%run_scoped3A_31, %dma_wait3A_90, %dma_wait3A_91] : memref<6x128x64xf32, #tpu.memory_space<vmem>> -> memref<1x128x64xf32, #tpu.memory_space<vmem>>
      %dma_wait3A_93 = tpu.memref_squeeze %dma_wait3A_92 : memref<1x128x64xf32, #tpu.memory_space<vmem>> -> memref<128x64xf32, #tpu.memory_space<vmem>>
      tpu.wait_dma2 semaphore(%run_scoped3A_69 : memref<!tpu.dma_semaphore, #tpu.memory_space<semaphore_mem>>) src(%dma_wait3A_93 : memref<128x64xf32, #tpu.memory_space<vmem>>) dst(%dma_wait3A_89 : memref<128x64xf32, #tpu.memory_space<vmem_shared>>)
      tpu.yield
    }) : () -> ()
    %mul3A_32 = arith.constant 632 : i32
    %mul3A_33 = arith.muli %arg1, %mul3A_32 : i32
    %add3A_34 = arith.constant 384 : i32
    %add3A_35 = arith.addi %mul3A_33, %add3A_34 : i32
    %run_scoped3A_36 = arith.constant 0 : i32
    "tpu.region"() ({
      %run_scoped3A_69 = tpu.sem_alloc : memref<!tpu.dma_semaphore, #tpu.memory_space<semaphore_mem>>
      %dma_start3A_70 = arith.constant 0 : i32
      %dma_start3A_71 = arith.constant 0 : i32
      %dma_start3A_72 = tpu.memref_slice %arg9[%run_scoped3A_36, %dma_start3A_70, %dma_start3A_71] : memref<6x128x64xf32, #tpu.memory_space<vmem>> -> memref<1x128x64xf32, #tpu.memory_space<vmem>>
      %dma_start3A_73 = tpu.memref_squeeze %dma_start3A_72 : memref<1x128x64xf32, #tpu.memory_space<vmem>> -> memref<128x64xf32, #tpu.memory_space<vmem>>
      %dma_start3A_74 = arith.constant 0 : i32
      %dma_start3A_75 = tpu.memref_slice %arg10[%add3A_35, %dma_start3A_74] : memref<10112x64xf32, #tpu.memory_space<vmem_shared>> -> memref<128x64xf32, #tpu.memory_space<vmem_shared>>
      %dma_start3A_76 = arith.constant 0 : i32
      %dma_start3A_77 = tpu.memref_slice %arg10[%add3A_35, %dma_start3A_76] : memref<10112x64xf32, #tpu.memory_space<vmem_shared>> -> memref<128x64xf32, #tpu.memory_space<vmem_shared>>
      %dma_start3A_78 = arith.constant 0 : i32
      %dma_start3A_79 = arith.constant 0 : i32
      %dma_start3A_80 = tpu.memref_slice %arg9[%run_scoped3A_36, %dma_start3A_78, %dma_start3A_79] : memref<6x128x64xf32, #tpu.memory_space<vmem>> -> memref<1x128x64xf32, #tpu.memory_space<vmem>>
      %dma_start3A_81 = tpu.memref_squeeze %dma_start3A_80 : memref<1x128x64xf32, #tpu.memory_space<vmem>> -> memref<128x64xf32, #tpu.memory_space<vmem>>
      tpu.enqueue_dma source(%dma_start3A_81 : memref<128x64xf32, #tpu.memory_space<vmem>>) target(%dma_start3A_77 : memref<128x64xf32, #tpu.memory_space<vmem_shared>>) target_semaphore(%run_scoped3A_69 : memref<!tpu.dma_semaphore, #tpu.memory_space<semaphore_mem>>)
      %dma_wait3A_82 = arith.constant 0 : i32
      %dma_wait3A_83 = arith.constant 0 : i32
      %dma_wait3A_84 = tpu.memref_slice %arg9[%run_scoped3A_36, %dma_wait3A_82, %dma_wait3A_83] : memref<6x128x64xf32, #tpu.memory_space<vmem>> -> memref<1x128x64xf32, #tpu.memory_space<vmem>>
      %dma_wait3A_85 = tpu.memref_squeeze %dma_wait3A_84 : memref<1x128x64xf32, #tpu.memory_space<vmem>> -> memref<128x64xf32, #tpu.memory_space<vmem>>
      %dma_wait3A_86 = arith.constant 0 : i32
      %dma_wait3A_87 = tpu.memref_slice %arg10[%add3A_35, %dma_wait3A_86] : memref<10112x64xf32, #tpu.memory_space<vmem_shared>> -> memref<128x64xf32, #tpu.memory_space<vmem_shared>>
      %dma_wait3A_88 = arith.constant 0 : i32
      %dma_wait3A_89 = tpu.memref_slice %arg10[%add3A_35, %dma_wait3A_88] : memref<10112x64xf32, #tpu.memory_space<vmem_shared>> -> memref<128x64xf32, #tpu.memory_space<vmem_shared>>
      %dma_wait3A_90 = arith.constant 0 : i32
      %dma_wait3A_91 = arith.constant 0 : i32
      %dma_wait3A_92 = tpu.memref_slice %arg9[%run_scoped3A_36, %dma_wait3A_90, %dma_wait3A_91] : memref<6x128x64xf32, #tpu.memory_space<vmem>> -> memref<1x128x64xf32, #tpu.memory_space<vmem>>
      %dma_wait3A_93 = tpu.memref_squeeze %dma_wait3A_92 : memref<1x128x64xf32, #tpu.memory_space<vmem>> -> memref<128x64xf32, #tpu.memory_space<vmem>>
      tpu.wait_dma2 semaphore(%run_scoped3A_69 : memref<!tpu.dma_semaphore, #tpu.memory_space<semaphore_mem>>) src(%dma_wait3A_93 : memref<128x64xf32, #tpu.memory_space<vmem>>) dst(%dma_wait3A_89 : memref<128x64xf32, #tpu.memory_space<vmem_shared>>)
      tpu.yield
    }) : () -> ()
    %mul3A_37 = arith.constant 632 : i32
    %mul3A_38 = arith.muli %arg1, %mul3A_37 : i32
    %add3A_39 = arith.constant 512 : i32
    %add3A_40 = arith.addi %mul3A_38, %add3A_39 : i32
    %run_scoped3A_41 = arith.constant 0 : i32
    "tpu.region"() ({
      %run_scoped3A_69 = tpu.sem_alloc : memref<!tpu.dma_semaphore, #tpu.memory_space<semaphore_mem>>
      %dma_start3A_70 = arith.constant 0 : i32
      %dma_start3A_71 = arith.constant 0 : i32
      %dma_start3A_72 = tpu.memref_slice %arg9[%run_scoped3A_41, %dma_start3A_70, %dma_start3A_71] : memref<6x128x64xf32, #tpu.memory_space<vmem>> -> memref<1x120x64xf32, #tpu.memory_space<vmem>>
      %dma_start3A_73 = tpu.memref_squeeze %dma_start3A_72 : memref<1x120x64xf32, #tpu.memory_space<vmem>> -> memref<120x64xf32, #tpu.memory_space<vmem>>
      %dma_start3A_74 = arith.constant 0 : i32
      %dma_start3A_75 = tpu.memref_slice %arg10[%add3A_40, %dma_start3A_74] : memref<10112x64xf32, #tpu.memory_space<vmem_shared>> -> memref<120x64xf32, #tpu.memory_space<vmem_shared>>
      %dma_start3A_76 = arith.constant 0 : i32
      %dma_start3A_77 = tpu.memref_slice %arg10[%add3A_40, %dma_start3A_76] : memref<10112x64xf32, #tpu.memory_space<vmem_shared>> -> memref<120x64xf32, #tpu.memory_space<vmem_shared>>
      %dma_start3A_78 = arith.constant 0 : i32
      %dma_start3A_79 = arith.constant 0 : i32
      %dma_start3A_80 = tpu.memref_slice %arg9[%run_scoped3A_41, %dma_start3A_78, %dma_start3A_79] : memref<6x128x64xf32, #tpu.memory_space<vmem>> -> memref<1x120x64xf32, #tpu.memory_space<vmem>>
      %dma_start3A_81 = tpu.memref_squeeze %dma_start3A_80 : memref<1x120x64xf32, #tpu.memory_space<vmem>> -> memref<120x64xf32, #tpu.memory_space<vmem>>
      tpu.enqueue_dma source(%dma_start3A_81 : memref<120x64xf32, #tpu.memory_space<vmem>>) target(%dma_start3A_77 : memref<120x64xf32, #tpu.memory_space<vmem_shared>>) target_semaphore(%run_scoped3A_69 : memref<!tpu.dma_semaphore, #tpu.memory_space<semaphore_mem>>)
      %dma_wait3A_82 = arith.constant 0 : i32
      %dma_wait3A_83 = arith.constant 0 : i32
      %dma_wait3A_84 = tpu.memref_slice %arg9[%run_scoped3A_41, %dma_wait3A_82, %dma_wait3A_83] : memref<6x128x64xf32, #tpu.memory_space<vmem>> -> memref<1x120x64xf32, #tpu.memory_space<vmem>>
      %dma_wait3A_85 = tpu.memref_squeeze %dma_wait3A_84 : memref<1x120x64xf32, #tpu.memory_space<vmem>> -> memref<120x64xf32, #tpu.memory_space<vmem>>
      %dma_wait3A_86 = arith.constant 0 : i32
      %dma_wait3A_87 = tpu.memref_slice %arg10[%add3A_40, %dma_wait3A_86] : memref<10112x64xf32, #tpu.memory_space<vmem_shared>> -> memref<120x64xf32, #tpu.memory_space<vmem_shared>>
      %dma_wait3A_88 = arith.constant 0 : i32
      %dma_wait3A_89 = tpu.memref_slice %arg10[%add3A_40, %dma_wait3A_88] : memref<10112x64xf32, #tpu.memory_space<vmem_shared>> -> memref<120x64xf32, #tpu.memory_space<vmem_shared>>
      %dma_wait3A_90 = arith.constant 0 : i32
      %dma_wait3A_91 = arith.constant 0 : i32
      %dma_wait3A_92 = tpu.memref_slice %arg9[%run_scoped3A_41, %dma_wait3A_90, %dma_wait3A_91] : memref<6x128x64xf32, #tpu.memory_space<vmem>> -> memref<1x120x64xf32, #tpu.memory_space<vmem>>
      %dma_wait3A_93 = tpu.memref_squeeze %dma_wait3A_92 : memref<1x120x64xf32, #tpu.memory_space<vmem>> -> memref<120x64xf32, #tpu.memory_space<vmem>>
      tpu.wait_dma2 semaphore(%run_scoped3A_69 : memref<!tpu.dma_semaphore, #tpu.memory_space<semaphore_mem>>) src(%dma_wait3A_93 : memref<120x64xf32, #tpu.memory_space<vmem>>) dst(%dma_wait3A_89 : memref<120x64xf32, #tpu.memory_space<vmem_shared>>)
      tpu.yield
    }) : () -> ()
    %dma_wait3A = arith.constant 0 : i32
    %dma_wait3A_42 = arith.constant 0 : i32
    %dma_wait3A_43 = tpu.memref_slice %arg4[%arg1, %dma_wait3A, %dma_wait3A_42] : memref<16x157x128xi32, #tpu.memory_space<hbm>> -> memref<1x157x128xi32, #tpu.memory_space<hbm>>
    %dma_wait3A_44 = tpu.memref_squeeze %dma_wait3A_43 : memref<1x157x128xi32, #tpu.memory_space<hbm>> -> memref<157x128xi32, #tpu.memory_space<hbm>>
    %dma_wait3A_45 = arith.constant 0 : i32
    %dma_wait3A_46 = arith.constant 0 : i32
    %dma_wait3A_47 = tpu.memref_slice %arg4[%arg1, %dma_wait3A_45, %dma_wait3A_46] : memref<16x157x128xi32, #tpu.memory_space<hbm>> -> memref<1x157x128xi32, #tpu.memory_space<hbm>>
    %dma_wait3A_48 = tpu.memref_squeeze %dma_wait3A_47 : memref<1x157x128xi32, #tpu.memory_space<hbm>> -> memref<157x128xi32, #tpu.memory_space<hbm>>
    tpu.wait_dma2 semaphore(%arg13 : memref<!tpu.dma_semaphore, #tpu.memory_space<semaphore_mem>>) src(%dma_wait3A_48 : memref<157x128xi32, #tpu.memory_space<hbm>>) dst(%arg7 : memref<157x128xi32, #tpu.memory_space<vmem>>)
    %dma_wait3A_49 = arith.constant 0 : i32
    %dma_wait3A_50 = arith.constant 0 : i32
    %dma_wait3A_51 = tpu.memref_slice %arg5[%arg1, %dma_wait3A_49, %dma_wait3A_50] : memref<16x157x128xi32, #tpu.memory_space<hbm>> -> memref<1x157x128xi32, #tpu.memory_space<hbm>>
    %dma_wait3A_52 = tpu.memref_squeeze %dma_wait3A_51 : memref<1x157x128xi32, #tpu.memory_space<hbm>> -> memref<157x128xi32, #tpu.memory_space<hbm>>
    %dma_wait3A_53 = arith.constant 0 : i32
    %dma_wait3A_54 = arith.constant 0 : i32
    %dma_wait3A_55 = tpu.memref_slice %arg5[%arg1, %dma_wait3A_53, %dma_wait3A_54] : memref<16x157x128xi32, #tpu.memory_space<hbm>> -> memref<1x157x128xi32, #tpu.memory_space<hbm>>
    %dma_wait3A_56 = tpu.memref_squeeze %dma_wait3A_55 : memref<1x157x128xi32, #tpu.memory_space<hbm>> -> memref<157x128xi32, #tpu.memory_space<hbm>>
    tpu.wait_dma2 semaphore(%arg13 : memref<!tpu.dma_semaphore, #tpu.memory_space<semaphore_mem>>) src(%dma_wait3A_56 : memref<157x128xi32, #tpu.memory_space<hbm>>) dst(%arg8 : memref<157x128xi32, #tpu.memory_space<vmem>>)
    %barrier3A = arith.constant 0 : index
    tpu.barrier barrier_id(%barrier3A)
    %eq3A = arith.constant 0 : i32
    %eq3A_57 = arith.cmpi eq, %arg0, %eq3A : i32
    %convert_element_type3A = arith.extui %eq3A_57 : i1 to i32
    %cond3A = arith.constant 0 : i32
    %cond3A_58 = arith.cmpi ne, %convert_element_type3A, %cond3A : i32
    scf.if %cond3A_58 {
      %dma_start3A_69 = arith.constant 0 : i32
      %dma_start3A_70 = arith.constant 0 : i32
      %dma_start3A_71 = arith.constant 0 : i32
      %dma_start3A_72 = arith.constant 0 : i32
      %dma_start3A_73 = tpu.memref_slice %arg9[%dma_start3A_70, %dma_start3A_71, %dma_start3A_72] : memref<6x128x64xf32, #tpu.memory_space<vmem>> -> memref<1x128x64xf32, #tpu.memory_space<vmem>>
      %dma_start3A_74 = tpu.memref_squeeze %dma_start3A_73 : memref<1x128x64xf32, #tpu.memory_space<vmem>> -> memref<128x64xf32, #tpu.memory_space<vmem>>
      %dma_start3A_75 = arith.constant 0 : i32
      %dma_start3A_76 = tpu.memref_slice %arg7[%dma_start3A_69, %dma_start3A_75] : memref<157x128xi32, #tpu.memory_space<vmem>> -> memref<1x128xi32, #tpu.memory_space<vmem>>
      %dma_start3A_77 = tpu.memref_squeeze %dma_start3A_76 : memref<1x128xi32, #tpu.memory_space<vmem>> -> memref<128xi32, #tpu.memory_space<vmem>>
      %dma_start3A_78 = arith.constant 0 : i32
      %dma_start3A_79 = arith.constant 0 : i32
      %dma_start3A_80 = tpu.memref_slice %arg2[%dma_start3A_78, %dma_start3A_79] : memref<10000x64xf32, #tpu.memory_space<hbm>> -> memref<10000x64xf32, #tpu.memory_space<hbm>>
      tpu.enqueue_indirect_dma source(%dma_start3A_80 : memref<10000x64xf32, #tpu.memory_space<hbm>>) target(%dma_start3A_74 : memref<128x64xf32, #tpu.memory_space<vmem>>) offsets(%dma_start3A_77 : memref<128xi32, #tpu.memory_space<vmem>>) semaphore(%arg11 : memref<!tpu.dma_semaphore, #tpu.memory_space<semaphore_mem>>)
      %dma_start3A_81 = arith.constant 1 : i32
      %dma_start3A_82 = arith.constant 1 : i32
      %dma_start3A_83 = arith.constant 0 : i32
      %dma_start3A_84 = arith.constant 0 : i32
      %dma_start3A_85 = tpu.memref_slice %arg9[%dma_start3A_82, %dma_start3A_83, %dma_start3A_84] : memref<6x128x64xf32, #tpu.memory_space<vmem>> -> memref<1x128x64xf32, #tpu.memory_space<vmem>>
      %dma_start3A_86 = tpu.memref_squeeze %dma_start3A_85 : memref<1x128x64xf32, #tpu.memory_space<vmem>> -> memref<128x64xf32, #tpu.memory_space<vmem>>
      %dma_start3A_87 = arith.constant 0 : i32
      %dma_start3A_88 = tpu.memref_slice %arg7[%dma_start3A_81, %dma_start3A_87] : memref<157x128xi32, #tpu.memory_space<vmem>> -> memref<1x128xi32, #tpu.memory_space<vmem>>
      %dma_start3A_89 = tpu.memref_squeeze %dma_start3A_88 : memref<1x128xi32, #tpu.memory_space<vmem>> -> memref<128xi32, #tpu.memory_space<vmem>>
      %dma_start3A_90 = arith.constant 0 : i32
      %dma_start3A_91 = arith.constant 0 : i32
      %dma_start3A_92 = tpu.memref_slice %arg2[%dma_start3A_90, %dma_start3A_91] : memref<10000x64xf32, #tpu.memory_space<hbm>> -> memref<10000x64xf32, #tpu.memory_space<hbm>>
      tpu.enqueue_indirect_dma source(%dma_start3A_92 : memref<10000x64xf32, #tpu.memory_space<hbm>>) target(%dma_start3A_86 : memref<128x64xf32, #tpu.memory_space<vmem>>) offsets(%dma_start3A_89 : memref<128xi32, #tpu.memory_space<vmem>>) semaphore(%arg11 : memref<!tpu.dma_semaphore, #tpu.memory_space<semaphore_mem>>)
      %dma_start3A_93 = arith.constant 2 : i32
      %dma_start3A_94 = arith.constant 2 : i32
      %dma_start3A_95 = arith.constant 0 : i32
      %dma_start3A_96 = arith.constant 0 : i32
      %dma_start3A_97 = tpu.memref_slice %arg9[%dma_start3A_94, %dma_start3A_95, %dma_start3A_96] : memref<6x128x64xf32, #tpu.memory_space<vmem>> -> memref<1x128x64xf32, #tpu.memory_space<vmem>>
      %dma_start3A_98 = tpu.memref_squeeze %dma_start3A_97 : memref<1x128x64xf32, #tpu.memory_space<vmem>> -> memref<128x64xf32, #tpu.memory_space<vmem>>
      %dma_start3A_99 = arith.constant 0 : i32
      %dma_start3A_100 = tpu.memref_slice %arg7[%dma_start3A_93, %dma_start3A_99] : memref<157x128xi32, #tpu.memory_space<vmem>> -> memref<1x128xi32, #tpu.memory_space<vmem>>
      %dma_start3A_101 = tpu.memref_squeeze %dma_start3A_100 : memref<1x128xi32, #tpu.memory_space<vmem>> -> memref<128xi32, #tpu.memory_space<vmem>>
      %dma_start3A_102 = arith.constant 0 : i32
      %dma_start3A_103 = arith.constant 0 : i32
      %dma_start3A_104 = tpu.memref_slice %arg2[%dma_start3A_102, %dma_start3A_103] : memref<10000x64xf32, #tpu.memory_space<hbm>> -> memref<10000x64xf32, #tpu.memory_space<hbm>>
      tpu.enqueue_indirect_dma source(%dma_start3A_104 : memref<10000x64xf32, #tpu.memory_space<hbm>>) target(%dma_start3A_98 : memref<128x64xf32, #tpu.memory_space<vmem>>) offsets(%dma_start3A_101 : memref<128xi32, #tpu.memory_space<vmem>>) semaphore(%arg11 : memref<!tpu.dma_semaphore, #tpu.memory_space<semaphore_mem>>)
      %dma_start3A_105 = arith.constant 3 : i32
      %dma_start3A_106 = arith.constant 3 : i32
      %dma_start3A_107 = arith.constant 0 : i32
      %dma_start3A_108 = arith.constant 0 : i32
      %dma_start3A_109 = tpu.memref_slice %arg9[%dma_start3A_106, %dma_start3A_107, %dma_start3A_108] : memref<6x128x64xf32, #tpu.memory_space<vmem>> -> memref<1x128x64xf32, #tpu.memory_space<vmem>>
      %dma_start3A_110 = tpu.memref_squeeze %dma_start3A_109 : memref<1x128x64xf32, #tpu.memory_space<vmem>> -> memref<128x64xf32, #tpu.memory_space<vmem>>
      %dma_start3A_111 = arith.constant 0 : i32
      %dma_start3A_112 = tpu.memref_slice %arg7[%dma_start3A_105, %dma_start3A_111] : memref<157x128xi32, #tpu.memory_space<vmem>> -> memref<1x128xi32, #tpu.memory_space<vmem>>
      %dma_start3A_113 = tpu.memref_squeeze %dma_start3A_112 : memref<1x128xi32, #tpu.memory_space<vmem>> -> memref<128xi32, #tpu.memory_space<vmem>>
      %dma_start3A_114 = arith.constant 0 : i32
      %dma_start3A_115 = arith.constant 0 : i32
      %dma_start3A_116 = tpu.memref_slice %arg2[%dma_start3A_114, %dma_start3A_115] : memref<10000x64xf32, #tpu.memory_space<hbm>> -> memref<10000x64xf32, #tpu.memory_space<hbm>>
      tpu.enqueue_indirect_dma source(%dma_start3A_116 : memref<10000x64xf32, #tpu.memory_space<hbm>>) target(%dma_start3A_110 : memref<128x64xf32, #tpu.memory_space<vmem>>) offsets(%dma_start3A_113 : memref<128xi32, #tpu.memory_space<vmem>>) semaphore(%arg11 : memref<!tpu.dma_semaphore, #tpu.memory_space<semaphore_mem>>)
      %scan3A_117 = arith.constant 0 : i32
      %scan3A_118 = arith.constant 0 : i32
      %scan3A_119 = arith.constant 157 : i32
      %scan3A_120 = arith.addi %scan3A_118, %scan3A_119 : i32
      %scan3A_121 = arith.constant 1 : i32
      scf.for %scan3A_147 = %scan3A_118 to %scan3A_120 step %scan3A_121  : i32 {
        %rem3A = arith.constant 6 : i32
        %rem3A_148 = arith.remsi %scan3A_147, %rem3A : i32
        %dma_wait3A_149 = arith.constant 0 : i32
        %dma_wait3A_150 = arith.constant 0 : i32
        %dma_wait3A_151 = tpu.memref_slice %arg9[%rem3A_148, %dma_wait3A_149, %dma_wait3A_150] : memref<6x128x64xf32, #tpu.memory_space<vmem>> -> memref<1x128x64xf32, #tpu.memory_space<vmem>>
        %dma_wait3A_152 = tpu.memref_squeeze %dma_wait3A_151 : memref<1x128x64xf32, #tpu.memory_space<vmem>> -> memref<128x64xf32, #tpu.memory_space<vmem>>
        %dma_wait3A_153 = arith.constant 0 : i32
        %dma_wait3A_154 = tpu.memref_slice %arg7[%scan3A_147, %dma_wait3A_153] : memref<157x128xi32, #tpu.memory_space<vmem>> -> memref<1x128xi32, #tpu.memory_space<vmem>>
        %dma_wait3A_155 = tpu.memref_squeeze %dma_wait3A_154 : memref<1x128xi32, #tpu.memory_space<vmem>> -> memref<128xi32, #tpu.memory_space<vmem>>
        %dma_wait3A_156 = arith.constant 0 : i32
        %dma_wait3A_157 = arith.constant 0 : i32
        %dma_wait3A_158 = tpu.memref_slice %arg2[%dma_wait3A_156, %dma_wait3A_157] : memref<10000x64xf32, #tpu.memory_space<hbm>> -> memref<10000x64xf32, #tpu.memory_space<hbm>>
        tpu.wait_indirect_dma semaphore(%arg11 : memref<!tpu.dma_semaphore, #tpu.memory_space<semaphore_mem>>) src(%dma_wait3A_158 : memref<10000x64xf32, #tpu.memory_space<hbm>>) dst(%dma_wait3A_152 : memref<128x64xf32, #tpu.memory_space<vmem>>)
        %dma_start3A_159 = arith.constant 0 : i32
        %dma_start3A_160 = arith.constant 0 : i32
        %dma_start3A_161 = tpu.memref_slice %arg9[%rem3A_148, %dma_start3A_159, %dma_start3A_160] : memref<6x128x64xf32, #tpu.memory_space<vmem>> -> memref<1x128x64xf32, #tpu.memory_space<vmem>>
        %dma_start3A_162 = tpu.memref_squeeze %dma_start3A_161 : memref<1x128x64xf32, #tpu.memory_space<vmem>> -> memref<128x64xf32, #tpu.memory_space<vmem>>
        %dma_start3A_163 = arith.constant 0 : i32
        %dma_start3A_164 = tpu.memref_slice %arg8[%scan3A_147, %dma_start3A_163] : memref<157x128xi32, #tpu.memory_space<vmem>> -> memref<1x128xi32, #tpu.memory_space<vmem>>
        %dma_start3A_165 = tpu.memref_squeeze %dma_start3A_164 : memref<1x128xi32, #tpu.memory_space<vmem>> -> memref<128xi32, #tpu.memory_space<vmem>>
        %dma_start3A_166 = arith.constant 0 : i32
        %dma_start3A_167 = arith.constant 0 : i32
        %dma_start3A_168 = tpu.memref_slice %arg10[%dma_start3A_166, %dma_start3A_167] : memref<10112x64xf32, #tpu.memory_space<vmem_shared>> -> memref<10112x64xf32, #tpu.memory_space<vmem_shared>>
        tpu.enqueue_indirect_dma source(%dma_start3A_162 : memref<128x64xf32, #tpu.memory_space<vmem>>) target(%dma_start3A_168 : memref<10112x64xf32, #tpu.memory_space<vmem_shared>>) offsets(%dma_start3A_165 : memref<128xi32, #tpu.memory_space<vmem>>) semaphore(%arg12 : memref<!tpu.dma_semaphore, #tpu.memory_space<semaphore_mem>>) {add = true}
        %ge3A = arith.constant 2 : i32
        %ge3A_169 = arith.cmpi sge, %scan3A_147, %ge3A : i32
        %convert_element_type3A_170 = arith.extui %ge3A_169 : i1 to i32
        %cond3A_171 = arith.constant 0 : i32
        %cond3A_172 = arith.cmpi ne, %convert_element_type3A_170, %cond3A_171 : i32
        scf.if %cond3A_172 {
          %sub3A = arith.constant 2 : i32
          %sub3A_179 = arith.subi %scan3A_147, %sub3A : i32
          %rem3A_180 = arith.constant 6 : i32
          %rem3A_181 = arith.remsi %sub3A_179, %rem3A_180 : i32
          %dma_wait3A_182 = arith.constant 0 : i32
          %dma_wait3A_183 = arith.constant 0 : i32
          %dma_wait3A_184 = tpu.memref_slice %arg9[%rem3A_181, %dma_wait3A_182, %dma_wait3A_183] : memref<6x128x64xf32, #tpu.memory_space<vmem>> -> memref<1x128x64xf32, #tpu.memory_space<vmem>>
          %dma_wait3A_185 = tpu.memref_squeeze %dma_wait3A_184 : memref<1x128x64xf32, #tpu.memory_space<vmem>> -> memref<128x64xf32, #tpu.memory_space<vmem>>
          %dma_wait3A_186 = arith.constant 0 : i32
          %dma_wait3A_187 = tpu.memref_slice %arg8[%sub3A_179, %dma_wait3A_186] : memref<157x128xi32, #tpu.memory_space<vmem>> -> memref<1x128xi32, #tpu.memory_space<vmem>>
          %dma_wait3A_188 = tpu.memref_squeeze %dma_wait3A_187 : memref<1x128xi32, #tpu.memory_space<vmem>> -> memref<128xi32, #tpu.memory_space<vmem>>
          %dma_wait3A_189 = arith.constant 0 : i32
          %dma_wait3A_190 = arith.constant 0 : i32
          %dma_wait3A_191 = tpu.memref_slice %arg10[%dma_wait3A_189, %dma_wait3A_190] : memref<10112x64xf32, #tpu.memory_space<vmem_shared>> -> memref<10112x64xf32, #tpu.memory_space<vmem_shared>>
          tpu.wait_indirect_dma semaphore(%arg12 : memref<!tpu.dma_semaphore, #tpu.memory_space<semaphore_mem>>) src(%dma_wait3A_185 : memref<128x64xf32, #tpu.memory_space<vmem>>) dst(%dma_wait3A_191 : memref<10112x64xf32, #tpu.memory_space<vmem_shared>>)
        } else {
        }
        %add3A_173 = arith.constant 4 : i32
        %add3A_174 = arith.addi %scan3A_147, %add3A_173 : i32
        %lt3A = arith.constant 157 : i32
        %lt3A_175 = arith.cmpi slt, %add3A_174, %lt3A : i32
        %convert_element_type3A_176 = arith.extui %lt3A_175 : i1 to i32
        %cond3A_177 = arith.constant 0 : i32
        %cond3A_178 = arith.cmpi ne, %convert_element_type3A_176, %cond3A_177 : i32
        scf.if %cond3A_178 {
          %add3A_179 = arith.constant 4 : i32
          %add3A_180 = arith.addi %scan3A_147, %add3A_179 : i32
          %rem3A_181 = arith.constant 6 : i32
          %rem3A_182 = arith.remsi %add3A_180, %rem3A_181 : i32
          %dma_start3A_183 = arith.constant 0 : i32
          %dma_start3A_184 = arith.constant 0 : i32
          %dma_start3A_185 = tpu.memref_slice %arg9[%rem3A_182, %dma_start3A_183, %dma_start3A_184] : memref<6x128x64xf32, #tpu.memory_space<vmem>> -> memref<1x128x64xf32, #tpu.memory_space<vmem>>
          %dma_start3A_186 = tpu.memref_squeeze %dma_start3A_185 : memref<1x128x64xf32, #tpu.memory_space<vmem>> -> memref<128x64xf32, #tpu.memory_space<vmem>>
          %dma_start3A_187 = arith.constant 0 : i32
          %dma_start3A_188 = tpu.memref_slice %arg7[%add3A_180, %dma_start3A_187] : memref<157x128xi32, #tpu.memory_space<vmem>> -> memref<1x128xi32, #tpu.memory_space<vmem>>
          %dma_start3A_189 = tpu.memref_squeeze %dma_start3A_188 : memref<1x128xi32, #tpu.memory_space<vmem>> -> memref<128xi32, #tpu.memory_space<vmem>>
          %dma_start3A_190 = arith.constant 0 : i32
          %dma_start3A_191 = arith.constant 0 : i32
          %dma_start3A_192 = tpu.memref_slice %arg2[%dma_start3A_190, %dma_start3A_191] : memref<10000x64xf32, #tpu.memory_space<hbm>> -> memref<10000x64xf32, #tpu.memory_space<hbm>>
          tpu.enqueue_indirect_dma source(%dma_start3A_192 : memref<10000x64xf32, #tpu.memory_space<hbm>>) target(%dma_start3A_186 : memref<128x64xf32, #tpu.memory_space<vmem>>) offsets(%dma_start3A_189 : memref<128xi32, #tpu.memory_space<vmem>>) semaphore(%arg11 : memref<!tpu.dma_semaphore, #tpu.memory_space<semaphore_mem>>)
        } else {
        }
      }
      %scan3A_122 = arith.constant 157 : i32
      %dma_wait3A_123 = arith.constant 5 : i32
      %dma_wait3A_124 = arith.constant 155 : i32
      %dma_wait3A_125 = arith.constant 0 : i32
      %dma_wait3A_126 = arith.constant 0 : i32
      %dma_wait3A_127 = tpu.memref_slice %arg9[%dma_wait3A_123, %dma_wait3A_125, %dma_wait3A_126] : memref<6x128x64xf32, #tpu.memory_space<vmem>> -> memref<1x128x64xf32, #tpu.memory_space<vmem>>
      %dma_wait3A_128 = tpu.memref_squeeze %dma_wait3A_127 : memref<1x128x64xf32, #tpu.memory_space<vmem>> -> memref<128x64xf32, #tpu.memory_space<vmem>>
      %dma_wait3A_129 = arith.constant 0 : i32
      %dma_wait3A_130 = tpu.memref_slice %arg8[%dma_wait3A_124, %dma_wait3A_129] : memref<157x128xi32, #tpu.memory_space<vmem>> -> memref<1x128xi32, #tpu.memory_space<vmem>>
      %dma_wait3A_131 = tpu.memref_squeeze %dma_wait3A_130 : memref<1x128xi32, #tpu.memory_space<vmem>> -> memref<128xi32, #tpu.memory_space<vmem>>
      %dma_wait3A_132 = arith.constant 0 : i32
      %dma_wait3A_133 = arith.constant 0 : i32
      %dma_wait3A_134 = tpu.memref_slice %arg10[%dma_wait3A_132, %dma_wait3A_133] : memref<10112x64xf32, #tpu.memory_space<vmem_shared>> -> memref<10112x64xf32, #tpu.memory_space<vmem_shared>>
      tpu.wait_indirect_dma semaphore(%arg12 : memref<!tpu.dma_semaphore, #tpu.memory_space<semaphore_mem>>) src(%dma_wait3A_128 : memref<128x64xf32, #tpu.memory_space<vmem>>) dst(%dma_wait3A_134 : memref<10112x64xf32, #tpu.memory_space<vmem_shared>>)
      %dma_wait3A_135 = arith.constant 0 : i32
      %dma_wait3A_136 = arith.constant 156 : i32
      %dma_wait3A_137 = arith.constant 0 : i32
      %dma_wait3A_138 = arith.constant 0 : i32
      %dma_wait3A_139 = tpu.memref_slice %arg9[%dma_wait3A_135, %dma_wait3A_137, %dma_wait3A_138] : memref<6x128x64xf32, #tpu.memory_space<vmem>> -> memref<1x128x64xf32, #tpu.memory_space<vmem>>
      %dma_wait3A_140 = tpu.memref_squeeze %dma_wait3A_139 : memref<1x128x64xf32, #tpu.memory_space<vmem>> -> memref<128x64xf32, #tpu.memory_space<vmem>>
      %dma_wait3A_141 = arith.constant 0 : i32
      %dma_wait3A_142 = tpu.memref_slice %arg8[%dma_wait3A_136, %dma_wait3A_141] : memref<157x128xi32, #tpu.memory_space<vmem>> -> memref<1x128xi32, #tpu.memory_space<vmem>>
      %dma_wait3A_143 = tpu.memref_squeeze %dma_wait3A_142 : memref<1x128xi32, #tpu.memory_space<vmem>> -> memref<128xi32, #tpu.memory_space<vmem>>
      %dma_wait3A_144 = arith.constant 0 : i32
      %dma_wait3A_145 = arith.constant 0 : i32
      %dma_wait3A_146 = tpu.memref_slice %arg10[%dma_wait3A_144, %dma_wait3A_145] : memref<10112x64xf32, #tpu.memory_space<vmem_shared>> -> memref<10112x64xf32, #tpu.memory_space<vmem_shared>>
      tpu.wait_indirect_dma semaphore(%arg12 : memref<!tpu.dma_semaphore, #tpu.memory_space<semaphore_mem>>) src(%dma_wait3A_140 : memref<128x64xf32, #tpu.memory_space<vmem>>) dst(%dma_wait3A_146 : memref<10112x64xf32, #tpu.memory_space<vmem_shared>>)
    } else {
    }
    %eq3A_59 = arith.constant 1 : i32
    %eq3A_60 = arith.cmpi eq, %arg0, %eq3A_59 : i32
    %convert_element_type3A_61 = arith.extui %eq3A_60 : i1 to i32
    %cond3A_62 = arith.constant 0 : i32
    %cond3A_63 = arith.cmpi ne, %convert_element_type3A_61, %cond3A_62 : i32
    scf.if %cond3A_63 {
      %dma_start3A_69 = arith.constant 0 : i32
      %dma_start3A_70 = arith.constant 0 : i32
      %dma_start3A_71 = arith.constant 0 : i32
      %dma_start3A_72 = arith.constant 0 : i32
      %dma_start3A_73 = tpu.memref_slice %arg9[%dma_start3A_70, %dma_start3A_71, %dma_start3A_72] : memref<6x128x64xf32, #tpu.memory_space<vmem>> -> memref<1x128x64xf32, #tpu.memory_space<vmem>>
      %dma_start3A_74 = tpu.memref_squeeze %dma_start3A_73 : memref<1x128x64xf32, #tpu.memory_space<vmem>> -> memref<128x64xf32, #tpu.memory_space<vmem>>
      %dma_start3A_75 = arith.constant 0 : i32
      %dma_start3A_76 = tpu.memref_slice %arg7[%dma_start3A_69, %dma_start3A_75] : memref<157x128xi32, #tpu.memory_space<vmem>> -> memref<1x128xi32, #tpu.memory_space<vmem>>
      %dma_start3A_77 = tpu.memref_squeeze %dma_start3A_76 : memref<1x128xi32, #tpu.memory_space<vmem>> -> memref<128xi32, #tpu.memory_space<vmem>>
      %dma_start3A_78 = arith.constant 0 : i32
      %dma_start3A_79 = arith.constant 0 : i32
      %dma_start3A_80 = tpu.memref_slice %arg3[%dma_start3A_78, %dma_start3A_79] : memref<10000x64xf32, #tpu.memory_space<hbm>> -> memref<10000x64xf32, #tpu.memory_space<hbm>>
      tpu.enqueue_indirect_dma source(%dma_start3A_80 : memref<10000x64xf32, #tpu.memory_space<hbm>>) target(%dma_start3A_74 : memref<128x64xf32, #tpu.memory_space<vmem>>) offsets(%dma_start3A_77 : memref<128xi32, #tpu.memory_space<vmem>>) semaphore(%arg11 : memref<!tpu.dma_semaphore, #tpu.memory_space<semaphore_mem>>)
      %dma_start3A_81 = arith.constant 1 : i32
      %dma_start3A_82 = arith.constant 1 : i32
      %dma_start3A_83 = arith.constant 0 : i32
      %dma_start3A_84 = arith.constant 0 : i32
      %dma_start3A_85 = tpu.memref_slice %arg9[%dma_start3A_82, %dma_start3A_83, %dma_start3A_84] : memref<6x128x64xf32, #tpu.memory_space<vmem>> -> memref<1x128x64xf32, #tpu.memory_space<vmem>>
      %dma_start3A_86 = tpu.memref_squeeze %dma_start3A_85 : memref<1x128x64xf32, #tpu.memory_space<vmem>> -> memref<128x64xf32, #tpu.memory_space<vmem>>
      %dma_start3A_87 = arith.constant 0 : i32
      %dma_start3A_88 = tpu.memref_slice %arg7[%dma_start3A_81, %dma_start3A_87] : memref<157x128xi32, #tpu.memory_space<vmem>> -> memref<1x128xi32, #tpu.memory_space<vmem>>
      %dma_start3A_89 = tpu.memref_squeeze %dma_start3A_88 : memref<1x128xi32, #tpu.memory_space<vmem>> -> memref<128xi32, #tpu.memory_space<vmem>>
      %dma_start3A_90 = arith.constant 0 : i32
      %dma_start3A_91 = arith.constant 0 : i32
      %dma_start3A_92 = tpu.memref_slice %arg3[%dma_start3A_90, %dma_start3A_91] : memref<10000x64xf32, #tpu.memory_space<hbm>> -> memref<10000x64xf32, #tpu.memory_space<hbm>>
      tpu.enqueue_indirect_dma source(%dma_start3A_92 : memref<10000x64xf32, #tpu.memory_space<hbm>>) target(%dma_start3A_86 : memref<128x64xf32, #tpu.memory_space<vmem>>) offsets(%dma_start3A_89 : memref<128xi32, #tpu.memory_space<vmem>>) semaphore(%arg11 : memref<!tpu.dma_semaphore, #tpu.memory_space<semaphore_mem>>)
      %dma_start3A_93 = arith.constant 2 : i32
      %dma_start3A_94 = arith.constant 2 : i32
      %dma_start3A_95 = arith.constant 0 : i32
      %dma_start3A_96 = arith.constant 0 : i32
      %dma_start3A_97 = tpu.memref_slice %arg9[%dma_start3A_94, %dma_start3A_95, %dma_start3A_96] : memref<6x128x64xf32, #tpu.memory_space<vmem>> -> memref<1x128x64xf32, #tpu.memory_space<vmem>>
      %dma_start3A_98 = tpu.memref_squeeze %dma_start3A_97 : memref<1x128x64xf32, #tpu.memory_space<vmem>> -> memref<128x64xf32, #tpu.memory_space<vmem>>
      %dma_start3A_99 = arith.constant 0 : i32
      %dma_start3A_100 = tpu.memref_slice %arg7[%dma_start3A_93, %dma_start3A_99] : memref<157x128xi32, #tpu.memory_space<vmem>> -> memref<1x128xi32, #tpu.memory_space<vmem>>
      %dma_start3A_101 = tpu.memref_squeeze %dma_start3A_100 : memref<1x128xi32, #tpu.memory_space<vmem>> -> memref<128xi32, #tpu.memory_space<vmem>>
      %dma_start3A_102 = arith.constant 0 : i32
      %dma_start3A_103 = arith.constant 0 : i32
      %dma_start3A_104 = tpu.memref_slice %arg3[%dma_start3A_102, %dma_start3A_103] : memref<10000x64xf32, #tpu.memory_space<hbm>> -> memref<10000x64xf32, #tpu.memory_space<hbm>>
      tpu.enqueue_indirect_dma source(%dma_start3A_104 : memref<10000x64xf32, #tpu.memory_space<hbm>>) target(%dma_start3A_98 : memref<128x64xf32, #tpu.memory_space<vmem>>) offsets(%dma_start3A_101 : memref<128xi32, #tpu.memory_space<vmem>>) semaphore(%arg11 : memref<!tpu.dma_semaphore, #tpu.memory_space<semaphore_mem>>)
      %dma_start3A_105 = arith.constant 3 : i32
      %dma_start3A_106 = arith.constant 3 : i32
      %dma_start3A_107 = arith.constant 0 : i32
      %dma_start3A_108 = arith.constant 0 : i32
      %dma_start3A_109 = tpu.memref_slice %arg9[%dma_start3A_106, %dma_start3A_107, %dma_start3A_108] : memref<6x128x64xf32, #tpu.memory_space<vmem>> -> memref<1x128x64xf32, #tpu.memory_space<vmem>>
      %dma_start3A_110 = tpu.memref_squeeze %dma_start3A_109 : memref<1x128x64xf32, #tpu.memory_space<vmem>> -> memref<128x64xf32, #tpu.memory_space<vmem>>
      %dma_start3A_111 = arith.constant 0 : i32
      %dma_start3A_112 = tpu.memref_slice %arg7[%dma_start3A_105, %dma_start3A_111] : memref<157x128xi32, #tpu.memory_space<vmem>> -> memref<1x128xi32, #tpu.memory_space<vmem>>
      %dma_start3A_113 = tpu.memref_squeeze %dma_start3A_112 : memref<1x128xi32, #tpu.memory_space<vmem>> -> memref<128xi32, #tpu.memory_space<vmem>>
      %dma_start3A_114 = arith.constant 0 : i32
      %dma_start3A_115 = arith.constant 0 : i32
      %dma_start3A_116 = tpu.memref_slice %arg3[%dma_start3A_114, %dma_start3A_115] : memref<10000x64xf32, #tpu.memory_space<hbm>> -> memref<10000x64xf32, #tpu.memory_space<hbm>>
      tpu.enqueue_indirect_dma source(%dma_start3A_116 : memref<10000x64xf32, #tpu.memory_space<hbm>>) target(%dma_start3A_110 : memref<128x64xf32, #tpu.memory_space<vmem>>) offsets(%dma_start3A_113 : memref<128xi32, #tpu.memory_space<vmem>>) semaphore(%arg11 : memref<!tpu.dma_semaphore, #tpu.memory_space<semaphore_mem>>)
      %scan3A_117 = arith.constant 0 : i32
      %scan3A_118 = arith.constant 0 : i32
      %scan3A_119 = arith.constant 157 : i32
      %scan3A_120 = arith.addi %scan3A_118, %scan3A_119 : i32
      %scan3A_121 = arith.constant 1 : i32
      scf.for %scan3A_147 = %scan3A_118 to %scan3A_120 step %scan3A_121  : i32 {
        %rem3A = arith.constant 6 : i32
        %rem3A_148 = arith.remsi %scan3A_147, %rem3A : i32
        %dma_wait3A_149 = arith.constant 0 : i32
        %dma_wait3A_150 = arith.constant 0 : i32
        %dma_wait3A_151 = tpu.memref_slice %arg9[%rem3A_148, %dma_wait3A_149, %dma_wait3A_150] : memref<6x128x64xf32, #tpu.memory_space<vmem>> -> memref<1x128x64xf32, #tpu.memory_space<vmem>>
        %dma_wait3A_152 = tpu.memref_squeeze %dma_wait3A_151 : memref<1x128x64xf32, #tpu.memory_space<vmem>> -> memref<128x64xf32, #tpu.memory_space<vmem>>
        %dma_wait3A_153 = arith.constant 0 : i32
        %dma_wait3A_154 = tpu.memref_slice %arg7[%scan3A_147, %dma_wait3A_153] : memref<157x128xi32, #tpu.memory_space<vmem>> -> memref<1x128xi32, #tpu.memory_space<vmem>>
        %dma_wait3A_155 = tpu.memref_squeeze %dma_wait3A_154 : memref<1x128xi32, #tpu.memory_space<vmem>> -> memref<128xi32, #tpu.memory_space<vmem>>
        %dma_wait3A_156 = arith.constant 0 : i32
        %dma_wait3A_157 = arith.constant 0 : i32
        %dma_wait3A_158 = tpu.memref_slice %arg3[%dma_wait3A_156, %dma_wait3A_157] : memref<10000x64xf32, #tpu.memory_space<hbm>> -> memref<10000x64xf32, #tpu.memory_space<hbm>>
        tpu.wait_indirect_dma semaphore(%arg11 : memref<!tpu.dma_semaphore, #tpu.memory_space<semaphore_mem>>) src(%dma_wait3A_158 : memref<10000x64xf32, #tpu.memory_space<hbm>>) dst(%dma_wait3A_152 : memref<128x64xf32, #tpu.memory_space<vmem>>)
        %dma_start3A_159 = arith.constant 0 : i32
        %dma_start3A_160 = arith.constant 0 : i32
        %dma_start3A_161 = tpu.memref_slice %arg9[%rem3A_148, %dma_start3A_159, %dma_start3A_160] : memref<6x128x64xf32, #tpu.memory_space<vmem>> -> memref<1x128x64xf32, #tpu.memory_space<vmem>>
        %dma_start3A_162 = tpu.memref_squeeze %dma_start3A_161 : memref<1x128x64xf32, #tpu.memory_space<vmem>> -> memref<128x64xf32, #tpu.memory_space<vmem>>
        %dma_start3A_163 = arith.constant 0 : i32
        %dma_start3A_164 = tpu.memref_slice %arg8[%scan3A_147, %dma_start3A_163] : memref<157x128xi32, #tpu.memory_space<vmem>> -> memref<1x128xi32, #tpu.memory_space<vmem>>
        %dma_start3A_165 = tpu.memref_squeeze %dma_start3A_164 : memref<1x128xi32, #tpu.memory_space<vmem>> -> memref<128xi32, #tpu.memory_space<vmem>>
        %dma_start3A_166 = arith.constant 0 : i32
        %dma_start3A_167 = arith.constant 0 : i32
        %dma_start3A_168 = tpu.memref_slice %arg10[%dma_start3A_166, %dma_start3A_167] : memref<10112x64xf32, #tpu.memory_space<vmem_shared>> -> memref<10112x64xf32, #tpu.memory_space<vmem_shared>>
        tpu.enqueue_indirect_dma source(%dma_start3A_162 : memref<128x64xf32, #tpu.memory_space<vmem>>) target(%dma_start3A_168 : memref<10112x64xf32, #tpu.memory_space<vmem_shared>>) offsets(%dma_start3A_165 : memref<128xi32, #tpu.memory_space<vmem>>) semaphore(%arg12 : memref<!tpu.dma_semaphore, #tpu.memory_space<semaphore_mem>>) {add = true}
        %ge3A = arith.constant 2 : i32
        %ge3A_169 = arith.cmpi sge, %scan3A_147, %ge3A : i32
        %convert_element_type3A_170 = arith.extui %ge3A_169 : i1 to i32
        %cond3A_171 = arith.constant 0 : i32
        %cond3A_172 = arith.cmpi ne, %convert_element_type3A_170, %cond3A_171 : i32
        scf.if %cond3A_172 {
          %sub3A = arith.constant 2 : i32
          %sub3A_179 = arith.subi %scan3A_147, %sub3A : i32
          %rem3A_180 = arith.constant 6 : i32
          %rem3A_181 = arith.remsi %sub3A_179, %rem3A_180 : i32
          %dma_wait3A_182 = arith.constant 0 : i32
          %dma_wait3A_183 = arith.constant 0 : i32
          %dma_wait3A_184 = tpu.memref_slice %arg9[%rem3A_181, %dma_wait3A_182, %dma_wait3A_183] : memref<6x128x64xf32, #tpu.memory_space<vmem>> -> memref<1x128x64xf32, #tpu.memory_space<vmem>>
          %dma_wait3A_185 = tpu.memref_squeeze %dma_wait3A_184 : memref<1x128x64xf32, #tpu.memory_space<vmem>> -> memref<128x64xf32, #tpu.memory_space<vmem>>
          %dma_wait3A_186 = arith.constant 0 : i32
          %dma_wait3A_187 = tpu.memref_slice %arg8[%sub3A_179, %dma_wait3A_186] : memref<157x128xi32, #tpu.memory_space<vmem>> -> memref<1x128xi32, #tpu.memory_space<vmem>>
          %dma_wait3A_188 = tpu.memref_squeeze %dma_wait3A_187 : memref<1x128xi32, #tpu.memory_space<vmem>> -> memref<128xi32, #tpu.memory_space<vmem>>
          %dma_wait3A_189 = arith.constant 0 : i32
          %dma_wait3A_190 = arith.constant 0 : i32
          %dma_wait3A_191 = tpu.memref_slice %arg10[%dma_wait3A_189, %dma_wait3A_190] : memref<10112x64xf32, #tpu.memory_space<vmem_shared>> -> memref<10112x64xf32, #tpu.memory_space<vmem_shared>>
          tpu.wait_indirect_dma semaphore(%arg12 : memref<!tpu.dma_semaphore, #tpu.memory_space<semaphore_mem>>) src(%dma_wait3A_185 : memref<128x64xf32, #tpu.memory_space<vmem>>) dst(%dma_wait3A_191 : memref<10112x64xf32, #tpu.memory_space<vmem_shared>>)
        } else {
        }
        %add3A_173 = arith.constant 4 : i32
        %add3A_174 = arith.addi %scan3A_147, %add3A_173 : i32
        %lt3A = arith.constant 157 : i32
        %lt3A_175 = arith.cmpi slt, %add3A_174, %lt3A : i32
        %convert_element_type3A_176 = arith.extui %lt3A_175 : i1 to i32
        %cond3A_177 = arith.constant 0 : i32
        %cond3A_178 = arith.cmpi ne, %convert_element_type3A_176, %cond3A_177 : i32
        scf.if %cond3A_178 {
          %add3A_179 = arith.constant 4 : i32
          %add3A_180 = arith.addi %scan3A_147, %add3A_179 : i32
          %rem3A_181 = arith.constant 6 : i32
          %rem3A_182 = arith.remsi %add3A_180, %rem3A_181 : i32
          %dma_start3A_183 = arith.constant 0 : i32
          %dma_start3A_184 = arith.constant 0 : i32
          %dma_start3A_185 = tpu.memref_slice %arg9[%rem3A_182, %dma_start3A_183, %dma_start3A_184] : memref<6x128x64xf32, #tpu.memory_space<vmem>> -> memref<1x128x64xf32, #tpu.memory_space<vmem>>
          %dma_start3A_186 = tpu.memref_squeeze %dma_start3A_185 : memref<1x128x64xf32, #tpu.memory_space<vmem>> -> memref<128x64xf32, #tpu.memory_space<vmem>>
          %dma_start3A_187 = arith.constant 0 : i32
          %dma_start3A_188 = tpu.memref_slice %arg7[%add3A_180, %dma_start3A_187] : memref<157x128xi32, #tpu.memory_space<vmem>> -> memref<1x128xi32, #tpu.memory_space<vmem>>
          %dma_start3A_189 = tpu.memref_squeeze %dma_start3A_188 : memref<1x128xi32, #tpu.memory_space<vmem>> -> memref<128xi32, #tpu.memory_space<vmem>>
          %dma_start3A_190 = arith.constant 0 : i32
          %dma_start3A_191 = arith.constant 0 : i32
          %dma_start3A_192 = tpu.memref_slice %arg3[%dma_start3A_190, %dma_start3A_191] : memref<10000x64xf32, #tpu.memory_space<hbm>> -> memref<10000x64xf32, #tpu.memory_space<hbm>>
          tpu.enqueue_indirect_dma source(%dma_start3A_192 : memref<10000x64xf32, #tpu.memory_space<hbm>>) target(%dma_start3A_186 : memref<128x64xf32, #tpu.memory_space<vmem>>) offsets(%dma_start3A_189 : memref<128xi32, #tpu.memory_space<vmem>>) semaphore(%arg11 : memref<!tpu.dma_semaphore, #tpu.memory_space<semaphore_mem>>)
        } else {
        }
      }
      %scan3A_122 = arith.constant 157 : i32
      %dma_wait3A_123 = arith.constant 5 : i32
      %dma_wait3A_124 = arith.constant 155 : i32
      %dma_wait3A_125 = arith.constant 0 : i32
      %dma_wait3A_126 = arith.constant 0 : i32
      %dma_wait3A_127 = tpu.memref_slice %arg9[%dma_wait3A_123, %dma_wait3A_125, %dma_wait3A_126] : memref<6x128x64xf32, #tpu.memory_space<vmem>> -> memref<1x128x64xf32, #tpu.memory_space<vmem>>
      %dma_wait3A_128 = tpu.memref_squeeze %dma_wait3A_127 : memref<1x128x64xf32, #tpu.memory_space<vmem>> -> memref<128x64xf32, #tpu.memory_space<vmem>>
      %dma_wait3A_129 = arith.constant 0 : i32
      %dma_wait3A_130 = tpu.memref_slice %arg8[%dma_wait3A_124, %dma_wait3A_129] : memref<157x128xi32, #tpu.memory_space<vmem>> -> memref<1x128xi32, #tpu.memory_space<vmem>>
      %dma_wait3A_131 = tpu.memref_squeeze %dma_wait3A_130 : memref<1x128xi32, #tpu.memory_space<vmem>> -> memref<128xi32, #tpu.memory_space<vmem>>
      %dma_wait3A_132 = arith.constant 0 : i32
      %dma_wait3A_133 = arith.constant 0 : i32
      %dma_wait3A_134 = tpu.memref_slice %arg10[%dma_wait3A_132, %dma_wait3A_133] : memref<10112x64xf32, #tpu.memory_space<vmem_shared>> -> memref<10112x64xf32, #tpu.memory_space<vmem_shared>>
      tpu.wait_indirect_dma semaphore(%arg12 : memref<!tpu.dma_semaphore, #tpu.memory_space<semaphore_mem>>) src(%dma_wait3A_128 : memref<128x64xf32, #tpu.memory_space<vmem>>) dst(%dma_wait3A_134 : memref<10112x64xf32, #tpu.memory_space<vmem_shared>>)
      %dma_wait3A_135 = arith.constant 0 : i32
      %dma_wait3A_136 = arith.constant 156 : i32
      %dma_wait3A_137 = arith.constant 0 : i32
      %dma_wait3A_138 = arith.constant 0 : i32
      %dma_wait3A_139 = tpu.memref_slice %arg9[%dma_wait3A_135, %dma_wait3A_137, %dma_wait3A_138] : memref<6x128x64xf32, #tpu.memory_space<vmem>> -> memref<1x128x64xf32, #tpu.memory_space<vmem>>
      %dma_wait3A_140 = tpu.memref_squeeze %dma_wait3A_139 : memref<1x128x64xf32, #tpu.memory_space<vmem>> -> memref<128x64xf32, #tpu.memory_space<vmem>>
      %dma_wait3A_141 = arith.constant 0 : i32
      %dma_wait3A_142 = tpu.memref_slice %arg8[%dma_wait3A_136, %dma_wait3A_141] : memref<157x128xi32, #tpu.memory_space<vmem>> -> memref<1x128xi32, #tpu.memory_space<vmem>>
      %dma_wait3A_143 = tpu.memref_squeeze %dma_wait3A_142 : memref<1x128xi32, #tpu.memory_space<vmem>> -> memref<128xi32, #tpu.memory_space<vmem>>
      %dma_wait3A_144 = arith.constant 0 : i32
      %dma_wait3A_145 = arith.constant 0 : i32
      %dma_wait3A_146 = tpu.memref_slice %arg10[%dma_wait3A_144, %dma_wait3A_145] : memref<10112x64xf32, #tpu.memory_space<vmem_shared>> -> memref<10112x64xf32, #tpu.memory_space<vmem_shared>>
      tpu.wait_indirect_dma semaphore(%arg12 : memref<!tpu.dma_semaphore, #tpu.memory_space<semaphore_mem>>) src(%dma_wait3A_140 : memref<128x64xf32, #tpu.memory_space<vmem>>) dst(%dma_wait3A_146 : memref<10112x64xf32, #tpu.memory_space<vmem_shared>>)
    } else {
    }
    %barrier3A_64 = arith.constant 0 : index
    tpu.barrier barrier_id(%barrier3A_64)
    %mul3A_65 = arith.constant 632 : i32
    %mul3A_66 = arith.muli %arg1, %mul3A_65 : i32
    %mul3A_67 = arith.constant 632 : i32
    %mul3A_68 = arith.muli %arg1, %mul3A_67 : i32
    "tpu.region"() ({
      %run_scoped3A_69 = tpu.sem_alloc : memref<!tpu.dma_semaphore, #tpu.memory_space<semaphore_mem>>
      %dma_start3A_70 = arith.constant 0 : i32
      %dma_start3A_71 = tpu.memref_slice %arg6[%arg0, %mul3A_68, %dma_start3A_70] : memref<2x10112x64xf32, #tpu.memory_space<hbm>> -> memref<1x632x64xf32, #tpu.memory_space<hbm>>
      %dma_start3A_72 = tpu.memref_squeeze %dma_start3A_71 : memref<1x632x64xf32, #tpu.memory_space<hbm>> -> memref<632x64xf32, #tpu.memory_space<hbm>>
      %dma_start3A_73 = arith.constant 0 : i32
      %dma_start3A_74 = tpu.memref_slice %arg10[%mul3A_66, %dma_start3A_73] : memref<10112x64xf32, #tpu.memory_space<vmem_shared>> -> memref<632x64xf32, #tpu.memory_space<vmem_shared>>
      tpu.enqueue_dma source(%dma_start3A_74 : memref<632x64xf32, #tpu.memory_space<vmem_shared>>) target(%dma_start3A_72 : memref<632x64xf32, #tpu.memory_space<hbm>>) target_semaphore(%run_scoped3A_69 : memref<!tpu.dma_semaphore, #tpu.memory_space<semaphore_mem>>)
      %dma_wait3A_75 = arith.constant 0 : i32
      %dma_wait3A_76 = tpu.memref_slice %arg6[%arg0, %mul3A_68, %dma_wait3A_75] : memref<2x10112x64xf32, #tpu.memory_space<hbm>> -> memref<1x632x64xf32, #tpu.memory_space<hbm>>
      %dma_wait3A_77 = tpu.memref_squeeze %dma_wait3A_76 : memref<1x632x64xf32, #tpu.memory_space<hbm>> -> memref<632x64xf32, #tpu.memory_space<hbm>>
      %dma_wait3A_78 = arith.constant 0 : i32
      %dma_wait3A_79 = tpu.memref_slice %arg10[%mul3A_66, %dma_wait3A_78] : memref<10112x64xf32, #tpu.memory_space<vmem_shared>> -> memref<632x64xf32, #tpu.memory_space<vmem_shared>>
      tpu.wait_dma2 semaphore(%run_scoped3A_69 : memref<!tpu.dma_semaphore, #tpu.memory_space<semaphore_mem>>) src(%dma_wait3A_79 : memref<632x64xf32, #tpu.memory_space<vmem_shared>>) dst(%dma_wait3A_77 : memref<632x64xf32, #tpu.memory_space<hbm>>)
      tpu.yield
    }) : () -> ()
    return
  }
}

#map = affine_map<(d0, d1) -> (0, 0)>
#map1 = affine_map<(d0, d1) -> (0, 0, 0)>
module attributes {stable_mosaic.version = 14 : i64} {
  func.func @agg(%arg0: i32, %arg1: i32, %arg2: memref<10000x64xf32, #tpu.memory_space<hbm>>, %arg3: memref<32x79x128xi32, #tpu.memory_space<hbm>>, %arg4: memref<32x79x128xi32, #tpu.memory_space<hbm>>, %arg5: memref<2x10112x64xf32, #tpu.memory_space<hbm>>, %arg6: memref<79x128xi32, #tpu.memory_space<vmem>>, %arg7: memref<79x128xi32, #tpu.memory_space<vmem>>, %arg8: memref<6x128x64xf32, #tpu.memory_space<vmem>>, %arg9: memref<10112x64xf32, #tpu.memory_space<vmem_shared>>, %arg10: memref<!tpu.dma_semaphore, #tpu.memory_space<semaphore_mem>>, %arg11: memref<!tpu.dma_semaphore, #tpu.memory_space<semaphore_mem>>, %arg12: memref<!tpu.dma_semaphore, #tpu.memory_space<semaphore_mem>>) attributes {dimension_semantics = [#tpu.dimension_semantics<core_parallel>, #tpu.dimension_semantics<subcore_parallel>], iteration_bounds = array<i64: 2, 16>, scalar_prefetch = 0 : i64, scratch_operands = 7 : i64, tpu.core_type = #tpu.core_type<sc_vector_subcore>, window_params = [{transform_indices = #map}, {transform_indices = #map1}, {transform_indices = #map1}, {transform_indices = #map1}]} {
    %mul3A = arith.constant 16 : i32
    %mul3A_0 = arith.muli %arg0, %mul3A : i32
    %add3A = arith.addi %mul3A_0, %arg1 : i32
    %dma_start3A = arith.constant 0 : i32
    %dma_start3A_1 = arith.constant 0 : i32
    %dma_start3A_2 = tpu.memref_slice %arg3[%add3A, %dma_start3A, %dma_start3A_1] : memref<32x79x128xi32, #tpu.memory_space<hbm>> -> memref<1x79x128xi32, #tpu.memory_space<hbm>>
    %dma_start3A_3 = tpu.memref_squeeze %dma_start3A_2 : memref<1x79x128xi32, #tpu.memory_space<hbm>> -> memref<79x128xi32, #tpu.memory_space<hbm>>
    %dma_start3A_4 = arith.constant 0 : i32
    %dma_start3A_5 = arith.constant 0 : i32
    %dma_start3A_6 = tpu.memref_slice %arg3[%add3A, %dma_start3A_4, %dma_start3A_5] : memref<32x79x128xi32, #tpu.memory_space<hbm>> -> memref<1x79x128xi32, #tpu.memory_space<hbm>>
    %dma_start3A_7 = tpu.memref_squeeze %dma_start3A_6 : memref<1x79x128xi32, #tpu.memory_space<hbm>> -> memref<79x128xi32, #tpu.memory_space<hbm>>
    tpu.enqueue_dma source(%dma_start3A_7 : memref<79x128xi32, #tpu.memory_space<hbm>>) target(%arg6 : memref<79x128xi32, #tpu.memory_space<vmem>>) target_semaphore(%arg12 : memref<!tpu.dma_semaphore, #tpu.memory_space<semaphore_mem>>)
    %dma_start3A_8 = arith.constant 0 : i32
    %dma_start3A_9 = arith.constant 0 : i32
    %dma_start3A_10 = tpu.memref_slice %arg4[%add3A, %dma_start3A_8, %dma_start3A_9] : memref<32x79x128xi32, #tpu.memory_space<hbm>> -> memref<1x79x128xi32, #tpu.memory_space<hbm>>
    %dma_start3A_11 = tpu.memref_squeeze %dma_start3A_10 : memref<1x79x128xi32, #tpu.memory_space<hbm>> -> memref<79x128xi32, #tpu.memory_space<hbm>>
    %dma_start3A_12 = arith.constant 0 : i32
    %dma_start3A_13 = arith.constant 0 : i32
    %dma_start3A_14 = tpu.memref_slice %arg4[%add3A, %dma_start3A_12, %dma_start3A_13] : memref<32x79x128xi32, #tpu.memory_space<hbm>> -> memref<1x79x128xi32, #tpu.memory_space<hbm>>
    %dma_start3A_15 = tpu.memref_squeeze %dma_start3A_14 : memref<1x79x128xi32, #tpu.memory_space<hbm>> -> memref<79x128xi32, #tpu.memory_space<hbm>>
    tpu.enqueue_dma source(%dma_start3A_15 : memref<79x128xi32, #tpu.memory_space<hbm>>) target(%arg7 : memref<79x128xi32, #tpu.memory_space<vmem>>) target_semaphore(%arg12 : memref<!tpu.dma_semaphore, #tpu.memory_space<semaphore_mem>>)
    %scan3A = arith.constant 0 : i32
    %scan3A_16 = arith.constant 0 : i32
    %scan3A_17 = arith.constant 128 : i32
    %scan3A_18 = arith.addi %scan3A_16, %scan3A_17 : i32
    %scan3A_19 = arith.constant 1 : i32
    scf.for %scan3A_143 = %scan3A_16 to %scan3A_18 step %scan3A_19  : i32 {
      %broadcast_in_dim3A = arith.constant 0.000000e+00 : f32
      %broadcast_in_dim3A_144 = vector.broadcast %broadcast_in_dim3A : f32 to vector<16xf32>
      %swap3A = arith.constant 0 : i32
      %swap3A_145 = arith.index_cast %swap3A : i32 to index
      %swap3A_146 = arith.index_cast %scan3A_143 : i32 to index
      %swap3A_147 = arith.constant 0 : index
      %swap3A_148 = tpu.vector_load %arg8[%swap3A_145, %swap3A_146, %swap3A_147] {strides = array<i32>} : memref<6x128x64xf32, #tpu.memory_space<vmem>>, vector<1x1x16xf32>,
      %swap3A_149 = vector.shape_cast %swap3A_148 : vector<1x1x16xf32> to vector<16xf32>
      %swap3A_150 = vector.shape_cast %broadcast_in_dim3A_144 : vector<16xf32> to vector<1x1x16xf32>
      tpu.vector_store %arg8[%swap3A_145, %swap3A_146, %swap3A_147], %swap3A_150 {strides = array<i32>} : memref<6x128x64xf32, #tpu.memory_space<vmem>>, vector<1x1x16xf32>,
      %broadcast_in_dim3A_151 = arith.constant 0.000000e+00 : f32
      %broadcast_in_dim3A_152 = vector.broadcast %broadcast_in_dim3A_151 : f32 to vector<16xf32>
      %swap3A_153 = arith.constant 0 : i32
      %swap3A_154 = arith.index_cast %swap3A_153 : i32 to index
      %swap3A_155 = arith.index_cast %scan3A_143 : i32 to index
      %swap3A_156 = arith.constant 16 : index
      %swap3A_157 = tpu.vector_load %arg8[%swap3A_154, %swap3A_155, %swap3A_156] {strides = array<i32>} : memref<6x128x64xf32, #tpu.memory_space<vmem>>, vector<1x1x16xf32>,
      %swap3A_158 = vector.shape_cast %swap3A_157 : vector<1x1x16xf32> to vector<16xf32>
      %swap3A_159 = vector.shape_cast %broadcast_in_dim3A_152 : vector<16xf32> to vector<1x1x16xf32>
      tpu.vector_store %arg8[%swap3A_154, %swap3A_155, %swap3A_156], %swap3A_159 {strides = array<i32>} : memref<6x128x64xf32, #tpu.memory_space<vmem>>, vector<1x1x16xf32>,
      %broadcast_in_dim3A_160 = arith.constant 0.000000e+00 : f32
      %broadcast_in_dim3A_161 = vector.broadcast %broadcast_in_dim3A_160 : f32 to vector<16xf32>
      %swap3A_162 = arith.constant 0 : i32
      %swap3A_163 = arith.index_cast %swap3A_162 : i32 to index
      %swap3A_164 = arith.index_cast %scan3A_143 : i32 to index
      %swap3A_165 = arith.constant 32 : index
      %swap3A_166 = tpu.vector_load %arg8[%swap3A_163, %swap3A_164, %swap3A_165] {strides = array<i32>} : memref<6x128x64xf32, #tpu.memory_space<vmem>>, vector<1x1x16xf32>,
      %swap3A_167 = vector.shape_cast %swap3A_166 : vector<1x1x16xf32> to vector<16xf32>
      %swap3A_168 = vector.shape_cast %broadcast_in_dim3A_161 : vector<16xf32> to vector<1x1x16xf32>
      tpu.vector_store %arg8[%swap3A_163, %swap3A_164, %swap3A_165], %swap3A_168 {strides = array<i32>} : memref<6x128x64xf32, #tpu.memory_space<vmem>>, vector<1x1x16xf32>,
      %broadcast_in_dim3A_169 = arith.constant 0.000000e+00 : f32
      %broadcast_in_dim3A_170 = vector.broadcast %broadcast_in_dim3A_169 : f32 to vector<16xf32>
      %swap3A_171 = arith.constant 0 : i32
      %swap3A_172 = arith.index_cast %swap3A_171 : i32 to index
      %swap3A_173 = arith.index_cast %scan3A_143 : i32 to index
      %swap3A_174 = arith.constant 48 : index
      %swap3A_175 = tpu.vector_load %arg8[%swap3A_172, %swap3A_173, %swap3A_174] {strides = array<i32>} : memref<6x128x64xf32, #tpu.memory_space<vmem>>, vector<1x1x16xf32>,
      %swap3A_176 = vector.shape_cast %swap3A_175 : vector<1x1x16xf32> to vector<16xf32>
      %swap3A_177 = vector.shape_cast %broadcast_in_dim3A_170 : vector<16xf32> to vector<1x1x16xf32>
      tpu.vector_store %arg8[%swap3A_172, %swap3A_173, %swap3A_174], %swap3A_177 {strides = array<i32>} : memref<6x128x64xf32, #tpu.memory_space<vmem>>, vector<1x1x16xf32>,
    }
    %scan3A_20 = arith.constant 128 : i32
    %mul3A_21 = arith.constant 632 : i32
    %mul3A_22 = arith.muli %arg1, %mul3A_21 : i32
    %add3A_23 = arith.constant 0 : i32
    %add3A_24 = arith.addi %mul3A_22, %add3A_23 : i32
    %run_scoped3A = arith.constant 0 : i32
    "tpu.region"() ({
      %run_scoped3A_143 = tpu.sem_alloc : memref<!tpu.dma_semaphore, #tpu.memory_space<semaphore_mem>>
      %dma_start3A_144 = arith.constant 0 : i32
      %dma_start3A_145 = arith.constant 0 : i32
      %dma_start3A_146 = tpu.memref_slice %arg8[%run_scoped3A, %dma_start3A_144, %dma_start3A_145] : memref<6x128x64xf32, #tpu.memory_space<vmem>> -> memref<1x128x64xf32, #tpu.memory_space<vmem>>
      %dma_start3A_147 = tpu.memref_squeeze %dma_start3A_146 : memref<1x128x64xf32, #tpu.memory_space<vmem>> -> memref<128x64xf32, #tpu.memory_space<vmem>>
      %dma_start3A_148 = arith.constant 0 : i32
      %dma_start3A_149 = tpu.memref_slice %arg9[%add3A_24, %dma_start3A_148] : memref<10112x64xf32, #tpu.memory_space<vmem_shared>> -> memref<128x64xf32, #tpu.memory_space<vmem_shared>>
      %dma_start3A_150 = arith.constant 0 : i32
      %dma_start3A_151 = tpu.memref_slice %arg9[%add3A_24, %dma_start3A_150] : memref<10112x64xf32, #tpu.memory_space<vmem_shared>> -> memref<128x64xf32, #tpu.memory_space<vmem_shared>>
      %dma_start3A_152 = arith.constant 0 : i32
      %dma_start3A_153 = arith.constant 0 : i32
      %dma_start3A_154 = tpu.memref_slice %arg8[%run_scoped3A, %dma_start3A_152, %dma_start3A_153] : memref<6x128x64xf32, #tpu.memory_space<vmem>> -> memref<1x128x64xf32, #tpu.memory_space<vmem>>
      %dma_start3A_155 = tpu.memref_squeeze %dma_start3A_154 : memref<1x128x64xf32, #tpu.memory_space<vmem>> -> memref<128x64xf32, #tpu.memory_space<vmem>>
      tpu.enqueue_dma source(%dma_start3A_155 : memref<128x64xf32, #tpu.memory_space<vmem>>) target(%dma_start3A_151 : memref<128x64xf32, #tpu.memory_space<vmem_shared>>) target_semaphore(%run_scoped3A_143 : memref<!tpu.dma_semaphore, #tpu.memory_space<semaphore_mem>>)
      %dma_wait3A_156 = arith.constant 0 : i32
      %dma_wait3A_157 = arith.constant 0 : i32
      %dma_wait3A_158 = tpu.memref_slice %arg8[%run_scoped3A, %dma_wait3A_156, %dma_wait3A_157] : memref<6x128x64xf32, #tpu.memory_space<vmem>> -> memref<1x128x64xf32, #tpu.memory_space<vmem>>
      %dma_wait3A_159 = tpu.memref_squeeze %dma_wait3A_158 : memref<1x128x64xf32, #tpu.memory_space<vmem>> -> memref<128x64xf32, #tpu.memory_space<vmem>>
      %dma_wait3A_160 = arith.constant 0 : i32
      %dma_wait3A_161 = tpu.memref_slice %arg9[%add3A_24, %dma_wait3A_160] : memref<10112x64xf32, #tpu.memory_space<vmem_shared>> -> memref<128x64xf32, #tpu.memory_space<vmem_shared>>
      %dma_wait3A_162 = arith.constant 0 : i32
      %dma_wait3A_163 = tpu.memref_slice %arg9[%add3A_24, %dma_wait3A_162] : memref<10112x64xf32, #tpu.memory_space<vmem_shared>> -> memref<128x64xf32, #tpu.memory_space<vmem_shared>>
      %dma_wait3A_164 = arith.constant 0 : i32
      %dma_wait3A_165 = arith.constant 0 : i32
      %dma_wait3A_166 = tpu.memref_slice %arg8[%run_scoped3A, %dma_wait3A_164, %dma_wait3A_165] : memref<6x128x64xf32, #tpu.memory_space<vmem>> -> memref<1x128x64xf32, #tpu.memory_space<vmem>>
      %dma_wait3A_167 = tpu.memref_squeeze %dma_wait3A_166 : memref<1x128x64xf32, #tpu.memory_space<vmem>> -> memref<128x64xf32, #tpu.memory_space<vmem>>
      tpu.wait_dma2 semaphore(%run_scoped3A_143 : memref<!tpu.dma_semaphore, #tpu.memory_space<semaphore_mem>>) src(%dma_wait3A_167 : memref<128x64xf32, #tpu.memory_space<vmem>>) dst(%dma_wait3A_163 : memref<128x64xf32, #tpu.memory_space<vmem_shared>>)
      tpu.yield
    }) : () -> ()
    %mul3A_25 = arith.constant 632 : i32
    %mul3A_26 = arith.muli %arg1, %mul3A_25 : i32
    %add3A_27 = arith.constant 128 : i32
    %add3A_28 = arith.addi %mul3A_26, %add3A_27 : i32
    %run_scoped3A_29 = arith.constant 0 : i32
    "tpu.region"() ({
      %run_scoped3A_143 = tpu.sem_alloc : memref<!tpu.dma_semaphore, #tpu.memory_space<semaphore_mem>>
      %dma_start3A_144 = arith.constant 0 : i32
      %dma_start3A_145 = arith.constant 0 : i32
      %dma_start3A_146 = tpu.memref_slice %arg8[%run_scoped3A_29, %dma_start3A_144, %dma_start3A_145] : memref<6x128x64xf32, #tpu.memory_space<vmem>> -> memref<1x128x64xf32, #tpu.memory_space<vmem>>
      %dma_start3A_147 = tpu.memref_squeeze %dma_start3A_146 : memref<1x128x64xf32, #tpu.memory_space<vmem>> -> memref<128x64xf32, #tpu.memory_space<vmem>>
      %dma_start3A_148 = arith.constant 0 : i32
      %dma_start3A_149 = tpu.memref_slice %arg9[%add3A_28, %dma_start3A_148] : memref<10112x64xf32, #tpu.memory_space<vmem_shared>> -> memref<128x64xf32, #tpu.memory_space<vmem_shared>>
      %dma_start3A_150 = arith.constant 0 : i32
      %dma_start3A_151 = tpu.memref_slice %arg9[%add3A_28, %dma_start3A_150] : memref<10112x64xf32, #tpu.memory_space<vmem_shared>> -> memref<128x64xf32, #tpu.memory_space<vmem_shared>>
      %dma_start3A_152 = arith.constant 0 : i32
      %dma_start3A_153 = arith.constant 0 : i32
      %dma_start3A_154 = tpu.memref_slice %arg8[%run_scoped3A_29, %dma_start3A_152, %dma_start3A_153] : memref<6x128x64xf32, #tpu.memory_space<vmem>> -> memref<1x128x64xf32, #tpu.memory_space<vmem>>
      %dma_start3A_155 = tpu.memref_squeeze %dma_start3A_154 : memref<1x128x64xf32, #tpu.memory_space<vmem>> -> memref<128x64xf32, #tpu.memory_space<vmem>>
      tpu.enqueue_dma source(%dma_start3A_155 : memref<128x64xf32, #tpu.memory_space<vmem>>) target(%dma_start3A_151 : memref<128x64xf32, #tpu.memory_space<vmem_shared>>) target_semaphore(%run_scoped3A_143 : memref<!tpu.dma_semaphore, #tpu.memory_space<semaphore_mem>>)
      %dma_wait3A_156 = arith.constant 0 : i32
      %dma_wait3A_157 = arith.constant 0 : i32
      %dma_wait3A_158 = tpu.memref_slice %arg8[%run_scoped3A_29, %dma_wait3A_156, %dma_wait3A_157] : memref<6x128x64xf32, #tpu.memory_space<vmem>> -> memref<1x128x64xf32, #tpu.memory_space<vmem>>
      %dma_wait3A_159 = tpu.memref_squeeze %dma_wait3A_158 : memref<1x128x64xf32, #tpu.memory_space<vmem>> -> memref<128x64xf32, #tpu.memory_space<vmem>>
      %dma_wait3A_160 = arith.constant 0 : i32
      %dma_wait3A_161 = tpu.memref_slice %arg9[%add3A_28, %dma_wait3A_160] : memref<10112x64xf32, #tpu.memory_space<vmem_shared>> -> memref<128x64xf32, #tpu.memory_space<vmem_shared>>
      %dma_wait3A_162 = arith.constant 0 : i32
      %dma_wait3A_163 = tpu.memref_slice %arg9[%add3A_28, %dma_wait3A_162] : memref<10112x64xf32, #tpu.memory_space<vmem_shared>> -> memref<128x64xf32, #tpu.memory_space<vmem_shared>>
      %dma_wait3A_164 = arith.constant 0 : i32
      %dma_wait3A_165 = arith.constant 0 : i32
      %dma_wait3A_166 = tpu.memref_slice %arg8[%run_scoped3A_29, %dma_wait3A_164, %dma_wait3A_165] : memref<6x128x64xf32, #tpu.memory_space<vmem>> -> memref<1x128x64xf32, #tpu.memory_space<vmem>>
      %dma_wait3A_167 = tpu.memref_squeeze %dma_wait3A_166 : memref<1x128x64xf32, #tpu.memory_space<vmem>> -> memref<128x64xf32, #tpu.memory_space<vmem>>
      tpu.wait_dma2 semaphore(%run_scoped3A_143 : memref<!tpu.dma_semaphore, #tpu.memory_space<semaphore_mem>>) src(%dma_wait3A_167 : memref<128x64xf32, #tpu.memory_space<vmem>>) dst(%dma_wait3A_163 : memref<128x64xf32, #tpu.memory_space<vmem_shared>>)
      tpu.yield
    }) : () -> ()
    %mul3A_30 = arith.constant 632 : i32
    %mul3A_31 = arith.muli %arg1, %mul3A_30 : i32
    %add3A_32 = arith.constant 256 : i32
    %add3A_33 = arith.addi %mul3A_31, %add3A_32 : i32
    %run_scoped3A_34 = arith.constant 0 : i32
    "tpu.region"() ({
      %run_scoped3A_143 = tpu.sem_alloc : memref<!tpu.dma_semaphore, #tpu.memory_space<semaphore_mem>>
      %dma_start3A_144 = arith.constant 0 : i32
      %dma_start3A_145 = arith.constant 0 : i32
      %dma_start3A_146 = tpu.memref_slice %arg8[%run_scoped3A_34, %dma_start3A_144, %dma_start3A_145] : memref<6x128x64xf32, #tpu.memory_space<vmem>> -> memref<1x128x64xf32, #tpu.memory_space<vmem>>
      %dma_start3A_147 = tpu.memref_squeeze %dma_start3A_146 : memref<1x128x64xf32, #tpu.memory_space<vmem>> -> memref<128x64xf32, #tpu.memory_space<vmem>>
      %dma_start3A_148 = arith.constant 0 : i32
      %dma_start3A_149 = tpu.memref_slice %arg9[%add3A_33, %dma_start3A_148] : memref<10112x64xf32, #tpu.memory_space<vmem_shared>> -> memref<128x64xf32, #tpu.memory_space<vmem_shared>>
      %dma_start3A_150 = arith.constant 0 : i32
      %dma_start3A_151 = tpu.memref_slice %arg9[%add3A_33, %dma_start3A_150] : memref<10112x64xf32, #tpu.memory_space<vmem_shared>> -> memref<128x64xf32, #tpu.memory_space<vmem_shared>>
      %dma_start3A_152 = arith.constant 0 : i32
      %dma_start3A_153 = arith.constant 0 : i32
      %dma_start3A_154 = tpu.memref_slice %arg8[%run_scoped3A_34, %dma_start3A_152, %dma_start3A_153] : memref<6x128x64xf32, #tpu.memory_space<vmem>> -> memref<1x128x64xf32, #tpu.memory_space<vmem>>
      %dma_start3A_155 = tpu.memref_squeeze %dma_start3A_154 : memref<1x128x64xf32, #tpu.memory_space<vmem>> -> memref<128x64xf32, #tpu.memory_space<vmem>>
      tpu.enqueue_dma source(%dma_start3A_155 : memref<128x64xf32, #tpu.memory_space<vmem>>) target(%dma_start3A_151 : memref<128x64xf32, #tpu.memory_space<vmem_shared>>) target_semaphore(%run_scoped3A_143 : memref<!tpu.dma_semaphore, #tpu.memory_space<semaphore_mem>>)
      %dma_wait3A_156 = arith.constant 0 : i32
      %dma_wait3A_157 = arith.constant 0 : i32
      %dma_wait3A_158 = tpu.memref_slice %arg8[%run_scoped3A_34, %dma_wait3A_156, %dma_wait3A_157] : memref<6x128x64xf32, #tpu.memory_space<vmem>> -> memref<1x128x64xf32, #tpu.memory_space<vmem>>
      %dma_wait3A_159 = tpu.memref_squeeze %dma_wait3A_158 : memref<1x128x64xf32, #tpu.memory_space<vmem>> -> memref<128x64xf32, #tpu.memory_space<vmem>>
      %dma_wait3A_160 = arith.constant 0 : i32
      %dma_wait3A_161 = tpu.memref_slice %arg9[%add3A_33, %dma_wait3A_160] : memref<10112x64xf32, #tpu.memory_space<vmem_shared>> -> memref<128x64xf32, #tpu.memory_space<vmem_shared>>
      %dma_wait3A_162 = arith.constant 0 : i32
      %dma_wait3A_163 = tpu.memref_slice %arg9[%add3A_33, %dma_wait3A_162] : memref<10112x64xf32, #tpu.memory_space<vmem_shared>> -> memref<128x64xf32, #tpu.memory_space<vmem_shared>>
      %dma_wait3A_164 = arith.constant 0 : i32
      %dma_wait3A_165 = arith.constant 0 : i32
      %dma_wait3A_166 = tpu.memref_slice %arg8[%run_scoped3A_34, %dma_wait3A_164, %dma_wait3A_165] : memref<6x128x64xf32, #tpu.memory_space<vmem>> -> memref<1x128x64xf32, #tpu.memory_space<vmem>>
      %dma_wait3A_167 = tpu.memref_squeeze %dma_wait3A_166 : memref<1x128x64xf32, #tpu.memory_space<vmem>> -> memref<128x64xf32, #tpu.memory_space<vmem>>
      tpu.wait_dma2 semaphore(%run_scoped3A_143 : memref<!tpu.dma_semaphore, #tpu.memory_space<semaphore_mem>>) src(%dma_wait3A_167 : memref<128x64xf32, #tpu.memory_space<vmem>>) dst(%dma_wait3A_163 : memref<128x64xf32, #tpu.memory_space<vmem_shared>>)
      tpu.yield
    }) : () -> ()
    %mul3A_35 = arith.constant 632 : i32
    %mul3A_36 = arith.muli %arg1, %mul3A_35 : i32
    %add3A_37 = arith.constant 384 : i32
    %add3A_38 = arith.addi %mul3A_36, %add3A_37 : i32
    %run_scoped3A_39 = arith.constant 0 : i32
    "tpu.region"() ({
      %run_scoped3A_143 = tpu.sem_alloc : memref<!tpu.dma_semaphore, #tpu.memory_space<semaphore_mem>>
      %dma_start3A_144 = arith.constant 0 : i32
      %dma_start3A_145 = arith.constant 0 : i32
      %dma_start3A_146 = tpu.memref_slice %arg8[%run_scoped3A_39, %dma_start3A_144, %dma_start3A_145] : memref<6x128x64xf32, #tpu.memory_space<vmem>> -> memref<1x128x64xf32, #tpu.memory_space<vmem>>
      %dma_start3A_147 = tpu.memref_squeeze %dma_start3A_146 : memref<1x128x64xf32, #tpu.memory_space<vmem>> -> memref<128x64xf32, #tpu.memory_space<vmem>>
      %dma_start3A_148 = arith.constant 0 : i32
      %dma_start3A_149 = tpu.memref_slice %arg9[%add3A_38, %dma_start3A_148] : memref<10112x64xf32, #tpu.memory_space<vmem_shared>> -> memref<128x64xf32, #tpu.memory_space<vmem_shared>>
      %dma_start3A_150 = arith.constant 0 : i32
      %dma_start3A_151 = tpu.memref_slice %arg9[%add3A_38, %dma_start3A_150] : memref<10112x64xf32, #tpu.memory_space<vmem_shared>> -> memref<128x64xf32, #tpu.memory_space<vmem_shared>>
      %dma_start3A_152 = arith.constant 0 : i32
      %dma_start3A_153 = arith.constant 0 : i32
      %dma_start3A_154 = tpu.memref_slice %arg8[%run_scoped3A_39, %dma_start3A_152, %dma_start3A_153] : memref<6x128x64xf32, #tpu.memory_space<vmem>> -> memref<1x128x64xf32, #tpu.memory_space<vmem>>
      %dma_start3A_155 = tpu.memref_squeeze %dma_start3A_154 : memref<1x128x64xf32, #tpu.memory_space<vmem>> -> memref<128x64xf32, #tpu.memory_space<vmem>>
      tpu.enqueue_dma source(%dma_start3A_155 : memref<128x64xf32, #tpu.memory_space<vmem>>) target(%dma_start3A_151 : memref<128x64xf32, #tpu.memory_space<vmem_shared>>) target_semaphore(%run_scoped3A_143 : memref<!tpu.dma_semaphore, #tpu.memory_space<semaphore_mem>>)
      %dma_wait3A_156 = arith.constant 0 : i32
      %dma_wait3A_157 = arith.constant 0 : i32
      %dma_wait3A_158 = tpu.memref_slice %arg8[%run_scoped3A_39, %dma_wait3A_156, %dma_wait3A_157] : memref<6x128x64xf32, #tpu.memory_space<vmem>> -> memref<1x128x64xf32, #tpu.memory_space<vmem>>
      %dma_wait3A_159 = tpu.memref_squeeze %dma_wait3A_158 : memref<1x128x64xf32, #tpu.memory_space<vmem>> -> memref<128x64xf32, #tpu.memory_space<vmem>>
      %dma_wait3A_160 = arith.constant 0 : i32
      %dma_wait3A_161 = tpu.memref_slice %arg9[%add3A_38, %dma_wait3A_160] : memref<10112x64xf32, #tpu.memory_space<vmem_shared>> -> memref<128x64xf32, #tpu.memory_space<vmem_shared>>
      %dma_wait3A_162 = arith.constant 0 : i32
      %dma_wait3A_163 = tpu.memref_slice %arg9[%add3A_38, %dma_wait3A_162] : memref<10112x64xf32, #tpu.memory_space<vmem_shared>> -> memref<128x64xf32, #tpu.memory_space<vmem_shared>>
      %dma_wait3A_164 = arith.constant 0 : i32
      %dma_wait3A_165 = arith.constant 0 : i32
      %dma_wait3A_166 = tpu.memref_slice %arg8[%run_scoped3A_39, %dma_wait3A_164, %dma_wait3A_165] : memref<6x128x64xf32, #tpu.memory_space<vmem>> -> memref<1x128x64xf32, #tpu.memory_space<vmem>>
      %dma_wait3A_167 = tpu.memref_squeeze %dma_wait3A_166 : memref<1x128x64xf32, #tpu.memory_space<vmem>> -> memref<128x64xf32, #tpu.memory_space<vmem>>
      tpu.wait_dma2 semaphore(%run_scoped3A_143 : memref<!tpu.dma_semaphore, #tpu.memory_space<semaphore_mem>>) src(%dma_wait3A_167 : memref<128x64xf32, #tpu.memory_space<vmem>>) dst(%dma_wait3A_163 : memref<128x64xf32, #tpu.memory_space<vmem_shared>>)
      tpu.yield
    }) : () -> ()
    %mul3A_40 = arith.constant 632 : i32
    %mul3A_41 = arith.muli %arg1, %mul3A_40 : i32
    %add3A_42 = arith.constant 512 : i32
    %add3A_43 = arith.addi %mul3A_41, %add3A_42 : i32
    %run_scoped3A_44 = arith.constant 0 : i32
    "tpu.region"() ({
      %run_scoped3A_143 = tpu.sem_alloc : memref<!tpu.dma_semaphore, #tpu.memory_space<semaphore_mem>>
      %dma_start3A_144 = arith.constant 0 : i32
      %dma_start3A_145 = arith.constant 0 : i32
      %dma_start3A_146 = tpu.memref_slice %arg8[%run_scoped3A_44, %dma_start3A_144, %dma_start3A_145] : memref<6x128x64xf32, #tpu.memory_space<vmem>> -> memref<1x120x64xf32, #tpu.memory_space<vmem>>
      %dma_start3A_147 = tpu.memref_squeeze %dma_start3A_146 : memref<1x120x64xf32, #tpu.memory_space<vmem>> -> memref<120x64xf32, #tpu.memory_space<vmem>>
      %dma_start3A_148 = arith.constant 0 : i32
      %dma_start3A_149 = tpu.memref_slice %arg9[%add3A_43, %dma_start3A_148] : memref<10112x64xf32, #tpu.memory_space<vmem_shared>> -> memref<120x64xf32, #tpu.memory_space<vmem_shared>>
      %dma_start3A_150 = arith.constant 0 : i32
      %dma_start3A_151 = tpu.memref_slice %arg9[%add3A_43, %dma_start3A_150] : memref<10112x64xf32, #tpu.memory_space<vmem_shared>> -> memref<120x64xf32, #tpu.memory_space<vmem_shared>>
      %dma_start3A_152 = arith.constant 0 : i32
      %dma_start3A_153 = arith.constant 0 : i32
      %dma_start3A_154 = tpu.memref_slice %arg8[%run_scoped3A_44, %dma_start3A_152, %dma_start3A_153] : memref<6x128x64xf32, #tpu.memory_space<vmem>> -> memref<1x120x64xf32, #tpu.memory_space<vmem>>
      %dma_start3A_155 = tpu.memref_squeeze %dma_start3A_154 : memref<1x120x64xf32, #tpu.memory_space<vmem>> -> memref<120x64xf32, #tpu.memory_space<vmem>>
      tpu.enqueue_dma source(%dma_start3A_155 : memref<120x64xf32, #tpu.memory_space<vmem>>) target(%dma_start3A_151 : memref<120x64xf32, #tpu.memory_space<vmem_shared>>) target_semaphore(%run_scoped3A_143 : memref<!tpu.dma_semaphore, #tpu.memory_space<semaphore_mem>>)
      %dma_wait3A_156 = arith.constant 0 : i32
      %dma_wait3A_157 = arith.constant 0 : i32
      %dma_wait3A_158 = tpu.memref_slice %arg8[%run_scoped3A_44, %dma_wait3A_156, %dma_wait3A_157] : memref<6x128x64xf32, #tpu.memory_space<vmem>> -> memref<1x120x64xf32, #tpu.memory_space<vmem>>
      %dma_wait3A_159 = tpu.memref_squeeze %dma_wait3A_158 : memref<1x120x64xf32, #tpu.memory_space<vmem>> -> memref<120x64xf32, #tpu.memory_space<vmem>>
      %dma_wait3A_160 = arith.constant 0 : i32
      %dma_wait3A_161 = tpu.memref_slice %arg9[%add3A_43, %dma_wait3A_160] : memref<10112x64xf32, #tpu.memory_space<vmem_shared>> -> memref<120x64xf32, #tpu.memory_space<vmem_shared>>
      %dma_wait3A_162 = arith.constant 0 : i32
      %dma_wait3A_163 = tpu.memref_slice %arg9[%add3A_43, %dma_wait3A_162] : memref<10112x64xf32, #tpu.memory_space<vmem_shared>> -> memref<120x64xf32, #tpu.memory_space<vmem_shared>>
      %dma_wait3A_164 = arith.constant 0 : i32
      %dma_wait3A_165 = arith.constant 0 : i32
      %dma_wait3A_166 = tpu.memref_slice %arg8[%run_scoped3A_44, %dma_wait3A_164, %dma_wait3A_165] : memref<6x128x64xf32, #tpu.memory_space<vmem>> -> memref<1x120x64xf32, #tpu.memory_space<vmem>>
      %dma_wait3A_167 = tpu.memref_squeeze %dma_wait3A_166 : memref<1x120x64xf32, #tpu.memory_space<vmem>> -> memref<120x64xf32, #tpu.memory_space<vmem>>
      tpu.wait_dma2 semaphore(%run_scoped3A_143 : memref<!tpu.dma_semaphore, #tpu.memory_space<semaphore_mem>>) src(%dma_wait3A_167 : memref<120x64xf32, #tpu.memory_space<vmem>>) dst(%dma_wait3A_163 : memref<120x64xf32, #tpu.memory_space<vmem_shared>>)
      tpu.yield
    }) : () -> ()
    %dma_wait3A = arith.constant 0 : i32
    %dma_wait3A_45 = arith.constant 0 : i32
    %dma_wait3A_46 = tpu.memref_slice %arg3[%add3A, %dma_wait3A, %dma_wait3A_45] : memref<32x79x128xi32, #tpu.memory_space<hbm>> -> memref<1x79x128xi32, #tpu.memory_space<hbm>>
    %dma_wait3A_47 = tpu.memref_squeeze %dma_wait3A_46 : memref<1x79x128xi32, #tpu.memory_space<hbm>> -> memref<79x128xi32, #tpu.memory_space<hbm>>
    %dma_wait3A_48 = arith.constant 0 : i32
    %dma_wait3A_49 = arith.constant 0 : i32
    %dma_wait3A_50 = tpu.memref_slice %arg3[%add3A, %dma_wait3A_48, %dma_wait3A_49] : memref<32x79x128xi32, #tpu.memory_space<hbm>> -> memref<1x79x128xi32, #tpu.memory_space<hbm>>
    %dma_wait3A_51 = tpu.memref_squeeze %dma_wait3A_50 : memref<1x79x128xi32, #tpu.memory_space<hbm>> -> memref<79x128xi32, #tpu.memory_space<hbm>>
    tpu.wait_dma2 semaphore(%arg12 : memref<!tpu.dma_semaphore, #tpu.memory_space<semaphore_mem>>) src(%dma_wait3A_51 : memref<79x128xi32, #tpu.memory_space<hbm>>) dst(%arg6 : memref<79x128xi32, #tpu.memory_space<vmem>>)
    %dma_wait3A_52 = arith.constant 0 : i32
    %dma_wait3A_53 = arith.constant 0 : i32
    %dma_wait3A_54 = tpu.memref_slice %arg4[%add3A, %dma_wait3A_52, %dma_wait3A_53] : memref<32x79x128xi32, #tpu.memory_space<hbm>> -> memref<1x79x128xi32, #tpu.memory_space<hbm>>
    %dma_wait3A_55 = tpu.memref_squeeze %dma_wait3A_54 : memref<1x79x128xi32, #tpu.memory_space<hbm>> -> memref<79x128xi32, #tpu.memory_space<hbm>>
    %dma_wait3A_56 = arith.constant 0 : i32
    %dma_wait3A_57 = arith.constant 0 : i32
    %dma_wait3A_58 = tpu.memref_slice %arg4[%add3A, %dma_wait3A_56, %dma_wait3A_57] : memref<32x79x128xi32, #tpu.memory_space<hbm>> -> memref<1x79x128xi32, #tpu.memory_space<hbm>>
    %dma_wait3A_59 = tpu.memref_squeeze %dma_wait3A_58 : memref<1x79x128xi32, #tpu.memory_space<hbm>> -> memref<79x128xi32, #tpu.memory_space<hbm>>
    tpu.wait_dma2 semaphore(%arg12 : memref<!tpu.dma_semaphore, #tpu.memory_space<semaphore_mem>>) src(%dma_wait3A_59 : memref<79x128xi32, #tpu.memory_space<hbm>>) dst(%arg7 : memref<79x128xi32, #tpu.memory_space<vmem>>)
    %barrier3A = arith.constant 0 : index
    tpu.barrier barrier_id(%barrier3A)
    %dma_start3A_60 = arith.constant 0 : i32
    %dma_start3A_61 = arith.constant 0 : i32
    %dma_start3A_62 = arith.constant 0 : i32
    %dma_start3A_63 = arith.constant 0 : i32
    %dma_start3A_64 = tpu.memref_slice %arg8[%dma_start3A_61, %dma_start3A_62, %dma_start3A_63] : memref<6x128x64xf32, #tpu.memory_space<vmem>> -> memref<1x128x64xf32, #tpu.memory_space<vmem>>
    %dma_start3A_65 = tpu.memref_squeeze %dma_start3A_64 : memref<1x128x64xf32, #tpu.memory_space<vmem>> -> memref<128x64xf32, #tpu.memory_space<vmem>>
    %dma_start3A_66 = arith.constant 0 : i32
    %dma_start3A_67 = tpu.memref_slice %arg6[%dma_start3A_60, %dma_start3A_66] : memref<79x128xi32, #tpu.memory_space<vmem>> -> memref<1x128xi32, #tpu.memory_space<vmem>>
    %dma_start3A_68 = tpu.memref_squeeze %dma_start3A_67 : memref<1x128xi32, #tpu.memory_space<vmem>> -> memref<128xi32, #tpu.memory_space<vmem>>
    %dma_start3A_69 = arith.constant 0 : i32
    %dma_start3A_70 = arith.constant 0 : i32
    %dma_start3A_71 = tpu.memref_slice %arg2[%dma_start3A_69, %dma_start3A_70] : memref<10000x64xf32, #tpu.memory_space<hbm>> -> memref<10000x64xf32, #tpu.memory_space<hbm>>
    tpu.enqueue_indirect_dma source(%dma_start3A_71 : memref<10000x64xf32, #tpu.memory_space<hbm>>) target(%dma_start3A_65 : memref<128x64xf32, #tpu.memory_space<vmem>>) offsets(%dma_start3A_68 : memref<128xi32, #tpu.memory_space<vmem>>) semaphore(%arg10 : memref<!tpu.dma_semaphore, #tpu.memory_space<semaphore_mem>>)
    %dma_start3A_72 = arith.constant 1 : i32
    %dma_start3A_73 = arith.constant 1 : i32
    %dma_start3A_74 = arith.constant 0 : i32
    %dma_start3A_75 = arith.constant 0 : i32
    %dma_start3A_76 = tpu.memref_slice %arg8[%dma_start3A_73, %dma_start3A_74, %dma_start3A_75] : memref<6x128x64xf32, #tpu.memory_space<vmem>> -> memref<1x128x64xf32, #tpu.memory_space<vmem>>
    %dma_start3A_77 = tpu.memref_squeeze %dma_start3A_76 : memref<1x128x64xf32, #tpu.memory_space<vmem>> -> memref<128x64xf32, #tpu.memory_space<vmem>>
    %dma_start3A_78 = arith.constant 0 : i32
    %dma_start3A_79 = tpu.memref_slice %arg6[%dma_start3A_72, %dma_start3A_78] : memref<79x128xi32, #tpu.memory_space<vmem>> -> memref<1x128xi32, #tpu.memory_space<vmem>>
    %dma_start3A_80 = tpu.memref_squeeze %dma_start3A_79 : memref<1x128xi32, #tpu.memory_space<vmem>> -> memref<128xi32, #tpu.memory_space<vmem>>
    %dma_start3A_81 = arith.constant 0 : i32
    %dma_start3A_82 = arith.constant 0 : i32
    %dma_start3A_83 = tpu.memref_slice %arg2[%dma_start3A_81, %dma_start3A_82] : memref<10000x64xf32, #tpu.memory_space<hbm>> -> memref<10000x64xf32, #tpu.memory_space<hbm>>
    tpu.enqueue_indirect_dma source(%dma_start3A_83 : memref<10000x64xf32, #tpu.memory_space<hbm>>) target(%dma_start3A_77 : memref<128x64xf32, #tpu.memory_space<vmem>>) offsets(%dma_start3A_80 : memref<128xi32, #tpu.memory_space<vmem>>) semaphore(%arg10 : memref<!tpu.dma_semaphore, #tpu.memory_space<semaphore_mem>>)
    %dma_start3A_84 = arith.constant 2 : i32
    %dma_start3A_85 = arith.constant 2 : i32
    %dma_start3A_86 = arith.constant 0 : i32
    %dma_start3A_87 = arith.constant 0 : i32
    %dma_start3A_88 = tpu.memref_slice %arg8[%dma_start3A_85, %dma_start3A_86, %dma_start3A_87] : memref<6x128x64xf32, #tpu.memory_space<vmem>> -> memref<1x128x64xf32, #tpu.memory_space<vmem>>
    %dma_start3A_89 = tpu.memref_squeeze %dma_start3A_88 : memref<1x128x64xf32, #tpu.memory_space<vmem>> -> memref<128x64xf32, #tpu.memory_space<vmem>>
    %dma_start3A_90 = arith.constant 0 : i32
    %dma_start3A_91 = tpu.memref_slice %arg6[%dma_start3A_84, %dma_start3A_90] : memref<79x128xi32, #tpu.memory_space<vmem>> -> memref<1x128xi32, #tpu.memory_space<vmem>>
    %dma_start3A_92 = tpu.memref_squeeze %dma_start3A_91 : memref<1x128xi32, #tpu.memory_space<vmem>> -> memref<128xi32, #tpu.memory_space<vmem>>
    %dma_start3A_93 = arith.constant 0 : i32
    %dma_start3A_94 = arith.constant 0 : i32
    %dma_start3A_95 = tpu.memref_slice %arg2[%dma_start3A_93, %dma_start3A_94] : memref<10000x64xf32, #tpu.memory_space<hbm>> -> memref<10000x64xf32, #tpu.memory_space<hbm>>
    tpu.enqueue_indirect_dma source(%dma_start3A_95 : memref<10000x64xf32, #tpu.memory_space<hbm>>) target(%dma_start3A_89 : memref<128x64xf32, #tpu.memory_space<vmem>>) offsets(%dma_start3A_92 : memref<128xi32, #tpu.memory_space<vmem>>) semaphore(%arg10 : memref<!tpu.dma_semaphore, #tpu.memory_space<semaphore_mem>>)
    %dma_start3A_96 = arith.constant 3 : i32
    %dma_start3A_97 = arith.constant 3 : i32
    %dma_start3A_98 = arith.constant 0 : i32
    %dma_start3A_99 = arith.constant 0 : i32
    %dma_start3A_100 = tpu.memref_slice %arg8[%dma_start3A_97, %dma_start3A_98, %dma_start3A_99] : memref<6x128x64xf32, #tpu.memory_space<vmem>> -> memref<1x128x64xf32, #tpu.memory_space<vmem>>
    %dma_start3A_101 = tpu.memref_squeeze %dma_start3A_100 : memref<1x128x64xf32, #tpu.memory_space<vmem>> -> memref<128x64xf32, #tpu.memory_space<vmem>>
    %dma_start3A_102 = arith.constant 0 : i32
    %dma_start3A_103 = tpu.memref_slice %arg6[%dma_start3A_96, %dma_start3A_102] : memref<79x128xi32, #tpu.memory_space<vmem>> -> memref<1x128xi32, #tpu.memory_space<vmem>>
    %dma_start3A_104 = tpu.memref_squeeze %dma_start3A_103 : memref<1x128xi32, #tpu.memory_space<vmem>> -> memref<128xi32, #tpu.memory_space<vmem>>
    %dma_start3A_105 = arith.constant 0 : i32
    %dma_start3A_106 = arith.constant 0 : i32
    %dma_start3A_107 = tpu.memref_slice %arg2[%dma_start3A_105, %dma_start3A_106] : memref<10000x64xf32, #tpu.memory_space<hbm>> -> memref<10000x64xf32, #tpu.memory_space<hbm>>
    tpu.enqueue_indirect_dma source(%dma_start3A_107 : memref<10000x64xf32, #tpu.memory_space<hbm>>) target(%dma_start3A_101 : memref<128x64xf32, #tpu.memory_space<vmem>>) offsets(%dma_start3A_104 : memref<128xi32, #tpu.memory_space<vmem>>) semaphore(%arg10 : memref<!tpu.dma_semaphore, #tpu.memory_space<semaphore_mem>>)
    %scan3A_108 = arith.constant 0 : i32
    %scan3A_109 = arith.constant 0 : i32
    %scan3A_110 = arith.constant 79 : i32
    %scan3A_111 = arith.addi %scan3A_109, %scan3A_110 : i32
    %scan3A_112 = arith.constant 1 : i32
    scf.for %scan3A_143 = %scan3A_109 to %scan3A_111 step %scan3A_112  : i32 {
      %rem3A = arith.constant 6 : i32
      %rem3A_144 = arith.remsi %scan3A_143, %rem3A : i32
      %dma_wait3A_145 = arith.constant 0 : i32
      %dma_wait3A_146 = arith.constant 0 : i32
      %dma_wait3A_147 = tpu.memref_slice %arg8[%rem3A_144, %dma_wait3A_145, %dma_wait3A_146] : memref<6x128x64xf32, #tpu.memory_space<vmem>> -> memref<1x128x64xf32, #tpu.memory_space<vmem>>
      %dma_wait3A_148 = tpu.memref_squeeze %dma_wait3A_147 : memref<1x128x64xf32, #tpu.memory_space<vmem>> -> memref<128x64xf32, #tpu.memory_space<vmem>>
      %dma_wait3A_149 = arith.constant 0 : i32
      %dma_wait3A_150 = tpu.memref_slice %arg6[%scan3A_143, %dma_wait3A_149] : memref<79x128xi32, #tpu.memory_space<vmem>> -> memref<1x128xi32, #tpu.memory_space<vmem>>
      %dma_wait3A_151 = tpu.memref_squeeze %dma_wait3A_150 : memref<1x128xi32, #tpu.memory_space<vmem>> -> memref<128xi32, #tpu.memory_space<vmem>>
      %dma_wait3A_152 = arith.constant 0 : i32
      %dma_wait3A_153 = arith.constant 0 : i32
      %dma_wait3A_154 = tpu.memref_slice %arg2[%dma_wait3A_152, %dma_wait3A_153] : memref<10000x64xf32, #tpu.memory_space<hbm>> -> memref<10000x64xf32, #tpu.memory_space<hbm>>
      tpu.wait_indirect_dma semaphore(%arg10 : memref<!tpu.dma_semaphore, #tpu.memory_space<semaphore_mem>>) src(%dma_wait3A_154 : memref<10000x64xf32, #tpu.memory_space<hbm>>) dst(%dma_wait3A_148 : memref<128x64xf32, #tpu.memory_space<vmem>>)
      %dma_start3A_155 = arith.constant 0 : i32
      %dma_start3A_156 = arith.constant 0 : i32
      %dma_start3A_157 = tpu.memref_slice %arg8[%rem3A_144, %dma_start3A_155, %dma_start3A_156] : memref<6x128x64xf32, #tpu.memory_space<vmem>> -> memref<1x128x64xf32, #tpu.memory_space<vmem>>
      %dma_start3A_158 = tpu.memref_squeeze %dma_start3A_157 : memref<1x128x64xf32, #tpu.memory_space<vmem>> -> memref<128x64xf32, #tpu.memory_space<vmem>>
      %dma_start3A_159 = arith.constant 0 : i32
      %dma_start3A_160 = tpu.memref_slice %arg7[%scan3A_143, %dma_start3A_159] : memref<79x128xi32, #tpu.memory_space<vmem>> -> memref<1x128xi32, #tpu.memory_space<vmem>>
      %dma_start3A_161 = tpu.memref_squeeze %dma_start3A_160 : memref<1x128xi32, #tpu.memory_space<vmem>> -> memref<128xi32, #tpu.memory_space<vmem>>
      %dma_start3A_162 = arith.constant 0 : i32
      %dma_start3A_163 = arith.constant 0 : i32
      %dma_start3A_164 = tpu.memref_slice %arg9[%dma_start3A_162, %dma_start3A_163] : memref<10112x64xf32, #tpu.memory_space<vmem_shared>> -> memref<10112x64xf32, #tpu.memory_space<vmem_shared>>
      tpu.enqueue_indirect_dma source(%dma_start3A_158 : memref<128x64xf32, #tpu.memory_space<vmem>>) target(%dma_start3A_164 : memref<10112x64xf32, #tpu.memory_space<vmem_shared>>) offsets(%dma_start3A_161 : memref<128xi32, #tpu.memory_space<vmem>>) semaphore(%arg11 : memref<!tpu.dma_semaphore, #tpu.memory_space<semaphore_mem>>) {add = true}
      %ge3A = arith.constant 2 : i32
      %ge3A_165 = arith.cmpi sge, %scan3A_143, %ge3A : i32
      %convert_element_type3A = arith.extui %ge3A_165 : i1 to i32
      %cond3A = arith.constant 0 : i32
      %cond3A_166 = arith.cmpi ne, %convert_element_type3A, %cond3A : i32
      scf.if %cond3A_166 {
        %sub3A = arith.constant 2 : i32
        %sub3A_173 = arith.subi %scan3A_143, %sub3A : i32
        %rem3A_174 = arith.constant 6 : i32
        %rem3A_175 = arith.remsi %sub3A_173, %rem3A_174 : i32
        %dma_wait3A_176 = arith.constant 0 : i32
        %dma_wait3A_177 = arith.constant 0 : i32
        %dma_wait3A_178 = tpu.memref_slice %arg8[%rem3A_175, %dma_wait3A_176, %dma_wait3A_177] : memref<6x128x64xf32, #tpu.memory_space<vmem>> -> memref<1x128x64xf32, #tpu.memory_space<vmem>>
        %dma_wait3A_179 = tpu.memref_squeeze %dma_wait3A_178 : memref<1x128x64xf32, #tpu.memory_space<vmem>> -> memref<128x64xf32, #tpu.memory_space<vmem>>
        %dma_wait3A_180 = arith.constant 0 : i32
        %dma_wait3A_181 = tpu.memref_slice %arg7[%sub3A_173, %dma_wait3A_180] : memref<79x128xi32, #tpu.memory_space<vmem>> -> memref<1x128xi32, #tpu.memory_space<vmem>>
        %dma_wait3A_182 = tpu.memref_squeeze %dma_wait3A_181 : memref<1x128xi32, #tpu.memory_space<vmem>> -> memref<128xi32, #tpu.memory_space<vmem>>
        %dma_wait3A_183 = arith.constant 0 : i32
        %dma_wait3A_184 = arith.constant 0 : i32
        %dma_wait3A_185 = tpu.memref_slice %arg9[%dma_wait3A_183, %dma_wait3A_184] : memref<10112x64xf32, #tpu.memory_space<vmem_shared>> -> memref<10112x64xf32, #tpu.memory_space<vmem_shared>>
        tpu.wait_indirect_dma semaphore(%arg11 : memref<!tpu.dma_semaphore, #tpu.memory_space<semaphore_mem>>) src(%dma_wait3A_179 : memref<128x64xf32, #tpu.memory_space<vmem>>) dst(%dma_wait3A_185 : memref<10112x64xf32, #tpu.memory_space<vmem_shared>>)
      } else {
      }
      %add3A_167 = arith.constant 4 : i32
      %add3A_168 = arith.addi %scan3A_143, %add3A_167 : i32
      %lt3A = arith.constant 79 : i32
      %lt3A_169 = arith.cmpi slt, %add3A_168, %lt3A : i32
      %convert_element_type3A_170 = arith.extui %lt3A_169 : i1 to i32
      %cond3A_171 = arith.constant 0 : i32
      %cond3A_172 = arith.cmpi ne, %convert_element_type3A_170, %cond3A_171 : i32
      scf.if %cond3A_172 {
        %add3A_173 = arith.constant 4 : i32
        %add3A_174 = arith.addi %scan3A_143, %add3A_173 : i32
        %rem3A_175 = arith.constant 6 : i32
        %rem3A_176 = arith.remsi %add3A_174, %rem3A_175 : i32
        %dma_start3A_177 = arith.constant 0 : i32
        %dma_start3A_178 = arith.constant 0 : i32
        %dma_start3A_179 = tpu.memref_slice %arg8[%rem3A_176, %dma_start3A_177, %dma_start3A_178] : memref<6x128x64xf32, #tpu.memory_space<vmem>> -> memref<1x128x64xf32, #tpu.memory_space<vmem>>
        %dma_start3A_180 = tpu.memref_squeeze %dma_start3A_179 : memref<1x128x64xf32, #tpu.memory_space<vmem>> -> memref<128x64xf32, #tpu.memory_space<vmem>>
        %dma_start3A_181 = arith.constant 0 : i32
        %dma_start3A_182 = tpu.memref_slice %arg6[%add3A_174, %dma_start3A_181] : memref<79x128xi32, #tpu.memory_space<vmem>> -> memref<1x128xi32, #tpu.memory_space<vmem>>
        %dma_start3A_183 = tpu.memref_squeeze %dma_start3A_182 : memref<1x128xi32, #tpu.memory_space<vmem>> -> memref<128xi32, #tpu.memory_space<vmem>>
        %dma_start3A_184 = arith.constant 0 : i32
        %dma_start3A_185 = arith.constant 0 : i32
        %dma_start3A_186 = tpu.memref_slice %arg2[%dma_start3A_184, %dma_start3A_185] : memref<10000x64xf32, #tpu.memory_space<hbm>> -> memref<10000x64xf32, #tpu.memory_space<hbm>>
        tpu.enqueue_indirect_dma source(%dma_start3A_186 : memref<10000x64xf32, #tpu.memory_space<hbm>>) target(%dma_start3A_180 : memref<128x64xf32, #tpu.memory_space<vmem>>) offsets(%dma_start3A_183 : memref<128xi32, #tpu.memory_space<vmem>>) semaphore(%arg10 : memref<!tpu.dma_semaphore, #tpu.memory_space<semaphore_mem>>)
      } else {
      }
    }
    %scan3A_113 = arith.constant 79 : i32
    %dma_wait3A_114 = arith.constant 5 : i32
    %dma_wait3A_115 = arith.constant 77 : i32
    %dma_wait3A_116 = arith.constant 0 : i32
    %dma_wait3A_117 = arith.constant 0 : i32
    %dma_wait3A_118 = tpu.memref_slice %arg8[%dma_wait3A_114, %dma_wait3A_116, %dma_wait3A_117] : memref<6x128x64xf32, #tpu.memory_space<vmem>> -> memref<1x128x64xf32, #tpu.memory_space<vmem>>
    %dma_wait3A_119 = tpu.memref_squeeze %dma_wait3A_118 : memref<1x128x64xf32, #tpu.memory_space<vmem>> -> memref<128x64xf32, #tpu.memory_space<vmem>>
    %dma_wait3A_120 = arith.constant 0 : i32
    %dma_wait3A_121 = tpu.memref_slice %arg7[%dma_wait3A_115, %dma_wait3A_120] : memref<79x128xi32, #tpu.memory_space<vmem>> -> memref<1x128xi32, #tpu.memory_space<vmem>>
    %dma_wait3A_122 = tpu.memref_squeeze %dma_wait3A_121 : memref<1x128xi32, #tpu.memory_space<vmem>> -> memref<128xi32, #tpu.memory_space<vmem>>
    %dma_wait3A_123 = arith.constant 0 : i32
    %dma_wait3A_124 = arith.constant 0 : i32
    %dma_wait3A_125 = tpu.memref_slice %arg9[%dma_wait3A_123, %dma_wait3A_124] : memref<10112x64xf32, #tpu.memory_space<vmem_shared>> -> memref<10112x64xf32, #tpu.memory_space<vmem_shared>>
    tpu.wait_indirect_dma semaphore(%arg11 : memref<!tpu.dma_semaphore, #tpu.memory_space<semaphore_mem>>) src(%dma_wait3A_119 : memref<128x64xf32, #tpu.memory_space<vmem>>) dst(%dma_wait3A_125 : memref<10112x64xf32, #tpu.memory_space<vmem_shared>>)
    %dma_wait3A_126 = arith.constant 0 : i32
    %dma_wait3A_127 = arith.constant 78 : i32
    %dma_wait3A_128 = arith.constant 0 : i32
    %dma_wait3A_129 = arith.constant 0 : i32
    %dma_wait3A_130 = tpu.memref_slice %arg8[%dma_wait3A_126, %dma_wait3A_128, %dma_wait3A_129] : memref<6x128x64xf32, #tpu.memory_space<vmem>> -> memref<1x128x64xf32, #tpu.memory_space<vmem>>
    %dma_wait3A_131 = tpu.memref_squeeze %dma_wait3A_130 : memref<1x128x64xf32, #tpu.memory_space<vmem>> -> memref<128x64xf32, #tpu.memory_space<vmem>>
    %dma_wait3A_132 = arith.constant 0 : i32
    %dma_wait3A_133 = tpu.memref_slice %arg7[%dma_wait3A_127, %dma_wait3A_132] : memref<79x128xi32, #tpu.memory_space<vmem>> -> memref<1x128xi32, #tpu.memory_space<vmem>>
    %dma_wait3A_134 = tpu.memref_squeeze %dma_wait3A_133 : memref<1x128xi32, #tpu.memory_space<vmem>> -> memref<128xi32, #tpu.memory_space<vmem>>
    %dma_wait3A_135 = arith.constant 0 : i32
    %dma_wait3A_136 = arith.constant 0 : i32
    %dma_wait3A_137 = tpu.memref_slice %arg9[%dma_wait3A_135, %dma_wait3A_136] : memref<10112x64xf32, #tpu.memory_space<vmem_shared>> -> memref<10112x64xf32, #tpu.memory_space<vmem_shared>>
    tpu.wait_indirect_dma semaphore(%arg11 : memref<!tpu.dma_semaphore, #tpu.memory_space<semaphore_mem>>) src(%dma_wait3A_131 : memref<128x64xf32, #tpu.memory_space<vmem>>) dst(%dma_wait3A_137 : memref<10112x64xf32, #tpu.memory_space<vmem_shared>>)
    %barrier3A_138 = arith.constant 0 : index
    tpu.barrier barrier_id(%barrier3A_138)
    %mul3A_139 = arith.constant 632 : i32
    %mul3A_140 = arith.muli %arg1, %mul3A_139 : i32
    %mul3A_141 = arith.constant 632 : i32
    %mul3A_142 = arith.muli %arg1, %mul3A_141 : i32
    "tpu.region"() ({
      %run_scoped3A_143 = tpu.sem_alloc : memref<!tpu.dma_semaphore, #tpu.memory_space<semaphore_mem>>
      %dma_start3A_144 = arith.constant 0 : i32
      %dma_start3A_145 = tpu.memref_slice %arg5[%arg0, %mul3A_142, %dma_start3A_144] : memref<2x10112x64xf32, #tpu.memory_space<hbm>> -> memref<1x632x64xf32, #tpu.memory_space<hbm>>
      %dma_start3A_146 = tpu.memref_squeeze %dma_start3A_145 : memref<1x632x64xf32, #tpu.memory_space<hbm>> -> memref<632x64xf32, #tpu.memory_space<hbm>>
      %dma_start3A_147 = arith.constant 0 : i32
      %dma_start3A_148 = tpu.memref_slice %arg9[%mul3A_140, %dma_start3A_147] : memref<10112x64xf32, #tpu.memory_space<vmem_shared>> -> memref<632x64xf32, #tpu.memory_space<vmem_shared>>
      tpu.enqueue_dma source(%dma_start3A_148 : memref<632x64xf32, #tpu.memory_space<vmem_shared>>) target(%dma_start3A_146 : memref<632x64xf32, #tpu.memory_space<hbm>>) target_semaphore(%run_scoped3A_143 : memref<!tpu.dma_semaphore, #tpu.memory_space<semaphore_mem>>)
      %dma_wait3A_149 = arith.constant 0 : i32
      %dma_wait3A_150 = tpu.memref_slice %arg5[%arg0, %mul3A_142, %dma_wait3A_149] : memref<2x10112x64xf32, #tpu.memory_space<hbm>> -> memref<1x632x64xf32, #tpu.memory_space<hbm>>
      %dma_wait3A_151 = tpu.memref_squeeze %dma_wait3A_150 : memref<1x632x64xf32, #tpu.memory_space<hbm>> -> memref<632x64xf32, #tpu.memory_space<hbm>>
      %dma_wait3A_152 = arith.constant 0 : i32
      %dma_wait3A_153 = tpu.memref_slice %arg9[%mul3A_140, %dma_wait3A_152] : memref<10112x64xf32, #tpu.memory_space<vmem_shared>> -> memref<632x64xf32, #tpu.memory_space<vmem_shared>>
      tpu.wait_dma2 semaphore(%run_scoped3A_143 : memref<!tpu.dma_semaphore, #tpu.memory_space<semaphore_mem>>) src(%dma_wait3A_153 : memref<632x64xf32, #tpu.memory_space<vmem_shared>>) dst(%dma_wait3A_151 : memref<632x64xf32, #tpu.memory_space<hbm>>)
      tpu.yield
    }) : () -> ()
    return
  }
}

#map = affine_map<(d0, d1) -> (0, 0)>
#map1 = affine_map<(d0, d1) -> (0, 0, 0)>
module attributes {stable_mosaic.version = 14 : i64} {
  func.func @agg(%arg0: i32, %arg1: i32, %arg2: memref<10000x64xf32, #tpu.memory_space<hbm>>, %arg3: memref<32x79x128xi32, #tpu.memory_space<hbm>>, %arg4: memref<32x79x128xi32, #tpu.memory_space<hbm>>, %arg5: memref<2x10112x64xf32, #tpu.memory_space<hbm>>, %arg6: memref<79x128xi32, #tpu.memory_space<vmem>>, %arg7: memref<79x128xi32, #tpu.memory_space<vmem>>, %arg8: memref<6x128x64xf32, #tpu.memory_space<vmem>>, %arg9: memref<10112x64xf32, #tpu.memory_space<vmem_shared>>, %arg10: memref<!tpu.dma_semaphore, #tpu.memory_space<semaphore_mem>>, %arg11: memref<!tpu.dma_semaphore, #tpu.memory_space<semaphore_mem>>, %arg12: memref<!tpu.dma_semaphore, #tpu.memory_space<semaphore_mem>>) attributes {dimension_semantics = [#tpu.dimension_semantics<core_parallel>, #tpu.dimension_semantics<subcore_parallel>], iteration_bounds = array<i64: 2, 16>, scalar_prefetch = 0 : i64, scratch_operands = 7 : i64, tpu.core_type = #tpu.core_type<sc_vector_subcore>, window_params = [{transform_indices = #map}, {transform_indices = #map1}, {transform_indices = #map1}, {transform_indices = #map1}]} {
    %mul3A = arith.constant 16 : i32
    %mul3A_0 = arith.muli %arg0, %mul3A : i32
    %add3A = arith.addi %mul3A_0, %arg1 : i32
    %dma_start3A = arith.constant 0 : i32
    %dma_start3A_1 = arith.constant 0 : i32
    %dma_start3A_2 = tpu.memref_slice %arg3[%add3A, %dma_start3A, %dma_start3A_1] : memref<32x79x128xi32, #tpu.memory_space<hbm>> -> memref<1x79x128xi32, #tpu.memory_space<hbm>>
    %dma_start3A_3 = tpu.memref_squeeze %dma_start3A_2 : memref<1x79x128xi32, #tpu.memory_space<hbm>> -> memref<79x128xi32, #tpu.memory_space<hbm>>
    %dma_start3A_4 = arith.constant 0 : i32
    %dma_start3A_5 = arith.constant 0 : i32
    %dma_start3A_6 = tpu.memref_slice %arg3[%add3A, %dma_start3A_4, %dma_start3A_5] : memref<32x79x128xi32, #tpu.memory_space<hbm>> -> memref<1x79x128xi32, #tpu.memory_space<hbm>>
    %dma_start3A_7 = tpu.memref_squeeze %dma_start3A_6 : memref<1x79x128xi32, #tpu.memory_space<hbm>> -> memref<79x128xi32, #tpu.memory_space<hbm>>
    tpu.enqueue_dma source(%dma_start3A_7 : memref<79x128xi32, #tpu.memory_space<hbm>>) target(%arg6 : memref<79x128xi32, #tpu.memory_space<vmem>>) target_semaphore(%arg12 : memref<!tpu.dma_semaphore, #tpu.memory_space<semaphore_mem>>)
    %dma_start3A_8 = arith.constant 0 : i32
    %dma_start3A_9 = arith.constant 0 : i32
    %dma_start3A_10 = tpu.memref_slice %arg4[%add3A, %dma_start3A_8, %dma_start3A_9] : memref<32x79x128xi32, #tpu.memory_space<hbm>> -> memref<1x79x128xi32, #tpu.memory_space<hbm>>
    %dma_start3A_11 = tpu.memref_squeeze %dma_start3A_10 : memref<1x79x128xi32, #tpu.memory_space<hbm>> -> memref<79x128xi32, #tpu.memory_space<hbm>>
    %dma_start3A_12 = arith.constant 0 : i32
    %dma_start3A_13 = arith.constant 0 : i32
    %dma_start3A_14 = tpu.memref_slice %arg4[%add3A, %dma_start3A_12, %dma_start3A_13] : memref<32x79x128xi32, #tpu.memory_space<hbm>> -> memref<1x79x128xi32, #tpu.memory_space<hbm>>
    %dma_start3A_15 = tpu.memref_squeeze %dma_start3A_14 : memref<1x79x128xi32, #tpu.memory_space<hbm>> -> memref<79x128xi32, #tpu.memory_space<hbm>>
    tpu.enqueue_dma source(%dma_start3A_15 : memref<79x128xi32, #tpu.memory_space<hbm>>) target(%arg7 : memref<79x128xi32, #tpu.memory_space<vmem>>) target_semaphore(%arg12 : memref<!tpu.dma_semaphore, #tpu.memory_space<semaphore_mem>>)
    %scan3A = arith.constant 0 : i32
    %scan3A_16 = arith.constant 0 : i32
    %scan3A_17 = arith.constant 128 : i32
    %scan3A_18 = arith.addi %scan3A_16, %scan3A_17 : i32
    %scan3A_19 = arith.constant 1 : i32
    scf.for %scan3A_143 = %scan3A_16 to %scan3A_18 step %scan3A_19  : i32 {
      %broadcast_in_dim3A = arith.constant 0.000000e+00 : f32
      %broadcast_in_dim3A_144 = vector.broadcast %broadcast_in_dim3A : f32 to vector<16xf32>
      %swap3A = arith.constant 0 : i32
      %swap3A_145 = arith.index_cast %swap3A : i32 to index
      %swap3A_146 = arith.index_cast %scan3A_143 : i32 to index
      %swap3A_147 = arith.constant 0 : index
      %swap3A_148 = tpu.vector_load %arg8[%swap3A_145, %swap3A_146, %swap3A_147] {strides = array<i32>} : memref<6x128x64xf32, #tpu.memory_space<vmem>>, vector<1x1x16xf32>,
      %swap3A_149 = vector.shape_cast %swap3A_148 : vector<1x1x16xf32> to vector<16xf32>
      %swap3A_150 = vector.shape_cast %broadcast_in_dim3A_144 : vector<16xf32> to vector<1x1x16xf32>
      tpu.vector_store %arg8[%swap3A_145, %swap3A_146, %swap3A_147], %swap3A_150 {strides = array<i32>} : memref<6x128x64xf32, #tpu.memory_space<vmem>>, vector<1x1x16xf32>,
      %broadcast_in_dim3A_151 = arith.constant 0.000000e+00 : f32
      %broadcast_in_dim3A_152 = vector.broadcast %broadcast_in_dim3A_151 : f32 to vector<16xf32>
      %swap3A_153 = arith.constant 0 : i32
      %swap3A_154 = arith.index_cast %swap3A_153 : i32 to index
      %swap3A_155 = arith.index_cast %scan3A_143 : i32 to index
      %swap3A_156 = arith.constant 16 : index
      %swap3A_157 = tpu.vector_load %arg8[%swap3A_154, %swap3A_155, %swap3A_156] {strides = array<i32>} : memref<6x128x64xf32, #tpu.memory_space<vmem>>, vector<1x1x16xf32>,
      %swap3A_158 = vector.shape_cast %swap3A_157 : vector<1x1x16xf32> to vector<16xf32>
      %swap3A_159 = vector.shape_cast %broadcast_in_dim3A_152 : vector<16xf32> to vector<1x1x16xf32>
      tpu.vector_store %arg8[%swap3A_154, %swap3A_155, %swap3A_156], %swap3A_159 {strides = array<i32>} : memref<6x128x64xf32, #tpu.memory_space<vmem>>, vector<1x1x16xf32>,
      %broadcast_in_dim3A_160 = arith.constant 0.000000e+00 : f32
      %broadcast_in_dim3A_161 = vector.broadcast %broadcast_in_dim3A_160 : f32 to vector<16xf32>
      %swap3A_162 = arith.constant 0 : i32
      %swap3A_163 = arith.index_cast %swap3A_162 : i32 to index
      %swap3A_164 = arith.index_cast %scan3A_143 : i32 to index
      %swap3A_165 = arith.constant 32 : index
      %swap3A_166 = tpu.vector_load %arg8[%swap3A_163, %swap3A_164, %swap3A_165] {strides = array<i32>} : memref<6x128x64xf32, #tpu.memory_space<vmem>>, vector<1x1x16xf32>,
      %swap3A_167 = vector.shape_cast %swap3A_166 : vector<1x1x16xf32> to vector<16xf32>
      %swap3A_168 = vector.shape_cast %broadcast_in_dim3A_161 : vector<16xf32> to vector<1x1x16xf32>
      tpu.vector_store %arg8[%swap3A_163, %swap3A_164, %swap3A_165], %swap3A_168 {strides = array<i32>} : memref<6x128x64xf32, #tpu.memory_space<vmem>>, vector<1x1x16xf32>,
      %broadcast_in_dim3A_169 = arith.constant 0.000000e+00 : f32
      %broadcast_in_dim3A_170 = vector.broadcast %broadcast_in_dim3A_169 : f32 to vector<16xf32>
      %swap3A_171 = arith.constant 0 : i32
      %swap3A_172 = arith.index_cast %swap3A_171 : i32 to index
      %swap3A_173 = arith.index_cast %scan3A_143 : i32 to index
      %swap3A_174 = arith.constant 48 : index
      %swap3A_175 = tpu.vector_load %arg8[%swap3A_172, %swap3A_173, %swap3A_174] {strides = array<i32>} : memref<6x128x64xf32, #tpu.memory_space<vmem>>, vector<1x1x16xf32>,
      %swap3A_176 = vector.shape_cast %swap3A_175 : vector<1x1x16xf32> to vector<16xf32>
      %swap3A_177 = vector.shape_cast %broadcast_in_dim3A_170 : vector<16xf32> to vector<1x1x16xf32>
      tpu.vector_store %arg8[%swap3A_172, %swap3A_173, %swap3A_174], %swap3A_177 {strides = array<i32>} : memref<6x128x64xf32, #tpu.memory_space<vmem>>, vector<1x1x16xf32>,
    }
    %scan3A_20 = arith.constant 128 : i32
    %mul3A_21 = arith.constant 632 : i32
    %mul3A_22 = arith.muli %arg1, %mul3A_21 : i32
    %add3A_23 = arith.constant 0 : i32
    %add3A_24 = arith.addi %mul3A_22, %add3A_23 : i32
    %run_scoped3A = arith.constant 0 : i32
    "tpu.region"() ({
      %run_scoped3A_143 = tpu.sem_alloc : memref<!tpu.dma_semaphore, #tpu.memory_space<semaphore_mem>>
      %dma_start3A_144 = arith.constant 0 : i32
      %dma_start3A_145 = arith.constant 0 : i32
      %dma_start3A_146 = tpu.memref_slice %arg8[%run_scoped3A, %dma_start3A_144, %dma_start3A_145] : memref<6x128x64xf32, #tpu.memory_space<vmem>> -> memref<1x128x64xf32, #tpu.memory_space<vmem>>
      %dma_start3A_147 = tpu.memref_squeeze %dma_start3A_146 : memref<1x128x64xf32, #tpu.memory_space<vmem>> -> memref<128x64xf32, #tpu.memory_space<vmem>>
      %dma_start3A_148 = arith.constant 0 : i32
      %dma_start3A_149 = tpu.memref_slice %arg9[%add3A_24, %dma_start3A_148] : memref<10112x64xf32, #tpu.memory_space<vmem_shared>> -> memref<128x64xf32, #tpu.memory_space<vmem_shared>>
      %dma_start3A_150 = arith.constant 0 : i32
      %dma_start3A_151 = tpu.memref_slice %arg9[%add3A_24, %dma_start3A_150] : memref<10112x64xf32, #tpu.memory_space<vmem_shared>> -> memref<128x64xf32, #tpu.memory_space<vmem_shared>>
      %dma_start3A_152 = arith.constant 0 : i32
      %dma_start3A_153 = arith.constant 0 : i32
      %dma_start3A_154 = tpu.memref_slice %arg8[%run_scoped3A, %dma_start3A_152, %dma_start3A_153] : memref<6x128x64xf32, #tpu.memory_space<vmem>> -> memref<1x128x64xf32, #tpu.memory_space<vmem>>
      %dma_start3A_155 = tpu.memref_squeeze %dma_start3A_154 : memref<1x128x64xf32, #tpu.memory_space<vmem>> -> memref<128x64xf32, #tpu.memory_space<vmem>>
      tpu.enqueue_dma source(%dma_start3A_155 : memref<128x64xf32, #tpu.memory_space<vmem>>) target(%dma_start3A_151 : memref<128x64xf32, #tpu.memory_space<vmem_shared>>) target_semaphore(%run_scoped3A_143 : memref<!tpu.dma_semaphore, #tpu.memory_space<semaphore_mem>>)
      %dma_wait3A_156 = arith.constant 0 : i32
      %dma_wait3A_157 = arith.constant 0 : i32
      %dma_wait3A_158 = tpu.memref_slice %arg8[%run_scoped3A, %dma_wait3A_156, %dma_wait3A_157] : memref<6x128x64xf32, #tpu.memory_space<vmem>> -> memref<1x128x64xf32, #tpu.memory_space<vmem>>
      %dma_wait3A_159 = tpu.memref_squeeze %dma_wait3A_158 : memref<1x128x64xf32, #tpu.memory_space<vmem>> -> memref<128x64xf32, #tpu.memory_space<vmem>>
      %dma_wait3A_160 = arith.constant 0 : i32
      %dma_wait3A_161 = tpu.memref_slice %arg9[%add3A_24, %dma_wait3A_160] : memref<10112x64xf32, #tpu.memory_space<vmem_shared>> -> memref<128x64xf32, #tpu.memory_space<vmem_shared>>
      %dma_wait3A_162 = arith.constant 0 : i32
      %dma_wait3A_163 = tpu.memref_slice %arg9[%add3A_24, %dma_wait3A_162] : memref<10112x64xf32, #tpu.memory_space<vmem_shared>> -> memref<128x64xf32, #tpu.memory_space<vmem_shared>>
      %dma_wait3A_164 = arith.constant 0 : i32
      %dma_wait3A_165 = arith.constant 0 : i32
      %dma_wait3A_166 = tpu.memref_slice %arg8[%run_scoped3A, %dma_wait3A_164, %dma_wait3A_165] : memref<6x128x64xf32, #tpu.memory_space<vmem>> -> memref<1x128x64xf32, #tpu.memory_space<vmem>>
      %dma_wait3A_167 = tpu.memref_squeeze %dma_wait3A_166 : memref<1x128x64xf32, #tpu.memory_space<vmem>> -> memref<128x64xf32, #tpu.memory_space<vmem>>
      tpu.wait_dma2 semaphore(%run_scoped3A_143 : memref<!tpu.dma_semaphore, #tpu.memory_space<semaphore_mem>>) src(%dma_wait3A_167 : memref<128x64xf32, #tpu.memory_space<vmem>>) dst(%dma_wait3A_163 : memref<128x64xf32, #tpu.memory_space<vmem_shared>>)
      tpu.yield
    }) : () -> ()
    %mul3A_25 = arith.constant 632 : i32
    %mul3A_26 = arith.muli %arg1, %mul3A_25 : i32
    %add3A_27 = arith.constant 128 : i32
    %add3A_28 = arith.addi %mul3A_26, %add3A_27 : i32
    %run_scoped3A_29 = arith.constant 0 : i32
    "tpu.region"() ({
      %run_scoped3A_143 = tpu.sem_alloc : memref<!tpu.dma_semaphore, #tpu.memory_space<semaphore_mem>>
      %dma_start3A_144 = arith.constant 0 : i32
      %dma_start3A_145 = arith.constant 0 : i32
      %dma_start3A_146 = tpu.memref_slice %arg8[%run_scoped3A_29, %dma_start3A_144, %dma_start3A_145] : memref<6x128x64xf32, #tpu.memory_space<vmem>> -> memref<1x128x64xf32, #tpu.memory_space<vmem>>
      %dma_start3A_147 = tpu.memref_squeeze %dma_start3A_146 : memref<1x128x64xf32, #tpu.memory_space<vmem>> -> memref<128x64xf32, #tpu.memory_space<vmem>>
      %dma_start3A_148 = arith.constant 0 : i32
      %dma_start3A_149 = tpu.memref_slice %arg9[%add3A_28, %dma_start3A_148] : memref<10112x64xf32, #tpu.memory_space<vmem_shared>> -> memref<128x64xf32, #tpu.memory_space<vmem_shared>>
      %dma_start3A_150 = arith.constant 0 : i32
      %dma_start3A_151 = tpu.memref_slice %arg9[%add3A_28, %dma_start3A_150] : memref<10112x64xf32, #tpu.memory_space<vmem_shared>> -> memref<128x64xf32, #tpu.memory_space<vmem_shared>>
      %dma_start3A_152 = arith.constant 0 : i32
      %dma_start3A_153 = arith.constant 0 : i32
      %dma_start3A_154 = tpu.memref_slice %arg8[%run_scoped3A_29, %dma_start3A_152, %dma_start3A_153] : memref<6x128x64xf32, #tpu.memory_space<vmem>> -> memref<1x128x64xf32, #tpu.memory_space<vmem>>
      %dma_start3A_155 = tpu.memref_squeeze %dma_start3A_154 : memref<1x128x64xf32, #tpu.memory_space<vmem>> -> memref<128x64xf32, #tpu.memory_space<vmem>>
      tpu.enqueue_dma source(%dma_start3A_155 : memref<128x64xf32, #tpu.memory_space<vmem>>) target(%dma_start3A_151 : memref<128x64xf32, #tpu.memory_space<vmem_shared>>) target_semaphore(%run_scoped3A_143 : memref<!tpu.dma_semaphore, #tpu.memory_space<semaphore_mem>>)
      %dma_wait3A_156 = arith.constant 0 : i32
      %dma_wait3A_157 = arith.constant 0 : i32
      %dma_wait3A_158 = tpu.memref_slice %arg8[%run_scoped3A_29, %dma_wait3A_156, %dma_wait3A_157] : memref<6x128x64xf32, #tpu.memory_space<vmem>> -> memref<1x128x64xf32, #tpu.memory_space<vmem>>
      %dma_wait3A_159 = tpu.memref_squeeze %dma_wait3A_158 : memref<1x128x64xf32, #tpu.memory_space<vmem>> -> memref<128x64xf32, #tpu.memory_space<vmem>>
      %dma_wait3A_160 = arith.constant 0 : i32
      %dma_wait3A_161 = tpu.memref_slice %arg9[%add3A_28, %dma_wait3A_160] : memref<10112x64xf32, #tpu.memory_space<vmem_shared>> -> memref<128x64xf32, #tpu.memory_space<vmem_shared>>
      %dma_wait3A_162 = arith.constant 0 : i32
      %dma_wait3A_163 = tpu.memref_slice %arg9[%add3A_28, %dma_wait3A_162] : memref<10112x64xf32, #tpu.memory_space<vmem_shared>> -> memref<128x64xf32, #tpu.memory_space<vmem_shared>>
      %dma_wait3A_164 = arith.constant 0 : i32
      %dma_wait3A_165 = arith.constant 0 : i32
      %dma_wait3A_166 = tpu.memref_slice %arg8[%run_scoped3A_29, %dma_wait3A_164, %dma_wait3A_165] : memref<6x128x64xf32, #tpu.memory_space<vmem>> -> memref<1x128x64xf32, #tpu.memory_space<vmem>>
      %dma_wait3A_167 = tpu.memref_squeeze %dma_wait3A_166 : memref<1x128x64xf32, #tpu.memory_space<vmem>> -> memref<128x64xf32, #tpu.memory_space<vmem>>
      tpu.wait_dma2 semaphore(%run_scoped3A_143 : memref<!tpu.dma_semaphore, #tpu.memory_space<semaphore_mem>>) src(%dma_wait3A_167 : memref<128x64xf32, #tpu.memory_space<vmem>>) dst(%dma_wait3A_163 : memref<128x64xf32, #tpu.memory_space<vmem_shared>>)
      tpu.yield
    }) : () -> ()
    %mul3A_30 = arith.constant 632 : i32
    %mul3A_31 = arith.muli %arg1, %mul3A_30 : i32
    %add3A_32 = arith.constant 256 : i32
    %add3A_33 = arith.addi %mul3A_31, %add3A_32 : i32
    %run_scoped3A_34 = arith.constant 0 : i32
    "tpu.region"() ({
      %run_scoped3A_143 = tpu.sem_alloc : memref<!tpu.dma_semaphore, #tpu.memory_space<semaphore_mem>>
      %dma_start3A_144 = arith.constant 0 : i32
      %dma_start3A_145 = arith.constant 0 : i32
      %dma_start3A_146 = tpu.memref_slice %arg8[%run_scoped3A_34, %dma_start3A_144, %dma_start3A_145] : memref<6x128x64xf32, #tpu.memory_space<vmem>> -> memref<1x128x64xf32, #tpu.memory_space<vmem>>
      %dma_start3A_147 = tpu.memref_squeeze %dma_start3A_146 : memref<1x128x64xf32, #tpu.memory_space<vmem>> -> memref<128x64xf32, #tpu.memory_space<vmem>>
      %dma_start3A_148 = arith.constant 0 : i32
      %dma_start3A_149 = tpu.memref_slice %arg9[%add3A_33, %dma_start3A_148] : memref<10112x64xf32, #tpu.memory_space<vmem_shared>> -> memref<128x64xf32, #tpu.memory_space<vmem_shared>>
      %dma_start3A_150 = arith.constant 0 : i32
      %dma_start3A_151 = tpu.memref_slice %arg9[%add3A_33, %dma_start3A_150] : memref<10112x64xf32, #tpu.memory_space<vmem_shared>> -> memref<128x64xf32, #tpu.memory_space<vmem_shared>>
      %dma_start3A_152 = arith.constant 0 : i32
      %dma_start3A_153 = arith.constant 0 : i32
      %dma_start3A_154 = tpu.memref_slice %arg8[%run_scoped3A_34, %dma_start3A_152, %dma_start3A_153] : memref<6x128x64xf32, #tpu.memory_space<vmem>> -> memref<1x128x64xf32, #tpu.memory_space<vmem>>
      %dma_start3A_155 = tpu.memref_squeeze %dma_start3A_154 : memref<1x128x64xf32, #tpu.memory_space<vmem>> -> memref<128x64xf32, #tpu.memory_space<vmem>>
      tpu.enqueue_dma source(%dma_start3A_155 : memref<128x64xf32, #tpu.memory_space<vmem>>) target(%dma_start3A_151 : memref<128x64xf32, #tpu.memory_space<vmem_shared>>) target_semaphore(%run_scoped3A_143 : memref<!tpu.dma_semaphore, #tpu.memory_space<semaphore_mem>>)
      %dma_wait3A_156 = arith.constant 0 : i32
      %dma_wait3A_157 = arith.constant 0 : i32
      %dma_wait3A_158 = tpu.memref_slice %arg8[%run_scoped3A_34, %dma_wait3A_156, %dma_wait3A_157] : memref<6x128x64xf32, #tpu.memory_space<vmem>> -> memref<1x128x64xf32, #tpu.memory_space<vmem>>
      %dma_wait3A_159 = tpu.memref_squeeze %dma_wait3A_158 : memref<1x128x64xf32, #tpu.memory_space<vmem>> -> memref<128x64xf32, #tpu.memory_space<vmem>>
      %dma_wait3A_160 = arith.constant 0 : i32
      %dma_wait3A_161 = tpu.memref_slice %arg9[%add3A_33, %dma_wait3A_160] : memref<10112x64xf32, #tpu.memory_space<vmem_shared>> -> memref<128x64xf32, #tpu.memory_space<vmem_shared>>
      %dma_wait3A_162 = arith.constant 0 : i32
      %dma_wait3A_163 = tpu.memref_slice %arg9[%add3A_33, %dma_wait3A_162] : memref<10112x64xf32, #tpu.memory_space<vmem_shared>> -> memref<128x64xf32, #tpu.memory_space<vmem_shared>>
      %dma_wait3A_164 = arith.constant 0 : i32
      %dma_wait3A_165 = arith.constant 0 : i32
      %dma_wait3A_166 = tpu.memref_slice %arg8[%run_scoped3A_34, %dma_wait3A_164, %dma_wait3A_165] : memref<6x128x64xf32, #tpu.memory_space<vmem>> -> memref<1x128x64xf32, #tpu.memory_space<vmem>>
      %dma_wait3A_167 = tpu.memref_squeeze %dma_wait3A_166 : memref<1x128x64xf32, #tpu.memory_space<vmem>> -> memref<128x64xf32, #tpu.memory_space<vmem>>
      tpu.wait_dma2 semaphore(%run_scoped3A_143 : memref<!tpu.dma_semaphore, #tpu.memory_space<semaphore_mem>>) src(%dma_wait3A_167 : memref<128x64xf32, #tpu.memory_space<vmem>>) dst(%dma_wait3A_163 : memref<128x64xf32, #tpu.memory_space<vmem_shared>>)
      tpu.yield
    }) : () -> ()
    %mul3A_35 = arith.constant 632 : i32
    %mul3A_36 = arith.muli %arg1, %mul3A_35 : i32
    %add3A_37 = arith.constant 384 : i32
    %add3A_38 = arith.addi %mul3A_36, %add3A_37 : i32
    %run_scoped3A_39 = arith.constant 0 : i32
    "tpu.region"() ({
      %run_scoped3A_143 = tpu.sem_alloc : memref<!tpu.dma_semaphore, #tpu.memory_space<semaphore_mem>>
      %dma_start3A_144 = arith.constant 0 : i32
      %dma_start3A_145 = arith.constant 0 : i32
      %dma_start3A_146 = tpu.memref_slice %arg8[%run_scoped3A_39, %dma_start3A_144, %dma_start3A_145] : memref<6x128x64xf32, #tpu.memory_space<vmem>> -> memref<1x128x64xf32, #tpu.memory_space<vmem>>
      %dma_start3A_147 = tpu.memref_squeeze %dma_start3A_146 : memref<1x128x64xf32, #tpu.memory_space<vmem>> -> memref<128x64xf32, #tpu.memory_space<vmem>>
      %dma_start3A_148 = arith.constant 0 : i32
      %dma_start3A_149 = tpu.memref_slice %arg9[%add3A_38, %dma_start3A_148] : memref<10112x64xf32, #tpu.memory_space<vmem_shared>> -> memref<128x64xf32, #tpu.memory_space<vmem_shared>>
      %dma_start3A_150 = arith.constant 0 : i32
      %dma_start3A_151 = tpu.memref_slice %arg9[%add3A_38, %dma_start3A_150] : memref<10112x64xf32, #tpu.memory_space<vmem_shared>> -> memref<128x64xf32, #tpu.memory_space<vmem_shared>>
      %dma_start3A_152 = arith.constant 0 : i32
      %dma_start3A_153 = arith.constant 0 : i32
      %dma_start3A_154 = tpu.memref_slice %arg8[%run_scoped3A_39, %dma_start3A_152, %dma_start3A_153] : memref<6x128x64xf32, #tpu.memory_space<vmem>> -> memref<1x128x64xf32, #tpu.memory_space<vmem>>
      %dma_start3A_155 = tpu.memref_squeeze %dma_start3A_154 : memref<1x128x64xf32, #tpu.memory_space<vmem>> -> memref<128x64xf32, #tpu.memory_space<vmem>>
      tpu.enqueue_dma source(%dma_start3A_155 : memref<128x64xf32, #tpu.memory_space<vmem>>) target(%dma_start3A_151 : memref<128x64xf32, #tpu.memory_space<vmem_shared>>) target_semaphore(%run_scoped3A_143 : memref<!tpu.dma_semaphore, #tpu.memory_space<semaphore_mem>>)
      %dma_wait3A_156 = arith.constant 0 : i32
      %dma_wait3A_157 = arith.constant 0 : i32
      %dma_wait3A_158 = tpu.memref_slice %arg8[%run_scoped3A_39, %dma_wait3A_156, %dma_wait3A_157] : memref<6x128x64xf32, #tpu.memory_space<vmem>> -> memref<1x128x64xf32, #tpu.memory_space<vmem>>
      %dma_wait3A_159 = tpu.memref_squeeze %dma_wait3A_158 : memref<1x128x64xf32, #tpu.memory_space<vmem>> -> memref<128x64xf32, #tpu.memory_space<vmem>>
      %dma_wait3A_160 = arith.constant 0 : i32
      %dma_wait3A_161 = tpu.memref_slice %arg9[%add3A_38, %dma_wait3A_160] : memref<10112x64xf32, #tpu.memory_space<vmem_shared>> -> memref<128x64xf32, #tpu.memory_space<vmem_shared>>
      %dma_wait3A_162 = arith.constant 0 : i32
      %dma_wait3A_163 = tpu.memref_slice %arg9[%add3A_38, %dma_wait3A_162] : memref<10112x64xf32, #tpu.memory_space<vmem_shared>> -> memref<128x64xf32, #tpu.memory_space<vmem_shared>>
      %dma_wait3A_164 = arith.constant 0 : i32
      %dma_wait3A_165 = arith.constant 0 : i32
      %dma_wait3A_166 = tpu.memref_slice %arg8[%run_scoped3A_39, %dma_wait3A_164, %dma_wait3A_165] : memref<6x128x64xf32, #tpu.memory_space<vmem>> -> memref<1x128x64xf32, #tpu.memory_space<vmem>>
      %dma_wait3A_167 = tpu.memref_squeeze %dma_wait3A_166 : memref<1x128x64xf32, #tpu.memory_space<vmem>> -> memref<128x64xf32, #tpu.memory_space<vmem>>
      tpu.wait_dma2 semaphore(%run_scoped3A_143 : memref<!tpu.dma_semaphore, #tpu.memory_space<semaphore_mem>>) src(%dma_wait3A_167 : memref<128x64xf32, #tpu.memory_space<vmem>>) dst(%dma_wait3A_163 : memref<128x64xf32, #tpu.memory_space<vmem_shared>>)
      tpu.yield
    }) : () -> ()
    %mul3A_40 = arith.constant 632 : i32
    %mul3A_41 = arith.muli %arg1, %mul3A_40 : i32
    %add3A_42 = arith.constant 512 : i32
    %add3A_43 = arith.addi %mul3A_41, %add3A_42 : i32
    %run_scoped3A_44 = arith.constant 0 : i32
    "tpu.region"() ({
      %run_scoped3A_143 = tpu.sem_alloc : memref<!tpu.dma_semaphore, #tpu.memory_space<semaphore_mem>>
      %dma_start3A_144 = arith.constant 0 : i32
      %dma_start3A_145 = arith.constant 0 : i32
      %dma_start3A_146 = tpu.memref_slice %arg8[%run_scoped3A_44, %dma_start3A_144, %dma_start3A_145] : memref<6x128x64xf32, #tpu.memory_space<vmem>> -> memref<1x120x64xf32, #tpu.memory_space<vmem>>
      %dma_start3A_147 = tpu.memref_squeeze %dma_start3A_146 : memref<1x120x64xf32, #tpu.memory_space<vmem>> -> memref<120x64xf32, #tpu.memory_space<vmem>>
      %dma_start3A_148 = arith.constant 0 : i32
      %dma_start3A_149 = tpu.memref_slice %arg9[%add3A_43, %dma_start3A_148] : memref<10112x64xf32, #tpu.memory_space<vmem_shared>> -> memref<120x64xf32, #tpu.memory_space<vmem_shared>>
      %dma_start3A_150 = arith.constant 0 : i32
      %dma_start3A_151 = tpu.memref_slice %arg9[%add3A_43, %dma_start3A_150] : memref<10112x64xf32, #tpu.memory_space<vmem_shared>> -> memref<120x64xf32, #tpu.memory_space<vmem_shared>>
      %dma_start3A_152 = arith.constant 0 : i32
      %dma_start3A_153 = arith.constant 0 : i32
      %dma_start3A_154 = tpu.memref_slice %arg8[%run_scoped3A_44, %dma_start3A_152, %dma_start3A_153] : memref<6x128x64xf32, #tpu.memory_space<vmem>> -> memref<1x120x64xf32, #tpu.memory_space<vmem>>
      %dma_start3A_155 = tpu.memref_squeeze %dma_start3A_154 : memref<1x120x64xf32, #tpu.memory_space<vmem>> -> memref<120x64xf32, #tpu.memory_space<vmem>>
      tpu.enqueue_dma source(%dma_start3A_155 : memref<120x64xf32, #tpu.memory_space<vmem>>) target(%dma_start3A_151 : memref<120x64xf32, #tpu.memory_space<vmem_shared>>) target_semaphore(%run_scoped3A_143 : memref<!tpu.dma_semaphore, #tpu.memory_space<semaphore_mem>>)
      %dma_wait3A_156 = arith.constant 0 : i32
      %dma_wait3A_157 = arith.constant 0 : i32
      %dma_wait3A_158 = tpu.memref_slice %arg8[%run_scoped3A_44, %dma_wait3A_156, %dma_wait3A_157] : memref<6x128x64xf32, #tpu.memory_space<vmem>> -> memref<1x120x64xf32, #tpu.memory_space<vmem>>
      %dma_wait3A_159 = tpu.memref_squeeze %dma_wait3A_158 : memref<1x120x64xf32, #tpu.memory_space<vmem>> -> memref<120x64xf32, #tpu.memory_space<vmem>>
      %dma_wait3A_160 = arith.constant 0 : i32
      %dma_wait3A_161 = tpu.memref_slice %arg9[%add3A_43, %dma_wait3A_160] : memref<10112x64xf32, #tpu.memory_space<vmem_shared>> -> memref<120x64xf32, #tpu.memory_space<vmem_shared>>
      %dma_wait3A_162 = arith.constant 0 : i32
      %dma_wait3A_163 = tpu.memref_slice %arg9[%add3A_43, %dma_wait3A_162] : memref<10112x64xf32, #tpu.memory_space<vmem_shared>> -> memref<120x64xf32, #tpu.memory_space<vmem_shared>>
      %dma_wait3A_164 = arith.constant 0 : i32
      %dma_wait3A_165 = arith.constant 0 : i32
      %dma_wait3A_166 = tpu.memref_slice %arg8[%run_scoped3A_44, %dma_wait3A_164, %dma_wait3A_165] : memref<6x128x64xf32, #tpu.memory_space<vmem>> -> memref<1x120x64xf32, #tpu.memory_space<vmem>>
      %dma_wait3A_167 = tpu.memref_squeeze %dma_wait3A_166 : memref<1x120x64xf32, #tpu.memory_space<vmem>> -> memref<120x64xf32, #tpu.memory_space<vmem>>
      tpu.wait_dma2 semaphore(%run_scoped3A_143 : memref<!tpu.dma_semaphore, #tpu.memory_space<semaphore_mem>>) src(%dma_wait3A_167 : memref<120x64xf32, #tpu.memory_space<vmem>>) dst(%dma_wait3A_163 : memref<120x64xf32, #tpu.memory_space<vmem_shared>>)
      tpu.yield
    }) : () -> ()
    %dma_wait3A = arith.constant 0 : i32
    %dma_wait3A_45 = arith.constant 0 : i32
    %dma_wait3A_46 = tpu.memref_slice %arg3[%add3A, %dma_wait3A, %dma_wait3A_45] : memref<32x79x128xi32, #tpu.memory_space<hbm>> -> memref<1x79x128xi32, #tpu.memory_space<hbm>>
    %dma_wait3A_47 = tpu.memref_squeeze %dma_wait3A_46 : memref<1x79x128xi32, #tpu.memory_space<hbm>> -> memref<79x128xi32, #tpu.memory_space<hbm>>
    %dma_wait3A_48 = arith.constant 0 : i32
    %dma_wait3A_49 = arith.constant 0 : i32
    %dma_wait3A_50 = tpu.memref_slice %arg3[%add3A, %dma_wait3A_48, %dma_wait3A_49] : memref<32x79x128xi32, #tpu.memory_space<hbm>> -> memref<1x79x128xi32, #tpu.memory_space<hbm>>
    %dma_wait3A_51 = tpu.memref_squeeze %dma_wait3A_50 : memref<1x79x128xi32, #tpu.memory_space<hbm>> -> memref<79x128xi32, #tpu.memory_space<hbm>>
    tpu.wait_dma2 semaphore(%arg12 : memref<!tpu.dma_semaphore, #tpu.memory_space<semaphore_mem>>) src(%dma_wait3A_51 : memref<79x128xi32, #tpu.memory_space<hbm>>) dst(%arg6 : memref<79x128xi32, #tpu.memory_space<vmem>>)
    %dma_wait3A_52 = arith.constant 0 : i32
    %dma_wait3A_53 = arith.constant 0 : i32
    %dma_wait3A_54 = tpu.memref_slice %arg4[%add3A, %dma_wait3A_52, %dma_wait3A_53] : memref<32x79x128xi32, #tpu.memory_space<hbm>> -> memref<1x79x128xi32, #tpu.memory_space<hbm>>
    %dma_wait3A_55 = tpu.memref_squeeze %dma_wait3A_54 : memref<1x79x128xi32, #tpu.memory_space<hbm>> -> memref<79x128xi32, #tpu.memory_space<hbm>>
    %dma_wait3A_56 = arith.constant 0 : i32
    %dma_wait3A_57 = arith.constant 0 : i32
    %dma_wait3A_58 = tpu.memref_slice %arg4[%add3A, %dma_wait3A_56, %dma_wait3A_57] : memref<32x79x128xi32, #tpu.memory_space<hbm>> -> memref<1x79x128xi32, #tpu.memory_space<hbm>>
    %dma_wait3A_59 = tpu.memref_squeeze %dma_wait3A_58 : memref<1x79x128xi32, #tpu.memory_space<hbm>> -> memref<79x128xi32, #tpu.memory_space<hbm>>
    tpu.wait_dma2 semaphore(%arg12 : memref<!tpu.dma_semaphore, #tpu.memory_space<semaphore_mem>>) src(%dma_wait3A_59 : memref<79x128xi32, #tpu.memory_space<hbm>>) dst(%arg7 : memref<79x128xi32, #tpu.memory_space<vmem>>)
    %barrier3A = arith.constant 0 : index
    tpu.barrier barrier_id(%barrier3A)
    %dma_start3A_60 = arith.constant 0 : i32
    %dma_start3A_61 = arith.constant 0 : i32
    %dma_start3A_62 = arith.constant 0 : i32
    %dma_start3A_63 = arith.constant 0 : i32
    %dma_start3A_64 = tpu.memref_slice %arg8[%dma_start3A_61, %dma_start3A_62, %dma_start3A_63] : memref<6x128x64xf32, #tpu.memory_space<vmem>> -> memref<1x128x64xf32, #tpu.memory_space<vmem>>
    %dma_start3A_65 = tpu.memref_squeeze %dma_start3A_64 : memref<1x128x64xf32, #tpu.memory_space<vmem>> -> memref<128x64xf32, #tpu.memory_space<vmem>>
    %dma_start3A_66 = arith.constant 0 : i32
    %dma_start3A_67 = tpu.memref_slice %arg6[%dma_start3A_60, %dma_start3A_66] : memref<79x128xi32, #tpu.memory_space<vmem>> -> memref<1x128xi32, #tpu.memory_space<vmem>>
    %dma_start3A_68 = tpu.memref_squeeze %dma_start3A_67 : memref<1x128xi32, #tpu.memory_space<vmem>> -> memref<128xi32, #tpu.memory_space<vmem>>
    %dma_start3A_69 = arith.constant 0 : i32
    %dma_start3A_70 = arith.constant 0 : i32
    %dma_start3A_71 = tpu.memref_slice %arg2[%dma_start3A_69, %dma_start3A_70] : memref<10000x64xf32, #tpu.memory_space<hbm>> -> memref<10000x64xf32, #tpu.memory_space<hbm>>
    tpu.enqueue_indirect_dma source(%dma_start3A_71 : memref<10000x64xf32, #tpu.memory_space<hbm>>) target(%dma_start3A_65 : memref<128x64xf32, #tpu.memory_space<vmem>>) offsets(%dma_start3A_68 : memref<128xi32, #tpu.memory_space<vmem>>) semaphore(%arg10 : memref<!tpu.dma_semaphore, #tpu.memory_space<semaphore_mem>>)
    %dma_start3A_72 = arith.constant 1 : i32
    %dma_start3A_73 = arith.constant 1 : i32
    %dma_start3A_74 = arith.constant 0 : i32
    %dma_start3A_75 = arith.constant 0 : i32
    %dma_start3A_76 = tpu.memref_slice %arg8[%dma_start3A_73, %dma_start3A_74, %dma_start3A_75] : memref<6x128x64xf32, #tpu.memory_space<vmem>> -> memref<1x128x64xf32, #tpu.memory_space<vmem>>
    %dma_start3A_77 = tpu.memref_squeeze %dma_start3A_76 : memref<1x128x64xf32, #tpu.memory_space<vmem>> -> memref<128x64xf32, #tpu.memory_space<vmem>>
    %dma_start3A_78 = arith.constant 0 : i32
    %dma_start3A_79 = tpu.memref_slice %arg6[%dma_start3A_72, %dma_start3A_78] : memref<79x128xi32, #tpu.memory_space<vmem>> -> memref<1x128xi32, #tpu.memory_space<vmem>>
    %dma_start3A_80 = tpu.memref_squeeze %dma_start3A_79 : memref<1x128xi32, #tpu.memory_space<vmem>> -> memref<128xi32, #tpu.memory_space<vmem>>
    %dma_start3A_81 = arith.constant 0 : i32
    %dma_start3A_82 = arith.constant 0 : i32
    %dma_start3A_83 = tpu.memref_slice %arg2[%dma_start3A_81, %dma_start3A_82] : memref<10000x64xf32, #tpu.memory_space<hbm>> -> memref<10000x64xf32, #tpu.memory_space<hbm>>
    tpu.enqueue_indirect_dma source(%dma_start3A_83 : memref<10000x64xf32, #tpu.memory_space<hbm>>) target(%dma_start3A_77 : memref<128x64xf32, #tpu.memory_space<vmem>>) offsets(%dma_start3A_80 : memref<128xi32, #tpu.memory_space<vmem>>) semaphore(%arg10 : memref<!tpu.dma_semaphore, #tpu.memory_space<semaphore_mem>>)
    %dma_start3A_84 = arith.constant 2 : i32
    %dma_start3A_85 = arith.constant 2 : i32
    %dma_start3A_86 = arith.constant 0 : i32
    %dma_start3A_87 = arith.constant 0 : i32
    %dma_start3A_88 = tpu.memref_slice %arg8[%dma_start3A_85, %dma_start3A_86, %dma_start3A_87] : memref<6x128x64xf32, #tpu.memory_space<vmem>> -> memref<1x128x64xf32, #tpu.memory_space<vmem>>
    %dma_start3A_89 = tpu.memref_squeeze %dma_start3A_88 : memref<1x128x64xf32, #tpu.memory_space<vmem>> -> memref<128x64xf32, #tpu.memory_space<vmem>>
    %dma_start3A_90 = arith.constant 0 : i32
    %dma_start3A_91 = tpu.memref_slice %arg6[%dma_start3A_84, %dma_start3A_90] : memref<79x128xi32, #tpu.memory_space<vmem>> -> memref<1x128xi32, #tpu.memory_space<vmem>>
    %dma_start3A_92 = tpu.memref_squeeze %dma_start3A_91 : memref<1x128xi32, #tpu.memory_space<vmem>> -> memref<128xi32, #tpu.memory_space<vmem>>
    %dma_start3A_93 = arith.constant 0 : i32
    %dma_start3A_94 = arith.constant 0 : i32
    %dma_start3A_95 = tpu.memref_slice %arg2[%dma_start3A_93, %dma_start3A_94] : memref<10000x64xf32, #tpu.memory_space<hbm>> -> memref<10000x64xf32, #tpu.memory_space<hbm>>
    tpu.enqueue_indirect_dma source(%dma_start3A_95 : memref<10000x64xf32, #tpu.memory_space<hbm>>) target(%dma_start3A_89 : memref<128x64xf32, #tpu.memory_space<vmem>>) offsets(%dma_start3A_92 : memref<128xi32, #tpu.memory_space<vmem>>) semaphore(%arg10 : memref<!tpu.dma_semaphore, #tpu.memory_space<semaphore_mem>>)
    %dma_start3A_96 = arith.constant 3 : i32
    %dma_start3A_97 = arith.constant 3 : i32
    %dma_start3A_98 = arith.constant 0 : i32
    %dma_start3A_99 = arith.constant 0 : i32
    %dma_start3A_100 = tpu.memref_slice %arg8[%dma_start3A_97, %dma_start3A_98, %dma_start3A_99] : memref<6x128x64xf32, #tpu.memory_space<vmem>> -> memref<1x128x64xf32, #tpu.memory_space<vmem>>
    %dma_start3A_101 = tpu.memref_squeeze %dma_start3A_100 : memref<1x128x64xf32, #tpu.memory_space<vmem>> -> memref<128x64xf32, #tpu.memory_space<vmem>>
    %dma_start3A_102 = arith.constant 0 : i32
    %dma_start3A_103 = tpu.memref_slice %arg6[%dma_start3A_96, %dma_start3A_102] : memref<79x128xi32, #tpu.memory_space<vmem>> -> memref<1x128xi32, #tpu.memory_space<vmem>>
    %dma_start3A_104 = tpu.memref_squeeze %dma_start3A_103 : memref<1x128xi32, #tpu.memory_space<vmem>> -> memref<128xi32, #tpu.memory_space<vmem>>
    %dma_start3A_105 = arith.constant 0 : i32
    %dma_start3A_106 = arith.constant 0 : i32
    %dma_start3A_107 = tpu.memref_slice %arg2[%dma_start3A_105, %dma_start3A_106] : memref<10000x64xf32, #tpu.memory_space<hbm>> -> memref<10000x64xf32, #tpu.memory_space<hbm>>
    tpu.enqueue_indirect_dma source(%dma_start3A_107 : memref<10000x64xf32, #tpu.memory_space<hbm>>) target(%dma_start3A_101 : memref<128x64xf32, #tpu.memory_space<vmem>>) offsets(%dma_start3A_104 : memref<128xi32, #tpu.memory_space<vmem>>) semaphore(%arg10 : memref<!tpu.dma_semaphore, #tpu.memory_space<semaphore_mem>>)
    %scan3A_108 = arith.constant 0 : i32
    %scan3A_109 = arith.constant 0 : i32
    %scan3A_110 = arith.constant 79 : i32
    %scan3A_111 = arith.addi %scan3A_109, %scan3A_110 : i32
    %scan3A_112 = arith.constant 1 : i32
    scf.for %scan3A_143 = %scan3A_109 to %scan3A_111 step %scan3A_112  : i32 {
      %rem3A = arith.constant 6 : i32
      %rem3A_144 = arith.remsi %scan3A_143, %rem3A : i32
      %dma_wait3A_145 = arith.constant 0 : i32
      %dma_wait3A_146 = arith.constant 0 : i32
      %dma_wait3A_147 = tpu.memref_slice %arg8[%rem3A_144, %dma_wait3A_145, %dma_wait3A_146] : memref<6x128x64xf32, #tpu.memory_space<vmem>> -> memref<1x128x64xf32, #tpu.memory_space<vmem>>
      %dma_wait3A_148 = tpu.memref_squeeze %dma_wait3A_147 : memref<1x128x64xf32, #tpu.memory_space<vmem>> -> memref<128x64xf32, #tpu.memory_space<vmem>>
      %dma_wait3A_149 = arith.constant 0 : i32
      %dma_wait3A_150 = tpu.memref_slice %arg6[%scan3A_143, %dma_wait3A_149] : memref<79x128xi32, #tpu.memory_space<vmem>> -> memref<1x128xi32, #tpu.memory_space<vmem>>
      %dma_wait3A_151 = tpu.memref_squeeze %dma_wait3A_150 : memref<1x128xi32, #tpu.memory_space<vmem>> -> memref<128xi32, #tpu.memory_space<vmem>>
      %dma_wait3A_152 = arith.constant 0 : i32
      %dma_wait3A_153 = arith.constant 0 : i32
      %dma_wait3A_154 = tpu.memref_slice %arg2[%dma_wait3A_152, %dma_wait3A_153] : memref<10000x64xf32, #tpu.memory_space<hbm>> -> memref<10000x64xf32, #tpu.memory_space<hbm>>
      tpu.wait_indirect_dma semaphore(%arg10 : memref<!tpu.dma_semaphore, #tpu.memory_space<semaphore_mem>>) src(%dma_wait3A_154 : memref<10000x64xf32, #tpu.memory_space<hbm>>) dst(%dma_wait3A_148 : memref<128x64xf32, #tpu.memory_space<vmem>>)
      %dma_start3A_155 = arith.constant 0 : i32
      %dma_start3A_156 = arith.constant 0 : i32
      %dma_start3A_157 = tpu.memref_slice %arg8[%rem3A_144, %dma_start3A_155, %dma_start3A_156] : memref<6x128x64xf32, #tpu.memory_space<vmem>> -> memref<1x128x64xf32, #tpu.memory_space<vmem>>
      %dma_start3A_158 = tpu.memref_squeeze %dma_start3A_157 : memref<1x128x64xf32, #tpu.memory_space<vmem>> -> memref<128x64xf32, #tpu.memory_space<vmem>>
      %dma_start3A_159 = arith.constant 0 : i32
      %dma_start3A_160 = tpu.memref_slice %arg7[%scan3A_143, %dma_start3A_159] : memref<79x128xi32, #tpu.memory_space<vmem>> -> memref<1x128xi32, #tpu.memory_space<vmem>>
      %dma_start3A_161 = tpu.memref_squeeze %dma_start3A_160 : memref<1x128xi32, #tpu.memory_space<vmem>> -> memref<128xi32, #tpu.memory_space<vmem>>
      %dma_start3A_162 = arith.constant 0 : i32
      %dma_start3A_163 = arith.constant 0 : i32
      %dma_start3A_164 = tpu.memref_slice %arg9[%dma_start3A_162, %dma_start3A_163] : memref<10112x64xf32, #tpu.memory_space<vmem_shared>> -> memref<10112x64xf32, #tpu.memory_space<vmem_shared>>
      tpu.enqueue_indirect_dma source(%dma_start3A_158 : memref<128x64xf32, #tpu.memory_space<vmem>>) target(%dma_start3A_164 : memref<10112x64xf32, #tpu.memory_space<vmem_shared>>) offsets(%dma_start3A_161 : memref<128xi32, #tpu.memory_space<vmem>>) semaphore(%arg11 : memref<!tpu.dma_semaphore, #tpu.memory_space<semaphore_mem>>) {add = true}
      %ge3A = arith.constant 2 : i32
      %ge3A_165 = arith.cmpi sge, %scan3A_143, %ge3A : i32
      %convert_element_type3A = arith.extui %ge3A_165 : i1 to i32
      %cond3A = arith.constant 0 : i32
      %cond3A_166 = arith.cmpi ne, %convert_element_type3A, %cond3A : i32
      scf.if %cond3A_166 {
        %sub3A = arith.constant 2 : i32
        %sub3A_173 = arith.subi %scan3A_143, %sub3A : i32
        %rem3A_174 = arith.constant 6 : i32
        %rem3A_175 = arith.remsi %sub3A_173, %rem3A_174 : i32
        %dma_wait3A_176 = arith.constant 0 : i32
        %dma_wait3A_177 = arith.constant 0 : i32
        %dma_wait3A_178 = tpu.memref_slice %arg8[%rem3A_175, %dma_wait3A_176, %dma_wait3A_177] : memref<6x128x64xf32, #tpu.memory_space<vmem>> -> memref<1x128x64xf32, #tpu.memory_space<vmem>>
        %dma_wait3A_179 = tpu.memref_squeeze %dma_wait3A_178 : memref<1x128x64xf32, #tpu.memory_space<vmem>> -> memref<128x64xf32, #tpu.memory_space<vmem>>
        %dma_wait3A_180 = arith.constant 0 : i32
        %dma_wait3A_181 = tpu.memref_slice %arg7[%sub3A_173, %dma_wait3A_180] : memref<79x128xi32, #tpu.memory_space<vmem>> -> memref<1x128xi32, #tpu.memory_space<vmem>>
        %dma_wait3A_182 = tpu.memref_squeeze %dma_wait3A_181 : memref<1x128xi32, #tpu.memory_space<vmem>> -> memref<128xi32, #tpu.memory_space<vmem>>
        %dma_wait3A_183 = arith.constant 0 : i32
        %dma_wait3A_184 = arith.constant 0 : i32
        %dma_wait3A_185 = tpu.memref_slice %arg9[%dma_wait3A_183, %dma_wait3A_184] : memref<10112x64xf32, #tpu.memory_space<vmem_shared>> -> memref<10112x64xf32, #tpu.memory_space<vmem_shared>>
        tpu.wait_indirect_dma semaphore(%arg11 : memref<!tpu.dma_semaphore, #tpu.memory_space<semaphore_mem>>) src(%dma_wait3A_179 : memref<128x64xf32, #tpu.memory_space<vmem>>) dst(%dma_wait3A_185 : memref<10112x64xf32, #tpu.memory_space<vmem_shared>>)
      } else {
      }
      %add3A_167 = arith.constant 4 : i32
      %add3A_168 = arith.addi %scan3A_143, %add3A_167 : i32
      %lt3A = arith.constant 79 : i32
      %lt3A_169 = arith.cmpi slt, %add3A_168, %lt3A : i32
      %convert_element_type3A_170 = arith.extui %lt3A_169 : i1 to i32
      %cond3A_171 = arith.constant 0 : i32
      %cond3A_172 = arith.cmpi ne, %convert_element_type3A_170, %cond3A_171 : i32
      scf.if %cond3A_172 {
        %add3A_173 = arith.constant 4 : i32
        %add3A_174 = arith.addi %scan3A_143, %add3A_173 : i32
        %rem3A_175 = arith.constant 6 : i32
        %rem3A_176 = arith.remsi %add3A_174, %rem3A_175 : i32
        %dma_start3A_177 = arith.constant 0 : i32
        %dma_start3A_178 = arith.constant 0 : i32
        %dma_start3A_179 = tpu.memref_slice %arg8[%rem3A_176, %dma_start3A_177, %dma_start3A_178] : memref<6x128x64xf32, #tpu.memory_space<vmem>> -> memref<1x128x64xf32, #tpu.memory_space<vmem>>
        %dma_start3A_180 = tpu.memref_squeeze %dma_start3A_179 : memref<1x128x64xf32, #tpu.memory_space<vmem>> -> memref<128x64xf32, #tpu.memory_space<vmem>>
        %dma_start3A_181 = arith.constant 0 : i32
        %dma_start3A_182 = tpu.memref_slice %arg6[%add3A_174, %dma_start3A_181] : memref<79x128xi32, #tpu.memory_space<vmem>> -> memref<1x128xi32, #tpu.memory_space<vmem>>
        %dma_start3A_183 = tpu.memref_squeeze %dma_start3A_182 : memref<1x128xi32, #tpu.memory_space<vmem>> -> memref<128xi32, #tpu.memory_space<vmem>>
        %dma_start3A_184 = arith.constant 0 : i32
        %dma_start3A_185 = arith.constant 0 : i32
        %dma_start3A_186 = tpu.memref_slice %arg2[%dma_start3A_184, %dma_start3A_185] : memref<10000x64xf32, #tpu.memory_space<hbm>> -> memref<10000x64xf32, #tpu.memory_space<hbm>>
        tpu.enqueue_indirect_dma source(%dma_start3A_186 : memref<10000x64xf32, #tpu.memory_space<hbm>>) target(%dma_start3A_180 : memref<128x64xf32, #tpu.memory_space<vmem>>) offsets(%dma_start3A_183 : memref<128xi32, #tpu.memory_space<vmem>>) semaphore(%arg10 : memref<!tpu.dma_semaphore, #tpu.memory_space<semaphore_mem>>)
      } else {
      }
    }
    %scan3A_113 = arith.constant 79 : i32
    %dma_wait3A_114 = arith.constant 5 : i32
    %dma_wait3A_115 = arith.constant 77 : i32
    %dma_wait3A_116 = arith.constant 0 : i32
    %dma_wait3A_117 = arith.constant 0 : i32
    %dma_wait3A_118 = tpu.memref_slice %arg8[%dma_wait3A_114, %dma_wait3A_116, %dma_wait3A_117] : memref<6x128x64xf32, #tpu.memory_space<vmem>> -> memref<1x128x64xf32, #tpu.memory_space<vmem>>
    %dma_wait3A_119 = tpu.memref_squeeze %dma_wait3A_118 : memref<1x128x64xf32, #tpu.memory_space<vmem>> -> memref<128x64xf32, #tpu.memory_space<vmem>>
    %dma_wait3A_120 = arith.constant 0 : i32
    %dma_wait3A_121 = tpu.memref_slice %arg7[%dma_wait3A_115, %dma_wait3A_120] : memref<79x128xi32, #tpu.memory_space<vmem>> -> memref<1x128xi32, #tpu.memory_space<vmem>>
    %dma_wait3A_122 = tpu.memref_squeeze %dma_wait3A_121 : memref<1x128xi32, #tpu.memory_space<vmem>> -> memref<128xi32, #tpu.memory_space<vmem>>
    %dma_wait3A_123 = arith.constant 0 : i32
    %dma_wait3A_124 = arith.constant 0 : i32
    %dma_wait3A_125 = tpu.memref_slice %arg9[%dma_wait3A_123, %dma_wait3A_124] : memref<10112x64xf32, #tpu.memory_space<vmem_shared>> -> memref<10112x64xf32, #tpu.memory_space<vmem_shared>>
    tpu.wait_indirect_dma semaphore(%arg11 : memref<!tpu.dma_semaphore, #tpu.memory_space<semaphore_mem>>) src(%dma_wait3A_119 : memref<128x64xf32, #tpu.memory_space<vmem>>) dst(%dma_wait3A_125 : memref<10112x64xf32, #tpu.memory_space<vmem_shared>>)
    %dma_wait3A_126 = arith.constant 0 : i32
    %dma_wait3A_127 = arith.constant 78 : i32
    %dma_wait3A_128 = arith.constant 0 : i32
    %dma_wait3A_129 = arith.constant 0 : i32
    %dma_wait3A_130 = tpu.memref_slice %arg8[%dma_wait3A_126, %dma_wait3A_128, %dma_wait3A_129] : memref<6x128x64xf32, #tpu.memory_space<vmem>> -> memref<1x128x64xf32, #tpu.memory_space<vmem>>
    %dma_wait3A_131 = tpu.memref_squeeze %dma_wait3A_130 : memref<1x128x64xf32, #tpu.memory_space<vmem>> -> memref<128x64xf32, #tpu.memory_space<vmem>>
    %dma_wait3A_132 = arith.constant 0 : i32
    %dma_wait3A_133 = tpu.memref_slice %arg7[%dma_wait3A_127, %dma_wait3A_132] : memref<79x128xi32, #tpu.memory_space<vmem>> -> memref<1x128xi32, #tpu.memory_space<vmem>>
    %dma_wait3A_134 = tpu.memref_squeeze %dma_wait3A_133 : memref<1x128xi32, #tpu.memory_space<vmem>> -> memref<128xi32, #tpu.memory_space<vmem>>
    %dma_wait3A_135 = arith.constant 0 : i32
    %dma_wait3A_136 = arith.constant 0 : i32
    %dma_wait3A_137 = tpu.memref_slice %arg9[%dma_wait3A_135, %dma_wait3A_136] : memref<10112x64xf32, #tpu.memory_space<vmem_shared>> -> memref<10112x64xf32, #tpu.memory_space<vmem_shared>>
    tpu.wait_indirect_dma semaphore(%arg11 : memref<!tpu.dma_semaphore, #tpu.memory_space<semaphore_mem>>) src(%dma_wait3A_131 : memref<128x64xf32, #tpu.memory_space<vmem>>) dst(%dma_wait3A_137 : memref<10112x64xf32, #tpu.memory_space<vmem_shared>>)
    %barrier3A_138 = arith.constant 0 : index
    tpu.barrier barrier_id(%barrier3A_138)
    %mul3A_139 = arith.constant 632 : i32
    %mul3A_140 = arith.muli %arg1, %mul3A_139 : i32
    %mul3A_141 = arith.constant 632 : i32
    %mul3A_142 = arith.muli %arg1, %mul3A_141 : i32
    "tpu.region"() ({
      %run_scoped3A_143 = tpu.sem_alloc : memref<!tpu.dma_semaphore, #tpu.memory_space<semaphore_mem>>
      %dma_start3A_144 = arith.constant 0 : i32
      %dma_start3A_145 = tpu.memref_slice %arg5[%arg0, %mul3A_142, %dma_start3A_144] : memref<2x10112x64xf32, #tpu.memory_space<hbm>> -> memref<1x632x64xf32, #tpu.memory_space<hbm>>
      %dma_start3A_146 = tpu.memref_squeeze %dma_start3A_145 : memref<1x632x64xf32, #tpu.memory_space<hbm>> -> memref<632x64xf32, #tpu.memory_space<hbm>>
      %dma_start3A_147 = arith.constant 0 : i32
      %dma_start3A_148 = tpu.memref_slice %arg9[%mul3A_140, %dma_start3A_147] : memref<10112x64xf32, #tpu.memory_space<vmem_shared>> -> memref<632x64xf32, #tpu.memory_space<vmem_shared>>
      tpu.enqueue_dma source(%dma_start3A_148 : memref<632x64xf32, #tpu.memory_space<vmem_shared>>) target(%dma_start3A_146 : memref<632x64xf32, #tpu.memory_space<hbm>>) target_semaphore(%run_scoped3A_143 : memref<!tpu.dma_semaphore, #tpu.memory_space<semaphore_mem>>)
      %dma_wait3A_149 = arith.constant 0 : i32
      %dma_wait3A_150 = tpu.memref_slice %arg5[%arg0, %mul3A_142, %dma_wait3A_149] : memref<2x10112x64xf32, #tpu.memory_space<hbm>> -> memref<1x632x64xf32, #tpu.memory_space<hbm>>
      %dma_wait3A_151 = tpu.memref_squeeze %dma_wait3A_150 : memref<1x632x64xf32, #tpu.memory_space<hbm>> -> memref<632x64xf32, #tpu.memory_space<hbm>>
      %dma_wait3A_152 = arith.constant 0 : i32
      %dma_wait3A_153 = tpu.memref_slice %arg9[%mul3A_140, %dma_wait3A_152] : memref<10112x64xf32, #tpu.memory_space<vmem_shared>> -> memref<632x64xf32, #tpu.memory_space<vmem_shared>>
      tpu.wait_dma2 semaphore(%run_scoped3A_143 : memref<!tpu.dma_semaphore, #tpu.memory_space<semaphore_mem>>) src(%dma_wait3A_153 : memref<632x64xf32, #tpu.memory_space<vmem_shared>>) dst(%dma_wait3A_151 : memref<632x64xf32, #tpu.memory_space<hbm>>)
      tpu.yield
    }) : () -> ()
    return
  }
}

module attributes {stable_mosaic.version = 14 : i64} {
  func.func @_layer1_body(%arg0: memref<10000x128xf32, #tpu.memory_space<vmem>>, %arg1: memref<2x10112x64xf32, #tpu.memory_space<vmem>>, %arg2: memref<1x1xf32, #tpu.memory_space<vmem>>, %arg3: memref<128x64xf32, #tpu.memory_space<vmem>>, %arg4: memref<1x64xf32, #tpu.memory_space<vmem>>, %arg5: memref<64x64xf32, #tpu.memory_space<vmem>>, %arg6: memref<1x64xf32, #tpu.memory_space<vmem>>, %arg7: memref<1x64xf32, #tpu.memory_space<vmem>>, %arg8: memref<1x64xf32, #tpu.memory_space<vmem>>, %arg9: memref<10000x64xf32, #tpu.memory_space<vmem>>) attributes {dimension_semantics = [], scalar_prefetch = 0 : i64, scratch_operands = 0 : i64, tpu.core_type = #tpu.core_type<tc>} {
    %get3A = arith.constant 0 : index
    %get3A_0 = arith.constant 0 : index
    %get3A_1 = vector.load %arg0[%get3A, %get3A_0] : memref<10000x128xf32, #tpu.memory_space<vmem>>, vector<10000x128xf32>
    %get3A_2 = arith.constant 0 : index
    %get3A_3 = arith.constant 0 : index
    %get3A_4 = arith.constant 0 : index
    %get3A_5 = vector.load %arg1[%get3A_2, %get3A_3, %get3A_4] : memref<2x10112x64xf32, #tpu.memory_space<vmem>>, vector<1x10000x64xf32>
    %get3A_6 = vector.shape_cast %get3A_5 : vector<1x10000x64xf32> to vector<10000x64xf32>
    %get3A_7 = arith.constant 1 : index
    %get3A_8 = arith.constant 0 : index
    %get3A_9 = arith.constant 0 : index
    %get3A_10 = vector.load %arg1[%get3A_7, %get3A_8, %get3A_9] : memref<2x10112x64xf32, #tpu.memory_space<vmem>>, vector<1x10000x64xf32>
    %get3A_11 = vector.shape_cast %get3A_10 : vector<1x10000x64xf32> to vector<10000x64xf32>
    %concatenate3A = tpu.concatenate %get3A_6, %get3A_11 in 1 : vector<10000x64xf32>, vector<10000x64xf32> -> vector<10000x128xf32>
    %get3A_12 = arith.constant 0 : index
    %get3A_13 = arith.constant 0 : index
    %get3A_14 = vector.load %arg2[%get3A_12, %get3A_13] : memref<1x1xf32, #tpu.memory_space<vmem>>, vector<1x1xf32>
    %get3A_15 = vector.extract %get3A_14[0, 0] : f32 from vector<1x1xf32>
    %add3A = arith.constant 1.000000e+00 : f32
    %add3A_16 = arith.addf %add3A, %get3A_15 : f32
    %mul3A = vector.broadcast %add3A_16 : f32 to vector<10000x128xf32>
    %mul3A_17 = arith.mulf %mul3A, %get3A_1 : vector<10000x128xf32>
    %add3A_18 = arith.addf %mul3A_17, %concatenate3A : vector<10000x128xf32>
    %get3A_19 = arith.constant 0 : index
    %get3A_20 = arith.constant 0 : index
    %get3A_21 = vector.load %arg3[%get3A_19, %get3A_20] : memref<128x64xf32, #tpu.memory_space<vmem>>, vector<128x64xf32>
    %dot_general3A = arith.constant dense<0.000000e+00> : vector<10000x64xf32>
    %dot_general3A_22 = tpu.matmul %add3A_18, %get3A_21, %dot_general3A {dimension_numbers = #tpu.dot_dimension_numbers<[1], [0], [0], [1], [0, 0, 1, 1], [], []>, transpose_lhs_hint = false} : vector<10000x128xf32>, vector<128x64xf32>, vector<10000x64xf32> -> vector<10000x64xf32>
    %get3A_23 = arith.constant 0 : index
    %get3A_24 = arith.constant 0 : index
    %get3A_25 = vector.load %arg4[%get3A_23, %get3A_24] : memref<1x64xf32, #tpu.memory_space<vmem>>, vector<1x64xf32>
    %add3A_26 = vector.broadcast %get3A_25 : vector<1x64xf32> to vector<10000x64xf32>
    %add3A_27 = arith.addf %dot_general3A_22, %add3A_26 : vector<10000x64xf32>
    %max3A = arith.constant 0.000000e+00 : f32
    %max3A_28 = vector.broadcast %max3A : f32 to vector<10000x64xf32>
    %max3A_29 = arith.maximumf %add3A_27, %max3A_28 : vector<10000x64xf32>
    %get3A_30 = arith.constant 0 : index
    %get3A_31 = arith.constant 0 : index
    %get3A_32 = vector.load %arg5[%get3A_30, %get3A_31] : memref<64x64xf32, #tpu.memory_space<vmem>>, vector<64x64xf32>
    %dot_general3A_33 = arith.constant dense<0.000000e+00> : vector<10000x64xf32>
    %dot_general3A_34 = tpu.matmul %max3A_29, %get3A_32, %dot_general3A_33 {dimension_numbers = #tpu.dot_dimension_numbers<[1], [0], [0], [1], [0, 0, 1, 1], [], []>, transpose_lhs_hint = false} : vector<10000x64xf32>, vector<64x64xf32>, vector<10000x64xf32> -> vector<10000x64xf32>
    %get3A_35 = arith.constant 0 : index
    %get3A_36 = arith.constant 0 : index
    %get3A_37 = vector.load %arg6[%get3A_35, %get3A_36] : memref<1x64xf32, #tpu.memory_space<vmem>>, vector<1x64xf32>
    %add3A_38 = vector.broadcast %get3A_37 : vector<1x64xf32> to vector<10000x64xf32>
    %add3A_39 = arith.addf %dot_general3A_34, %add3A_38 : vector<10000x64xf32>
    %max3A_40 = arith.constant 0.000000e+00 : f32
    %max3A_41 = vector.broadcast %max3A_40 : f32 to vector<10000x64xf32>
    %max3A_42 = arith.maximumf %add3A_39, %max3A_41 : vector<10000x64xf32>
    %reduce_sum3A = arith.constant dense<0.000000e+00> : vector<64xf32>
    %reduce_sum3A_43 = vector.multi_reduction <add>, %max3A_42, %reduce_sum3A [0] : vector<10000x64xf32> to vector<64xf32>
    %broadcast_in_dim3A = vector.shape_cast %reduce_sum3A_43 : vector<64xf32> to vector<1x64xf32>
    %div3A = arith.constant 1.000000e+04 : f32
    %div3A_44 = vector.broadcast %div3A : f32 to vector<1x64xf32>
    %div3A_45 = arith.divf %broadcast_in_dim3A, %div3A_44 : vector<1x64xf32>
    %sub3A = vector.broadcast %div3A_45 : vector<1x64xf32> to vector<10000x64xf32>
    %sub3A_46 = arith.subf %max3A_42, %sub3A : vector<10000x64xf32>
    %integer_pow3A = arith.mulf %sub3A_46, %sub3A_46 : vector<10000x64xf32>
    %reduce_sum3A_47 = arith.constant dense<0.000000e+00> : vector<64xf32>
    %reduce_sum3A_48 = vector.multi_reduction <add>, %integer_pow3A, %reduce_sum3A_47 [0] : vector<10000x64xf32> to vector<64xf32>
    %broadcast_in_dim3A_49 = vector.shape_cast %reduce_sum3A_48 : vector<64xf32> to vector<1x64xf32>
    %div3A_50 = arith.constant 1.000000e+04 : f32
    %div3A_51 = vector.broadcast %div3A_50 : f32 to vector<1x64xf32>
    %div3A_52 = arith.divf %broadcast_in_dim3A_49, %div3A_51 : vector<1x64xf32>
    %sub3A_53 = vector.broadcast %div3A_45 : vector<1x64xf32> to vector<10000x64xf32>
    %sub3A_54 = arith.subf %max3A_42, %sub3A_53 : vector<10000x64xf32>
    %add3A_55 = arith.constant 9.99999974E-6 : f32
    %add3A_56 = vector.broadcast %add3A_55 : f32 to vector<1x64xf32>
    %add3A_57 = arith.addf %div3A_52, %add3A_56 : vector<1x64xf32>
    %rsqrt3A = math.rsqrt %add3A_57 : vector<1x64xf32>
    %mul3A_58 = vector.broadcast %rsqrt3A : vector<1x64xf32> to vector<10000x64xf32>
    %mul3A_59 = arith.mulf %sub3A_54, %mul3A_58 : vector<10000x64xf32>
    %get3A_60 = arith.constant 0 : index
    %get3A_61 = arith.constant 0 : index
    %get3A_62 = vector.load %arg7[%get3A_60, %get3A_61] : memref<1x64xf32, #tpu.memory_space<vmem>>, vector<1x64xf32>
    %mul3A_63 = vector.broadcast %get3A_62 : vector<1x64xf32> to vector<10000x64xf32>
    %mul3A_64 = arith.mulf %mul3A_59, %mul3A_63 : vector<10000x64xf32>
    %get3A_65 = arith.constant 0 : index
    %get3A_66 = arith.constant 0 : index
    %get3A_67 = vector.load %arg8[%get3A_65, %get3A_66] : memref<1x64xf32, #tpu.memory_space<vmem>>, vector<1x64xf32>
    %add3A_68 = vector.broadcast %get3A_67 : vector<1x64xf32> to vector<10000x64xf32>
    %add3A_69 = arith.addf %mul3A_64, %add3A_68 : vector<10000x64xf32>
    %swap3A = arith.constant 0 : index
    %swap3A_70 = arith.constant 0 : index
    %swap3A_71 = vector.load %arg9[%swap3A, %swap3A_70] : memref<10000x64xf32, #tpu.memory_space<vmem>>, vector<10000x64xf32>
    tpu.vector_store %arg9[%swap3A, %swap3A_70], %add3A_69 {strides = array<i32>} : memref<10000x64xf32, #tpu.memory_space<vmem>>, vector<10000x64xf32>,
    return
  }
}

module attributes {stable_mosaic.version = 14 : i64} {
  func.func @_layer_body(%arg0: memref<10000x64xf32, #tpu.memory_space<vmem>>, %arg1: memref<2x10112x64xf32, #tpu.memory_space<vmem>>, %arg2: memref<1x1xf32, #tpu.memory_space<vmem>>, %arg3: memref<64x64xf32, #tpu.memory_space<vmem>>, %arg4: memref<1x64xf32, #tpu.memory_space<vmem>>, %arg5: memref<64x64xf32, #tpu.memory_space<vmem>>, %arg6: memref<1x64xf32, #tpu.memory_space<vmem>>, %arg7: memref<1x64xf32, #tpu.memory_space<vmem>>, %arg8: memref<1x64xf32, #tpu.memory_space<vmem>>, %arg9: memref<10000x64xf32, #tpu.memory_space<vmem>>) attributes {dimension_semantics = [], scalar_prefetch = 0 : i64, scratch_operands = 0 : i64, tpu.core_type = #tpu.core_type<tc>} {
    %get3A = arith.constant 0 : index
    %get3A_0 = arith.constant 0 : index
    %get3A_1 = vector.load %arg0[%get3A, %get3A_0] : memref<10000x64xf32, #tpu.memory_space<vmem>>, vector<10000x64xf32>
    %get3A_2 = arith.constant 0 : index
    %get3A_3 = arith.constant 0 : index
    %get3A_4 = vector.load %arg2[%get3A_2, %get3A_3] : memref<1x1xf32, #tpu.memory_space<vmem>>, vector<1x1xf32>
    %get3A_5 = vector.extract %get3A_4[0, 0] : f32 from vector<1x1xf32>
    %add3A = arith.constant 1.000000e+00 : f32
    %add3A_6 = arith.addf %add3A, %get3A_5 : f32
    %mul3A = vector.broadcast %add3A_6 : f32 to vector<10000x64xf32>
    %mul3A_7 = arith.mulf %mul3A, %get3A_1 : vector<10000x64xf32>
    %get3A_8 = arith.constant 0 : index
    %get3A_9 = arith.constant 0 : index
    %get3A_10 = arith.constant 0 : index
    %get3A_11 = vector.load %arg1[%get3A_8, %get3A_9, %get3A_10] : memref<2x10112x64xf32, #tpu.memory_space<vmem>>, vector<1x10000x64xf32>
    %get3A_12 = vector.shape_cast %get3A_11 : vector<1x10000x64xf32> to vector<10000x64xf32>
    %get3A_13 = arith.constant 1 : index
    %get3A_14 = arith.constant 0 : index
    %get3A_15 = arith.constant 0 : index
    %get3A_16 = vector.load %arg1[%get3A_13, %get3A_14, %get3A_15] : memref<2x10112x64xf32, #tpu.memory_space<vmem>>, vector<1x10000x64xf32>
    %get3A_17 = vector.shape_cast %get3A_16 : vector<1x10000x64xf32> to vector<10000x64xf32>
    %add3A_18 = arith.addf %get3A_12, %get3A_17 : vector<10000x64xf32>
    %add3A_19 = arith.addf %mul3A_7, %add3A_18 : vector<10000x64xf32>
    %get3A_20 = arith.constant 0 : index
    %get3A_21 = arith.constant 0 : index
    %get3A_22 = vector.load %arg3[%get3A_20, %get3A_21] : memref<64x64xf32, #tpu.memory_space<vmem>>, vector<64x64xf32>
    %dot_general3A = arith.constant dense<0.000000e+00> : vector<10000x64xf32>
    %dot_general3A_23 = tpu.matmul %add3A_19, %get3A_22, %dot_general3A {dimension_numbers = #tpu.dot_dimension_numbers<[1], [0], [0], [1], [0, 0, 1, 1], [], []>, transpose_lhs_hint = false} : vector<10000x64xf32>, vector<64x64xf32>, vector<10000x64xf32> -> vector<10000x64xf32>
    %get3A_24 = arith.constant 0 : index
    %get3A_25 = arith.constant 0 : index
    %get3A_26 = vector.load %arg4[%get3A_24, %get3A_25] : memref<1x64xf32, #tpu.memory_space<vmem>>, vector<1x64xf32>
    %add3A_27 = vector.broadcast %get3A_26 : vector<1x64xf32> to vector<10000x64xf32>
    %add3A_28 = arith.addf %dot_general3A_23, %add3A_27 : vector<10000x64xf32>
    %max3A = arith.constant 0.000000e+00 : f32
    %max3A_29 = vector.broadcast %max3A : f32 to vector<10000x64xf32>
    %max3A_30 = arith.maximumf %add3A_28, %max3A_29 : vector<10000x64xf32>
    %get3A_31 = arith.constant 0 : index
    %get3A_32 = arith.constant 0 : index
    %get3A_33 = vector.load %arg5[%get3A_31, %get3A_32] : memref<64x64xf32, #tpu.memory_space<vmem>>, vector<64x64xf32>
    %dot_general3A_34 = arith.constant dense<0.000000e+00> : vector<10000x64xf32>
    %dot_general3A_35 = tpu.matmul %max3A_30, %get3A_33, %dot_general3A_34 {dimension_numbers = #tpu.dot_dimension_numbers<[1], [0], [0], [1], [0, 0, 1, 1], [], []>, transpose_lhs_hint = false} : vector<10000x64xf32>, vector<64x64xf32>, vector<10000x64xf32> -> vector<10000x64xf32>
    %get3A_36 = arith.constant 0 : index
    %get3A_37 = arith.constant 0 : index
    %get3A_38 = vector.load %arg6[%get3A_36, %get3A_37] : memref<1x64xf32, #tpu.memory_space<vmem>>, vector<1x64xf32>
    %add3A_39 = vector.broadcast %get3A_38 : vector<1x64xf32> to vector<10000x64xf32>
    %add3A_40 = arith.addf %dot_general3A_35, %add3A_39 : vector<10000x64xf32>
    %max3A_41 = arith.constant 0.000000e+00 : f32
    %max3A_42 = vector.broadcast %max3A_41 : f32 to vector<10000x64xf32>
    %max3A_43 = arith.maximumf %add3A_40, %max3A_42 : vector<10000x64xf32>
    %reduce_sum3A = arith.constant dense<0.000000e+00> : vector<64xf32>
    %reduce_sum3A_44 = vector.multi_reduction <add>, %max3A_43, %reduce_sum3A [0] : vector<10000x64xf32> to vector<64xf32>
    %broadcast_in_dim3A = vector.shape_cast %reduce_sum3A_44 : vector<64xf32> to vector<1x64xf32>
    %div3A = arith.constant 1.000000e+04 : f32
    %div3A_45 = vector.broadcast %div3A : f32 to vector<1x64xf32>
    %div3A_46 = arith.divf %broadcast_in_dim3A, %div3A_45 : vector<1x64xf32>
    %sub3A = vector.broadcast %div3A_46 : vector<1x64xf32> to vector<10000x64xf32>
    %sub3A_47 = arith.subf %max3A_43, %sub3A : vector<10000x64xf32>
    %integer_pow3A = arith.mulf %sub3A_47, %sub3A_47 : vector<10000x64xf32>
    %reduce_sum3A_48 = arith.constant dense<0.000000e+00> : vector<64xf32>
    %reduce_sum3A_49 = vector.multi_reduction <add>, %integer_pow3A, %reduce_sum3A_48 [0] : vector<10000x64xf32> to vector<64xf32>
    %broadcast_in_dim3A_50 = vector.shape_cast %reduce_sum3A_49 : vector<64xf32> to vector<1x64xf32>
    %div3A_51 = arith.constant 1.000000e+04 : f32
    %div3A_52 = vector.broadcast %div3A_51 : f32 to vector<1x64xf32>
    %div3A_53 = arith.divf %broadcast_in_dim3A_50, %div3A_52 : vector<1x64xf32>
    %sub3A_54 = vector.broadcast %div3A_46 : vector<1x64xf32> to vector<10000x64xf32>
    %sub3A_55 = arith.subf %max3A_43, %sub3A_54 : vector<10000x64xf32>
    %add3A_56 = arith.constant 9.99999974E-6 : f32
    %add3A_57 = vector.broadcast %add3A_56 : f32 to vector<1x64xf32>
    %add3A_58 = arith.addf %div3A_53, %add3A_57 : vector<1x64xf32>
    %rsqrt3A = math.rsqrt %add3A_58 : vector<1x64xf32>
    %mul3A_59 = vector.broadcast %rsqrt3A : vector<1x64xf32> to vector<10000x64xf32>
    %mul3A_60 = arith.mulf %sub3A_55, %mul3A_59 : vector<10000x64xf32>
    %get3A_61 = arith.constant 0 : index
    %get3A_62 = arith.constant 0 : index
    %get3A_63 = vector.load %arg7[%get3A_61, %get3A_62] : memref<1x64xf32, #tpu.memory_space<vmem>>, vector<1x64xf32>
    %mul3A_64 = vector.broadcast %get3A_63 : vector<1x64xf32> to vector<10000x64xf32>
    %mul3A_65 = arith.mulf %mul3A_60, %mul3A_64 : vector<10000x64xf32>
    %get3A_66 = arith.constant 0 : index
    %get3A_67 = arith.constant 0 : index
    %get3A_68 = vector.load %arg8[%get3A_66, %get3A_67] : memref<1x64xf32, #tpu.memory_space<vmem>>, vector<1x64xf32>
    %add3A_69 = vector.broadcast %get3A_68 : vector<1x64xf32> to vector<10000x64xf32>
    %add3A_70 = arith.addf %mul3A_65, %add3A_69 : vector<10000x64xf32>
    %swap3A = arith.constant 0 : index
    %swap3A_71 = arith.constant 0 : index
    %swap3A_72 = vector.load %arg9[%swap3A, %swap3A_71] : memref<10000x64xf32, #tpu.memory_space<vmem>>, vector<10000x64xf32>
    tpu.vector_store %arg9[%swap3A, %swap3A_71], %add3A_70 {strides = array<i32>} : memref<10000x64xf32, #tpu.memory_space<vmem>>, vector<10000x64xf32>,
    return
  }
}

module attributes {stable_mosaic.version = 14 : i64} {
  func.func @_final_body(%arg0: memref<10000x64xf32, #tpu.memory_space<vmem>>, %arg1: memref<2x10112x64xf32, #tpu.memory_space<vmem>>, %arg2: memref<1x1xf32, #tpu.memory_space<vmem>>, %arg3: memref<64x64xf32, #tpu.memory_space<vmem>>, %arg4: memref<1x64xf32, #tpu.memory_space<vmem>>, %arg5: memref<64x64xf32, #tpu.memory_space<vmem>>, %arg6: memref<1x64xf32, #tpu.memory_space<vmem>>, %arg7: memref<1x64xf32, #tpu.memory_space<vmem>>, %arg8: memref<1x64xf32, #tpu.memory_space<vmem>>, %arg9: memref<10000x1xi32, #tpu.memory_space<vmem>>, %arg10: memref<64x10xf32, #tpu.memory_space<vmem>>, %arg11: memref<1x10xf32, #tpu.memory_space<vmem>>, %arg12: memref<10x1xf32, #tpu.memory_space<vmem>>, %arg13: memref<1x1xf32, #tpu.memory_space<vmem>>, %arg14: memref<64x1xf32, #tpu.memory_space<vmem>>) attributes {dimension_semantics = [], scalar_prefetch = 0 : i64, scratch_operands = 0 : i64, tpu.core_type = #tpu.core_type<tc>} {
    %get3A = arith.constant 0 : index
    %get3A_0 = arith.constant 0 : index
    %get3A_1 = vector.load %arg0[%get3A, %get3A_0] : memref<10000x64xf32, #tpu.memory_space<vmem>>, vector<10000x64xf32>
    %get3A_2 = arith.constant 0 : index
    %get3A_3 = arith.constant 0 : index
    %get3A_4 = vector.load %arg2[%get3A_2, %get3A_3] : memref<1x1xf32, #tpu.memory_space<vmem>>, vector<1x1xf32>
    %get3A_5 = vector.extract %get3A_4[0, 0] : f32 from vector<1x1xf32>
    %add3A = arith.constant 1.000000e+00 : f32
    %add3A_6 = arith.addf %add3A, %get3A_5 : f32
    %mul3A = vector.broadcast %add3A_6 : f32 to vector<10000x64xf32>
    %mul3A_7 = arith.mulf %mul3A, %get3A_1 : vector<10000x64xf32>
    %get3A_8 = arith.constant 0 : index
    %get3A_9 = arith.constant 0 : index
    %get3A_10 = arith.constant 0 : index
    %get3A_11 = vector.load %arg1[%get3A_8, %get3A_9, %get3A_10] : memref<2x10112x64xf32, #tpu.memory_space<vmem>>, vector<1x10000x64xf32>
    %get3A_12 = vector.shape_cast %get3A_11 : vector<1x10000x64xf32> to vector<10000x64xf32>
    %get3A_13 = arith.constant 1 : index
    %get3A_14 = arith.constant 0 : index
    %get3A_15 = arith.constant 0 : index
    %get3A_16 = vector.load %arg1[%get3A_13, %get3A_14, %get3A_15] : memref<2x10112x64xf32, #tpu.memory_space<vmem>>, vector<1x10000x64xf32>
    %get3A_17 = vector.shape_cast %get3A_16 : vector<1x10000x64xf32> to vector<10000x64xf32>
    %add3A_18 = arith.addf %get3A_12, %get3A_17 : vector<10000x64xf32>
    %add3A_19 = arith.addf %mul3A_7, %add3A_18 : vector<10000x64xf32>
    %get3A_20 = arith.constant 0 : index
    %get3A_21 = arith.constant 0 : index
    %get3A_22 = vector.load %arg3[%get3A_20, %get3A_21] : memref<64x64xf32, #tpu.memory_space<vmem>>, vector<64x64xf32>
    %dot_general3A = arith.constant dense<0.000000e+00> : vector<10000x64xf32>
    %dot_general3A_23 = tpu.matmul %add3A_19, %get3A_22, %dot_general3A {dimension_numbers = #tpu.dot_dimension_numbers<[1], [0], [0], [1], [0, 0, 1, 1], [], []>, transpose_lhs_hint = false} : vector<10000x64xf32>, vector<64x64xf32>, vector<10000x64xf32> -> vector<10000x64xf32>
    %get3A_24 = arith.constant 0 : index
    %get3A_25 = arith.constant 0 : index
    %get3A_26 = vector.load %arg4[%get3A_24, %get3A_25] : memref<1x64xf32, #tpu.memory_space<vmem>>, vector<1x64xf32>
    %add3A_27 = vector.broadcast %get3A_26 : vector<1x64xf32> to vector<10000x64xf32>
    %add3A_28 = arith.addf %dot_general3A_23, %add3A_27 : vector<10000x64xf32>
    %max3A = arith.constant 0.000000e+00 : f32
    %max3A_29 = vector.broadcast %max3A : f32 to vector<10000x64xf32>
    %max3A_30 = arith.maximumf %add3A_28, %max3A_29 : vector<10000x64xf32>
    %get3A_31 = arith.constant 0 : index
    %get3A_32 = arith.constant 0 : index
    %get3A_33 = vector.load %arg5[%get3A_31, %get3A_32] : memref<64x64xf32, #tpu.memory_space<vmem>>, vector<64x64xf32>
    %dot_general3A_34 = arith.constant dense<0.000000e+00> : vector<10000x64xf32>
    %dot_general3A_35 = tpu.matmul %max3A_30, %get3A_33, %dot_general3A_34 {dimension_numbers = #tpu.dot_dimension_numbers<[1], [0], [0], [1], [0, 0, 1, 1], [], []>, transpose_lhs_hint = false} : vector<10000x64xf32>, vector<64x64xf32>, vector<10000x64xf32> -> vector<10000x64xf32>
    %get3A_36 = arith.constant 0 : index
    %get3A_37 = arith.constant 0 : index
    %get3A_38 = vector.load %arg6[%get3A_36, %get3A_37] : memref<1x64xf32, #tpu.memory_space<vmem>>, vector<1x64xf32>
    %add3A_39 = vector.broadcast %get3A_38 : vector<1x64xf32> to vector<10000x64xf32>
    %add3A_40 = arith.addf %dot_general3A_35, %add3A_39 : vector<10000x64xf32>
    %max3A_41 = arith.constant 0.000000e+00 : f32
    %max3A_42 = vector.broadcast %max3A_41 : f32 to vector<10000x64xf32>
    %max3A_43 = arith.maximumf %add3A_40, %max3A_42 : vector<10000x64xf32>
    %reduce_sum3A = arith.constant dense<0.000000e+00> : vector<64xf32>
    %reduce_sum3A_44 = vector.multi_reduction <add>, %max3A_43, %reduce_sum3A [0] : vector<10000x64xf32> to vector<64xf32>
    %broadcast_in_dim3A = vector.shape_cast %reduce_sum3A_44 : vector<64xf32> to vector<1x64xf32>
    %div3A = arith.constant 1.000000e+04 : f32
    %div3A_45 = vector.broadcast %div3A : f32 to vector<1x64xf32>
    %div3A_46 = arith.divf %broadcast_in_dim3A, %div3A_45 : vector<1x64xf32>
    %sub3A = vector.broadcast %div3A_46 : vector<1x64xf32> to vector<10000x64xf32>
    %sub3A_47 = arith.subf %max3A_43, %sub3A : vector<10000x64xf32>
    %integer_pow3A = arith.mulf %sub3A_47, %sub3A_47 : vector<10000x64xf32>
    %reduce_sum3A_48 = arith.constant dense<0.000000e+00> : vector<64xf32>
    %reduce_sum3A_49 = vector.multi_reduction <add>, %integer_pow3A, %reduce_sum3A_48 [0] : vector<10000x64xf32> to vector<64xf32>
    %broadcast_in_dim3A_50 = vector.shape_cast %reduce_sum3A_49 : vector<64xf32> to vector<1x64xf32>
    %div3A_51 = arith.constant 1.000000e+04 : f32
    %div3A_52 = vector.broadcast %div3A_51 : f32 to vector<1x64xf32>
    %div3A_53 = arith.divf %broadcast_in_dim3A_50, %div3A_52 : vector<1x64xf32>
    %sub3A_54 = vector.broadcast %div3A_46 : vector<1x64xf32> to vector<10000x64xf32>
    %sub3A_55 = arith.subf %max3A_43, %sub3A_54 : vector<10000x64xf32>
    %add3A_56 = arith.constant 9.99999974E-6 : f32
    %add3A_57 = vector.broadcast %add3A_56 : f32 to vector<1x64xf32>
    %add3A_58 = arith.addf %div3A_53, %add3A_57 : vector<1x64xf32>
    %rsqrt3A = math.rsqrt %add3A_58 : vector<1x64xf32>
    %mul3A_59 = vector.broadcast %rsqrt3A : vector<1x64xf32> to vector<10000x64xf32>
    %mul3A_60 = arith.mulf %sub3A_55, %mul3A_59 : vector<10000x64xf32>
    %get3A_61 = arith.constant 0 : index
    %get3A_62 = arith.constant 0 : index
    %get3A_63 = vector.load %arg7[%get3A_61, %get3A_62] : memref<1x64xf32, #tpu.memory_space<vmem>>, vector<1x64xf32>
    %mul3A_64 = vector.broadcast %get3A_63 : vector<1x64xf32> to vector<10000x64xf32>
    %mul3A_65 = arith.mulf %mul3A_60, %mul3A_64 : vector<10000x64xf32>
    %get3A_66 = arith.constant 0 : index
    %get3A_67 = arith.constant 0 : index
    %get3A_68 = vector.load %arg8[%get3A_66, %get3A_67] : memref<1x64xf32, #tpu.memory_space<vmem>>, vector<1x64xf32>
    %add3A_69 = vector.broadcast %get3A_68 : vector<1x64xf32> to vector<10000x64xf32>
    %add3A_70 = arith.addf %mul3A_65, %add3A_69 : vector<10000x64xf32>
    %get3A_71 = arith.constant 0 : index
    %get3A_72 = arith.constant 0 : index
    %get3A_73 = vector.load %arg9[%get3A_71, %get3A_72] : memref<10000x1xi32, #tpu.memory_space<vmem>>, vector<10000x1xi32>
    %iota3A = tpu.iota {dimensions = array<i32: 1>} : vector<10000x64xi32>
    %eq3A = vector.broadcast %get3A_73 : vector<10000x1xi32> to vector<10000x64xi32>
    %eq3A_74 = arith.cmpi eq, %eq3A, %iota3A : vector<10000x64xi32>
    %convert_element_type3A = arith.extui %eq3A_74 : vector<10000x64xi1> to vector<10000x64xi32>
    %convert_element_type3A_75 = arith.sitofp %convert_element_type3A : vector<10000x64xi32> to vector<10000x64xf32>
    %dot_general3A_76 = arith.constant dense<0.000000e+00> : vector<64x64xf32>
    %dot_general3A_77 = tpu.matmul %convert_element_type3A_75, %add3A_70, %dot_general3A_76 {dimension_numbers = #tpu.dot_dimension_numbers<[0], [0], [1], [1], [0, 1, 1, 1], [], []>, precision = #tpu.contract_precision<fp32>, transpose_lhs_hint = false} : vector<10000x64xf32>, vector<10000x64xf32>, vector<64x64xf32> -> vector<64x64xf32>
    %reduce_sum3A_78 = arith.constant dense<0.000000e+00> : vector<64xf32>
    %reduce_sum3A_79 = vector.multi_reduction <add>, %convert_element_type3A_75, %reduce_sum3A_78 [0] : vector<10000x64xf32> to vector<64xf32>
    %max3A_80 = arith.constant 1.000000e+00 : f32
    %max3A_81 = vector.broadcast %max3A_80 : f32 to vector<64xf32>
    %max3A_82 = arith.maximumf %reduce_sum3A_79, %max3A_81 : vector<64xf32>
    %broadcast_in_dim3A_83 = vector.shape_cast %max3A_82 : vector<64xf32> to vector<64x1xf32>
    %div3A_84 = vector.broadcast %broadcast_in_dim3A_83 : vector<64x1xf32> to vector<64x64xf32>
    %div3A_85 = arith.divf %dot_general3A_77, %div3A_84 : vector<64x64xf32>
    %get3A_86 = arith.constant 0 : index
    %get3A_87 = arith.constant 0 : index
    %get3A_88 = vector.load %arg10[%get3A_86, %get3A_87] : memref<64x10xf32, #tpu.memory_space<vmem>>, vector<64x10xf32>
    %dot_general3A_89 = arith.constant dense<0.000000e+00> : vector<64x10xf32>
    %dot_general3A_90 = tpu.matmul %div3A_85, %get3A_88, %dot_general3A_89 {dimension_numbers = #tpu.dot_dimension_numbers<[1], [0], [0], [1], [0, 0, 1, 1], [], []>, transpose_lhs_hint = false} : vector<64x64xf32>, vector<64x10xf32>, vector<64x10xf32> -> vector<64x10xf32>
    %get3A_91 = arith.constant 0 : index
    %get3A_92 = arith.constant 0 : index
    %get3A_93 = vector.load %arg11[%get3A_91, %get3A_92] : memref<1x10xf32, #tpu.memory_space<vmem>>, vector<1x10xf32>
    %add3A_94 = vector.broadcast %get3A_93 : vector<1x10xf32> to vector<64x10xf32>
    %add3A_95 = arith.addf %dot_general3A_90, %add3A_94 : vector<64x10xf32>
    %max3A_96 = arith.constant 0.000000e+00 : f32
    %max3A_97 = vector.broadcast %max3A_96 : f32 to vector<64x10xf32>
    %max3A_98 = arith.maximumf %add3A_95, %max3A_97 : vector<64x10xf32>
    %get3A_99 = arith.constant 0 : index
    %get3A_100 = arith.constant 0 : index
    %get3A_101 = vector.load %arg12[%get3A_99, %get3A_100] : memref<10x1xf32, #tpu.memory_space<vmem>>, vector<10x1xf32>
    %dot_general3A_102 = arith.constant dense<0.000000e+00> : vector<64x1xf32>
    %dot_general3A_103 = tpu.matmul %max3A_98, %get3A_101, %dot_general3A_102 {dimension_numbers = #tpu.dot_dimension_numbers<[1], [0], [0], [1], [0, 0, 1, 1], [], []>, transpose_lhs_hint = false} : vector<64x10xf32>, vector<10x1xf32>, vector<64x1xf32> -> vector<64x1xf32>
    %get3A_104 = arith.constant 0 : index
    %get3A_105 = arith.constant 0 : index
    %get3A_106 = vector.load %arg13[%get3A_104, %get3A_105] : memref<1x1xf32, #tpu.memory_space<vmem>>, vector<1x1xf32>
    %add3A_107 = vector.broadcast %get3A_106 : vector<1x1xf32> to vector<64x1xf32>
    %add3A_108 = arith.addf %dot_general3A_103, %add3A_107 : vector<64x1xf32>
    %swap3A = arith.constant 0 : index
    %swap3A_109 = arith.constant 0 : index
    %swap3A_110 = vector.load %arg14[%swap3A, %swap3A_109] : memref<64x1xf32, #tpu.memory_space<vmem>>, vector<64x1xf32>
    tpu.vector_store %arg14[%swap3A, %swap3A_109], %add3A_108 {strides = array<i32>} : memref<64x1xf32, #tpu.memory_space<vmem>>, vector<64x1xf32>,
    return
  }
}

</mosaic_0001>

<sc_bundles>
// kernel: kernel.11.cloned.1.call-start
scs
__scs_entry_jumppad:
0x0: {  	(pc) =	sbr.rel $0x88, $3  }
0x1: {  	(tag) =	ssettag $0x0;
	lr =	simm.s32 $0x1  }
0x2: {  	[smem:$0x3F85] =	sst lr;
	_ =	strace $0xD0000000  }
0x3: {  	_ = 	snop  }
0x4: {  	_ = 	snop  }
0x5: {  	_ = 	snop  }
0x6: {  	_ = 	snop  }
0x7: {  	_ = 	snop  }
__scs_overlays_trampoline_lowered:
0x8: {  	[smem:$0x3F94] =	sst s0  }
0x9: {  	[smem:$0x3F95] =	sst s1  }
0xa: {  	[smem:$0x3F96] =	sst s2  }
0xb: {  	[smem:$0x3F97] =	sst s3  }
0xc: {  	[smem:$0x3F98] =	sst s4  }
0xd: {  	[smem:$0x3F99] =	sst s5  }
0xe: {  	[smem:$0x3F9A] =	sst s6  }
0xf: {  	[smem:$0x3F9B] =	sst s7  }
0x10: {  	[smem:$0x3F9C] =	sst s8  }
0x11: {  	[smem:$0x3F9D] =	sst s9;
	s0 =	simm.s32 @!p0 $0x0  }
0x12: {  	s1 =	sld [smem:$0x3F83];
	s0 =	simm.s32 @p0 $0x1  }
0x13: {  	[smem:$0x3F9E] =	sst s0;
	s0 =	simm.s32 @!p1 $0x0  }
0x14: {  	s2 =	sld [smem:$0x3F82];
	s0 =	simm.s32 @p1 $0x1  }
0x15: {  	[smem:$0x3F9F] =	sst s0;
	s0 =	simm.s32 @!p2 $0x0  }
0x16: {  	s3 =	sld [smem:$0x3FDB];
	s0 =	simm.s32 @p2 $0x1  }
0x17: {  	s4 =	simm.s32 $0x1BF5;
	[smem:$0x3FA1] =	sst s0  }
0x18: {  	s0 =	sld [smem:$0x3F84];
	_ =	swait.ge [sflag:s4], $0x0  }
0x19: {  	s7 =	sld [smem:$0x3F85]  }
0x1a: {  	s8 =	sadd.s32 $0xFFFFE003, lr  }
0x1b: {  	s9 =	sadd.s32 $0xFFFFFEF7, lr;
	s5 =	simm.s32 $0xFFFFFFFF;
	p2 =	slt.u32 s8, $0xFFFFF086  }
0x1c: {  	p1 =	slt.u32 s9, $0xF7A;
	s5 =	simm.s32 @!p2 $0x0  }
0x1d: {  	s5 =	simm.s32 @p1 $0x1;
	p0 =	seq.s32 s7, s2  }
0x1e: {  	s7 =	smul.u32 @!p0 $0xF7A, s2;
	p2 =	seq.s32 @!p0 s5, $0x0  }
0x1f: {  	s9 =	smul.u32 $0xF7A, s1;
	s8 =	simm.s32 @!p0 $0x1BF5;
	p2 =	por !p2, p0  }
0x20: {  	[sflag:s8] =	ssyncset.s32 @!p0 $0xFFFFF086;
	s6 =	sadd.s32 @!p0 s3, s7;
	s7 =	simm.s32 @!p0 $0x108  }
0x21: {  	s3 =	sadd.s32 s3, s9;
	s6 =	sadd.s32 @!p0 $0x88, s6;
	s7 =	simm.s32 @p2 $0x1082  }
0x22: {  	[simem:s7], [sflag:s8] =	dma.local @!p0 [hbm:s6], $0xF7A  }
0x23: {  	s9 =	sor.u32 $0xD0000000, s2;
	s6 =	simm.s32 $0x108;
	_ =	swait.ge @!p0 [sflag:s8], $0x0  }
0x24: {  	s3 =	sadd.s32 $0x88, s3;
	s6 =	simm.s32 @!p1 $0x1082;
	[sflag:s4] =	ssyncset.s32 $0xFFFFF086  }
0x25: {  	[simem:s6], [sflag:s4] =	dma.local [hbm:s3], $0xF7A  }
0x26: {  	[smem:$0x3F85] =	sst s1;
	(tag) =	ssettag s2;
	_ =	strace s9  }
0x27: {  	s1 =	sld [smem:$0x3F95]  }
0x28: {  	s2 =	sld [smem:$0x3F96]  }
0x29: {  	s4 =	sld [smem:$0x3F98]  }
0x2a: {  	p0 =	seq.s32 s5, $0x0;
	s5 =	sld [smem:$0x3F99]  }
0x2b: {  	s6 =	sld [smem:$0x3F9A]  }
0x2c: {  	s7 =	sld [smem:$0x3F9B]  }
0x2d: {  	s3 =	simm.s32 $0x108;
	s8 =	sld [smem:$0x3F9C]  }
0x2e: {  	s3 =	simm.s32 @!p0 $0x1082;
	s9 =	sld [smem:$0x3F9D]  }
0x2f: {  	lr =	sadd.s32 s0, s3;
	s0 =	sld [smem:$0x3F94]  }
0x30: {  	s3 =	sld [smem:$0x3F97]  }
0x31: {  	[smem:$0x3FA0] =	sst s10  }
0x32: {  	s10 =	sld [smem:$0x3F9E];
	_ =	sdelay $0x3  }
0x33: {  	p0 =	seq.s32 s10, $0x1;
	s10 =	sld [smem:$0x3FA0];
	_ =	sdelay $0x3  }
0x34: {  	[smem:$0x3FA0] =	sst s10  }
0x35: {  	s10 =	sld [smem:$0x3F9F];
	_ =	sdelay $0x3  }
0x36: {  	p1 =	seq.s32 s10, $0x1;
	s10 =	sld [smem:$0x3FA0];
	_ =	sdelay $0x3  }
0x37: {  	[smem:$0x3FA0] =	sst s10  }
0x38: {  	s10 =	sld [smem:$0x3FA1]  }
0x39: {  	_ = 	snop;
	(pc) =	sbr.ind lr, $3  }
0x3a: {  	_ = 	snop  }
0x3b: {  	_ = 	snop  }
0x3c: {  	p2 =	seq.s32 s10, $0x1;
	s10 =	sld [smem:$0x3FA0]  }
0x3d: {  	_ =	shalt  }
0x3e: {  	_ =	shalt  }
0x3f: {  	_ =	shalt  }
0x40: {  	_ =	shalt  }
0x41: {  	_ =	shalt  }
0x42: {  	_ =	shalt  }
0x43: {  	_ =	shalt  }
0x44: {  	_ =	shalt  }
0x45: {  	_ =	shalt  }
0x46: {  	_ =	shalt  }
0x47: {  	_ =	shalt  }
0x48: {  	_ =	shalt  }
0x49: {  	_ =	shalt  }
0x4a: {  	_ =	shalt  }
0x4b: {  	_ =	shalt  }
0x4c: {  	_ =	shalt  }
0x4d: {  	_ =	shalt  }
0x4e: {  	_ =	shalt  }
0x4f: {  	_ =	shalt  }
0x50: {  	_ =	shalt  }
0x51: {  	_ =	shalt  }
0x52: {  	_ =	shalt  }
0x53: {  	_ =	shalt  }
0x54: {  	_ =	shalt  }
0x55: {  	_ =	shalt  }
0x56: {  	_ =	shalt  }
0x57: {  	_ =	shalt  }
0x58: {  	_ =	shalt  }
0x59: {  	_ =	shalt  }
0x5a: {  	_ =	shalt  }
0x5b: {  	_ =	shalt  }
0x5c: {  	_ =	shalt  }
0x5d: {  	_ =	shalt  }
0x5e: {  	_ =	shalt  }
0x5f: {  	_ =	shalt  }
0x60: {  	_ =	shalt  }
0x61: {  	_ =	shalt  }
0x62: {  	_ =	shalt  }
0x63: {  	_ =	shalt  }
0x64: {  	_ =	shalt  }
0x65: {  	_ =	shalt  }
0x66: {  	_ =	shalt  }
0x67: {  	_ =	shalt  }
0x68: {  	_ =	shalt  }
0x69: {  	_ =	shalt  }
0x6a: {  	_ =	shalt  }
0x6b: {  	_ =	shalt  }
0x6c: {  	_ =	shalt  }
0x6d: {  	_ =	shalt  }
0x6e: {  	_ =	shalt  }
0x6f: {  	_ =	shalt  }
0x70: {  	_ =	shalt  }
0x71: {  	_ =	shalt  }
0x72: {  	_ =	shalt  }
0x73: {  	_ =	shalt  }
0x74: {  	_ =	shalt  }
0x75: {  	_ =	shalt  }
0x76: {  	_ =	shalt  }
0x77: {  	_ =	shalt  }
0x78: {  	_ =	shalt  }
0x79: {  	_ =	shalt  }
0x7a: {  	_ =	shalt  }
0x7b: {  	_ =	shalt  }
0x7c: {  	_ =	shalt  }
0x7d: {  	_ =	shalt  }
0x7e: {  	_ =	shalt  }
0x7f: {  	_ =	shalt  }
0x80: {  	_ =	shalt  }
0x81: {  	_ =	shalt  }
0x82: {  	_ =	shalt  }
0x83: {  	_ =	shalt  }
0x84: {  	_ =	shalt  }
0x85: {  	_ =	shalt  }
0x86: {  	_ =	shalt  }
0x87: {  	_ =	shalt  }
.Lfunc_end0:
.L_simem_size_0:
called_computation.1_lowered:
.L_overlay_start_0:
0x88: {  	s2 =	sld [smem:$0x3FD9]  }
0x89: {  	s3 =	sld [smem:$0x3FFE];
	_ =	sdelay $0x1  }
0x8a: {  	s1 =	srdreg.scid  }
0x8b: {  	s0 =	sand.u32 $0x1, s1  }
0x8c: {  	s16 =	sshll.u32 s0, $0xA;
	s2 =	sadd.s32 s3, s2  }
0x8d: {  	s2 =	sadd.s32 s2, s16  }
0x8e: {  	[smem:$0x3FAC] =	sst s2  }
0x8f: {  	_ = 	snop  }
0x90: {  	(tm) =	ssettm $0x1  }
0x91: {  	s17 =	sld [smem:$0x3FFB];
	_ =	sdelay $0x3  }
0x92: {  	_ =	strace s17  }
0x93: {  	s2 =	sld [smem:$0x3FFC];
	_ =	sdelay $0x3  }
0x94: {  	_ =	strace s2  }
0x95: {  	s2 =	sld [smem:$0x3FFD];
	_ =	sdelay $0x3  }
0x96: {  	_ =	strace s2  }
0x97: {  	_ =	strace $0x8FFFFFFF  }
0x98: {  	s18 =	sld [smem:$0x3FDB];
	_ =	sdelay $0x1  }
0x99: {  	s19 =	simm.s32 $_scs_section_size  }
0x9a: {  	s4 =	simm.s32 $_size__tile_overlayer_lowered;
	s5 =	simm.s32 $_tile_overlayer_lowered  }
0x9b: {  	s22 =	simm.s32 $0x1BFF;
	s21 =	sshll.u32 s5, $0x1;
	s2 =	sadd.s32 s19, s18  }
0x9c: {  	s6 =	simm.s32 $0x0;
	s20 =	sshll.u32 s4, $0x1;
	s4 =	sadd.s32 s21, s2  }
0x9d: {  	[timem:s6], [sflag:s22] =	dma.local [hbm:s4], s20  }
0x9e: {  	_ =	swait.ge [sflag:s22], s20  }
0x9f: {  	s3 =	ssub.s32 $0x0, s20;
	[sflag:s22] =	ssyncset.done $0x0  }
0xa0: {  	[sflag:s22] =	ssyncadd.s32 s3;
	_ =	sdelay $0x1  }
0xa1: {  	s23 =	simm.s32 $0x1B8B  }
0xa2: {  	_ =	swait.ge [sflag:s23], $0x1  }
0xa3: {  	[sflag:s23] =	ssyncset.done $0x0  }
0xa4: {  	s25 =	simm.s32 $0x1B8E;
	s24 =	sld [smem:$0x3FFE];
	[sflag:s23] =	ssyncadd.s32 $0xFFFFFFFF  }
0xa5: {  	s26 =	simm.s32 $execute0_lowered;
	[smem:$0x3FD2] =	sst s25  }
0xa6: {  	s4 =	sshll.u32 s26, $0x1;
	_ =	strace $0x80000049;
	[dreg:$0x1] =	wrdreg $0xFFFFFFFF  }
0xa7: {  	s28 =	simm.s32 $_size_execute0_lowered;
	s2 =	sadd.s32 s2, s4;
	[dreg:$0x0] =	wrdreg $0x0  }
0xa8: {  	s4 =	sshll.u32 s28, $0x1;
	[dreg:$0x2] =	wrdreg s2  }
0xa9: {  	[dreg:$0x3] =	wrdreg s4  }
0xaa: {  	[dreg:$0x4] =	wrdreg $0xC0  }
0xab: {  	_ =	task [dreg:s6], $0x5FFFF  }
0xac: {  	[dreg:$0x1] =	wrdreg $0xFFFFFFFF  }
0xad: {  	[dreg:$0x0] =	wrdreg $0x60  }
0xae: {  	[dreg:$0x2] =	wrdreg s24  }
0xaf: {  	[dreg:$0x3] =	wrdreg $0x10F000  }
0xb0: {  	[dreg:$0x4] =	wrdreg $0x9  }
0xb1: {  	_ =	task.clear_ibuf [dreg:s6], $0x5FFFF;
	_ =	strace $0x90000049  }
0xb2: {  	s29 =	simm.s32 $0x9;
	_ =	strace $0x8000004B  }
0xb3: {  	_ =	swait.ge [sflag:s29], $0x1  }
0xb4: {  	[sflag:s29] =	ssyncadd.s32 $0xFFFFFFFF  }
0xb5: {  	_ =	strace $0x9000004B  }
0xb6: {  	_ =	sfence  }
0xb7: {  	s30 =	sld [smem:$0x0];
	_ =	sdelay $0x2  }
0xb8: {  	s31 =	sshll.u32 s1, $0xD;
	s1 =	sshrl.u32 s1, $0x2  }
0xb9: {  	s3 =	sand.u32 $0x4000, s31;
	s1 =	sadd.s32 s1, s30  }
0xba: {  	s0 =	sor.u32 s3, s0;
	s1 =	sshll.u32 s1, $0x11  }
0xbb: {  	s0 =	sor.u32 s1, s0  }
0xbc: {  	s0 =	sadd.s32 $0x8F2B, s0  }
0xbd: {  	[sflag:s0] =	ssyncadd.remote.s32 $0x1  }
0xbe: {  	_ =	sfence.sel $0xFFFF  }
0xbf: {  	[dreg:$0x0] =	wrdreg $0xFFFFFFFF;
	(pc) =	sbr.abs _section_cstart, $3  }
0xc0: {  	[dreg:$0x1] =	wrdreg $0xFFFFFFFF  }
0xc1: {  	_ =	task.clear_ibuf [dreg:s6], $0x2FFFF;
	_ =	strace $0x9FFFFFFF  }
0xc2: {  	(tm) =	ssettm $0x7FFFFFFF  }
0xc3: {  	_ =	shalt  }
tec
execute0_lowered:
.L_overlay_start_1:
0x0: {  	(tag) =	ssettag $0x1  }
0x1: {  	s5 =	rddreg [dreg:$0x0]  }
0x2: {  	s2 =	rddreg [dreg:$0x1]  }
0x3: {  	s3 =	srdreg.scid;
	s1 =	stileid.u32  }
0x4: {  	s14 =	simm.s32 $0x2780;
	s15 =	simm.s32 $0x4F00;
	s16 =	simm.s32 $0x4  }
0x5: {  	s17 =	simm.s32 $0x3;
	s18 =	simm.s32 $0x80;
	s19 =	simm.s32 $0x6F00  }
0x6: {  	s20 =	simm.s32 $0x100;
	s21 =	simm.s32 $0x8F00;
	s22 =	simm.s32 $0x180  }
0x7: {  	s23 =	simm.s32 $0xAF00;
	s24 =	simm.s32 $0x1;
	s25 =	simm.s32 $0x2  }
0x8: {  	s26 =	simm.s32 $0x0;
	s6 =	sand.u32 $0x1, s3;
	s7 =	smul.u32 $0x9E00, s1  }
0x9: {  	s3 =	simm.s32 $0x0;
	s10 =	smul.u32 $0x27800, s1;
	s4 =	sshll.u32 s6, $0x4  }
0xa: {  	[smem:$0x7FF] =	sst s3;
	s8 =	smul.u32 $0x9E000, s6;
	s6 =	ssub.s32 $0x2, s6  }
0xb: {  	s4 =	sor.u32 s1, s4;
	_ =	strace $0x8000004A;
	s30 =	sshrl.u32 s6, $0x1  }
0xc: {  	s31 =	sshrl.u32 s10, $0x2;
	s9 =	smul.u32 $0x4F0, s4;
	s4 =	sadd.s32 $0x3A00, s5  }
0xd: {  	s8 =	sadd.s32 s7, s8;
	s13 =	ssub.s32 s6, s30;
	s11 =	sadd.s32 s31, s2  }
0xe: {  	s7 =	sadd.s32 s7, s2;
	s8 =	sshrl.u32 s8, $0x3;
	s10 =	sadd.s32 $0x6000, s11  }
0xf: {  	s13 =	smax.u32 s13, $0x1;
	s9 =	sadd.s32 s9, s5;
	s12 =	sadd.s32 s8, s5  }
0x10: {  	s8 =	sadd.s32 $0x2000, s11;
	s5 =	sadd.s32 $0x70000, s9;
	s6 =	sadd.s32 $0x66200, s9  }
0x11: {  	v0 =	vimm.f32 $0.0e+00;
	s9 =	sadd.s32 $0x4000, s11;
	s11 =	sadd.s32 $0x8000, s11;
	s12 =	sadd.s32 $0x17400, s12  }
.LBB2_1:
0x12: {  	[tilespmem:s3], [sflag:$0x3] =	stream.linear.gather [hbm4b:s5+s3], $0x2780, $0x38;
	[tilespmem:$0x1AD00] =	vst v63  }
0x13: {  	s29 =	simm.s32 $0x100;
	s28 =	simm.s32 $0x0  }
0x14: {  	[tilespmem:s14], [sflag:$0x3] =	stream.linear.gather [hbm4b:s6+s3], $0x2780, $0x38;
	[tilespmem:$0x1AD00] =	vst v63  }
.LBB2_2:
0x15: {  	p0 =	sne.s32 s29, $0x7F00;
	[tilespmem:s28+$0x4F30] =	vst v0;
	s30 =	smov.u32 s29;
	s29 =	sadd.s32 $0x100, s29  }
.Ltmp0:
0x16: {  	[tilespmem:s28+$0x4F20] =	vst v0;
	(pc) =	sbr.rel @p0 .LBB2_2-.Ltmp0, $3  }
0x17: {  	[tilespmem:s28+$0x4F00] =	vst v0  }
0x18: {  	[tilespmem:s28+$0x4F10] =	vst v0;
	_ =	sdelay $0x1  }
0x19: {  	s28 =	sshra.s32 s30, $0x2  }
0x1a: {  	[tilespmem:s28+$0x4F30] =	vst v0  }
0x1b: {  	[tilespmem:s28+$0x4F20] =	vst v0  }
0x1c: {  	[tilespmem:s28+$0x4F00] =	vst v0  }
0x1d: {  	[tilespmem:s28+$0x4F10] =	vst v0  }
0x1e: {  	[spmem:s7] =	stream.linear.scatter [tilespmem:s15], [sflag:$0x4], $0x2000, $0x38;
	[tilespmem:$0x1AD00] =	vst v63  }
0x1f: {  	_ =	swait.ge [sflag:s16], $0x2000  }
0x20: {  	[sflag:s16] =	ssyncset.done $0x0  }
0x21: {  	[sflag:s16] =	ssyncadd.s32 $0xFFFFE000  }
0x22: {  	[spmem:s8] =	stream.linear.scatter [tilespmem:s15], [sflag:$0x4], $0x2000, $0x38;
	[tilespmem:$0x1AD00] =	vst v63  }
0x23: {  	_ =	swait.ge [sflag:s16], $0x2000  }
0x24: {  	[sflag:s16] =	ssyncset.done $0x0  }
0x25: {  	[sflag:s16] =	ssyncadd.s32 $0xFFFFE000  }
0x26: {  	[spmem:s9] =	stream.linear.scatter [tilespmem:s15], [sflag:$0x4], $0x2000, $0x38;
	[tilespmem:$0x1AD00] =	vst v63  }
0x27: {  	_ =	swait.ge [sflag:s16], $0x2000  }
0x28: {  	[sflag:s16] =	ssyncset.done $0x0  }
0x29: {  	[sflag:s16] =	ssyncadd.s32 $0xFFFFE000  }
0x2a: {  	[spmem:s10] =	stream.linear.scatter [tilespmem:s15], [sflag:$0x4], $0x2000, $0x38;
	[tilespmem:$0x1AD00] =	vst v63  }
0x2b: {  	_ =	swait.ge [sflag:s16], $0x2000  }
0x2c: {  	[sflag:s16] =	ssyncset.done $0x0  }
0x2d: {  	[sflag:s16] =	ssyncadd.s32 $0xFFFFE000  }
0x2e: {  	[spmem:s11] =	stream.linear.scatter [tilespmem:s15], [sflag:$0x4], $0x1E00, $0x38;
	[tilespmem:$0x1AD00] =	vst v63  }
0x2f: {  	_ =	swait.ge [sflag:s16], $0x1E00  }
0x30: {  	[sflag:s16] =	ssyncset.done $0x0  }
0x31: {  	[sflag:s16] =	ssyncadd.s32 $0xFFFFE200  }
0x32: {  	_ =	swait.ge [sflag:s17], $0x2780  }
0x33: {  	[sflag:s17] =	ssyncset.done $0x0  }
0x34: {  	[sflag:s17] =	ssyncadd.s32 $0xFFFFD880  }
0x35: {  	_ =	swait.ge [sflag:s17], $0x2780  }
0x36: {  	[sflag:s17] =	ssyncset.done $0x0  }
0x37: {  	[sflag:s17] =	ssyncadd.s32 $0xFFFFD880  }
0x38: {  	s28 =	simm.s32 $0x0;
	[bflag:$0x0] =	sbarrier.arrive $0xFFFF  }
0x39: {  	[tilespmem:s15], [sflag:$0x1] =	stream.indirect.gather [hbm4b:s4+s18], $0x40, s28, s18, $0xb8;
	[tilespmem:$0x1AD00] =	vst v63  }
0x3a: {  	_ = 	snop  }
0x3b: {  	[tilespmem:s19], [sflag:$0x1] =	stream.indirect.gather [hbm4b:s4+s18], $0x40, s18, s18, $0xb8;
	[tilespmem:$0x1AD00] =	vst v63  }
0x3c: {  	_ = 	snop  }
0x3d: {  	[tilespmem:s21], [sflag:$0x1] =	stream.indirect.gather [hbm4b:s4+s18], $0x40, s20, s18, $0xb8;
	[tilespmem:$0x1AD00] =	vst v63  }
0x3e: {  	s29 =	simm.s32 $0x200;
	s30 =	simm.s32 $0x2780  }
0x3f: {  	[tilespmem:s23], [sflag:$0x1] =	stream.indirect.gather [hbm4b:s4+s18], $0x40, s22, s18, $0xb8;
	[tilespmem:$0x1AD00] =	vst v63  }
.LBB2_4:
0x40: {  	s31 =	smul.u32 $0xAB, s28;
	_ =	sdelay $0x1  }
0x41: {  	s31 =	sshrl.u32 s31, $0xA  }
0x42: {  	s31 =	sand.u32 $0x3F, s31  }
0x43: {  	s31 =	smul.u32 $0x6, s31;
	_ =	sdelay $0x1  }
0x44: {  	s31 =	ssub.s32 s28, s31  }
0x45: {  	_ =	swait.ge [sflag:s24], $0x2000;
	s31 =	sand.u32 $0xFF, s31  }
0x46: {  	[sflag:s24] =	ssyncset.done $0x0;
	s31 =	sshll.u32 s31, $0xD  }
0x47: {  	p0 =	slt.u32 s28, $0x2;
	[sflag:s24] =	ssyncadd.s32 $0xFFFFE000;
	s31 =	sadd.s32 $0x4F00, s31  }
0x48: {  	[spmem:s2] =	stream.indirect.scatter.add.f32 [tilespmem:s31], [sflag:$0x2], $0x40, s30, s18, $0xb8;
	[tilespmem:$0x1AD00] =	vst v63  }
0x49: {  	s31 =	simm.s32 @!p0 $0x2  }
0x4a: {  	p1 =	sgt.u32 @!p0 s28, $0x4A;
	_ =	swait.ge @!p0 [sflag:s31], $0x2000  }
0x4b: {  	p1 =	por p0, !p1;
	[sflag:s31] =	ssyncset.done @!p0 $0x0  }
0x4c: {  	[sflag:s31] =	ssyncadd.s32 @!p0 $0xFFFFE000;
	s31 =	sadd.s32 @p1 $0x4, s28  }
0x4d: {  	s0 =	smul.u32 @p1 $0xAB, s31;
	_ =	sdelay $0x1  }
0x4e: {  	s0 =	sshrl.u32 @p1 s0, $0xA  }
0x4f: {  	s0 =	sand.u32 @p1 $0x3F, s0  }
0x50: {  	s0 =	smul.u32 @p1 $0x6, s0  }
0x51: {  	s28 =	sadd.s32 $0x1, s28  }
0x52: {  	p0 =	sne.s32 s28, $0x4F;
	s0 =	ssub.s32 @p1 s31, s0  }
.Ltmp1:
0x53: {  	s0 =	sand.u32 @p1 $0xFF, s0;
	(pc) =	sbr.rel @p0 .LBB2_4-.Ltmp1, $4  }
0x54: {  	s0 =	sshll.u32 @p1 s0, $0xD  }
0x55: {  	s0 =	sadd.s32 @p1 $0x4F00, s0  }
0x56: {  	[tilespmem:s0], [sflag:$0x1] =	stream.indirect.gather @p1 [hbm4b:s4+s18], $0x40, s29, s18, $0xb8;
	[tilespmem:$0x1AD00] =	vst v63  }
0x57: {  	s30 =	sadd.s32 $0x80, s30;
	s29 =	sadd.s32 $0x80, s29  }
0x58: {  	_ =	swait.ge [sflag:s25], $0x2000  }
0x59: {  	[sflag:s25] =	ssyncset.done $0x0  }
0x5a: {  	[sflag:s25] =	ssyncadd.s32 $0xFFFFE000  }
0x5b: {  	_ =	swait.ge [sflag:s25], $0x2000  }
0x5c: {  	s0 =	sshll.u32 s1, $0x6;
	s26 =	sadd.s32 $0x1, s26;
	[sflag:s25] =	ssyncset.done $0x0  }
0x5d: {  	s28 =	sshrl.u32 s7, $0x3;
	p0 =	sne.s32 s26, s13;
	[sflag:s25] =	ssyncadd.s32 $0xFFFFE000  }
.Ltmp2:
0x5e: {  	s0 =	sor.u32 $0x1C04, s0;
	[bflag:$0x0] =	sbarrier.arrive $0xFFFF;
	(pc) =	sbr.rel @p0 .LBB2_1-.Ltmp2, $4  }
0x5f: {  	[hbm:s12], [sflag:s0] =	dma.local [spmem:s28], $0x13C0  }
0x60: {  	_ =	swait.ge [sflag:s16], $0x13C0  }
0x61: {  	[sflag:s16] =	ssyncset.done $0x0  }
0x62: {  	[sflag:s16] =	ssyncadd.s32 $0xFFFFEC40  }
0x63: {  	_ =	sfence.sel $0x180000  }
0x64: {  	[bflag:$0x0] =	sbarrier.arrive $0xFFFF  }
0x65: {  	_ =	strace $0x9000004A  }
0x66: {  	[bflag:$0x2] =	sbarrier.arrive $0xFFFF  }
0x67: {  	p0 =	sne.s32 s1, $0x0;
	s0 =	rddreg [dreg:$0x2]  }
0x68: {  	s0 =	sadd.s32 @!p0 $0x100000, s0  }
0x69: {  	[sflag:s0] =	ssyncadd.tile.s32 @!p0 $0x1;
	_ =	shalt  }
.Lfunc_end2:
_tile_overlayer_lowered:
.L_overlay_start_2:
0x6a: {  	(tag) =	ssettag $0x2  }
0x6b: {  	s0 =	rddreg [dreg:$0x0];
	s2 =	stileid.u32  }
0x6c: {  	s1 =	rddreg [dreg:$0x1];
	p0 =	sne.s32 s2, $0x0  }
0x6d: {  	s3 =	rddreg [dreg:$0x2];
	[bflag:$0x3] =	sbarrier.arrive $0xFFFF;
	s2 =	simm.s32 @!p0 $0x1C04  }
0x6e: {  	[timem:s3], [sflag:s2] =	dma.local @!p0 [hbm:s0], s1  }
0x6f: {  	s0 =	simm.s32 @!p0 $0x4  }
0x70: {  	_ =	swait.ge @!p0 [sflag:s0], s1  }
0x71: {  	s1 =	ssub.s32 @!p0 $0x0, s1;
	[sflag:s0] =	ssyncset.done @!p0 $0x0  }
0x72: {  	[sflag:s0] =	ssyncadd.s32 @!p0 s1  }
0x73: {  	[bflag:$0x3] =	sbarrier.arrive $0xFFFF  }
0x74: {  	_ =	shalt  }

// kernel: kernel.14.cloned.1.call-start
scs
__scs_entry_jumppad:
0x0: {  	(pc) =	sbr.rel $0x88, $3  }
0x1: {  	(tag) =	ssettag $0x0;
	lr =	simm.s32 $0x1  }
0x2: {  	[smem:$0x3F85] =	sst lr;
	_ =	strace $0xD0000000  }
0x3: {  	_ = 	snop  }
0x4: {  	_ = 	snop  }
0x5: {  	_ = 	snop  }
0x6: {  	_ = 	snop  }
0x7: {  	_ = 	snop  }
__scs_overlays_trampoline_lowered:
0x8: {  	[smem:$0x3F94] =	sst s0  }
0x9: {  	[smem:$0x3F95] =	sst s1  }
0xa: {  	[smem:$0x3F96] =	sst s2  }
0xb: {  	[smem:$0x3F97] =	sst s3  }
0xc: {  	[smem:$0x3F98] =	sst s4  }
0xd: {  	[smem:$0x3F99] =	sst s5  }
0xe: {  	[smem:$0x3F9A] =	sst s6  }
0xf: {  	[smem:$0x3F9B] =	sst s7  }
0x10: {  	[smem:$0x3F9C] =	sst s8  }
0x11: {  	[smem:$0x3F9D] =	sst s9;
	s0 =	simm.s32 @!p0 $0x0  }
0x12: {  	s1 =	sld [smem:$0x3F83];
	s0 =	simm.s32 @p0 $0x1  }
0x13: {  	[smem:$0x3F9E] =	sst s0;
	s0 =	simm.s32 @!p1 $0x0  }
0x14: {  	s2 =	sld [smem:$0x3F82];
	s0 =	simm.s32 @p1 $0x1  }
0x15: {  	[smem:$0x3F9F] =	sst s0;
	s0 =	simm.s32 @!p2 $0x0  }
0x16: {  	s3 =	sld [smem:$0x3FDB];
	s0 =	simm.s32 @p2 $0x1  }
0x17: {  	s4 =	simm.s32 $0x1BF5;
	[smem:$0x3FA1] =	sst s0  }
0x18: {  	s0 =	sld [smem:$0x3F84];
	_ =	swait.ge [sflag:s4], $0x0  }
0x19: {  	s7 =	sld [smem:$0x3F85]  }
0x1a: {  	s8 =	sadd.s32 $0xFFFFE003, lr  }
0x1b: {  	s9 =	sadd.s32 $0xFFFFFEF7, lr;
	s5 =	simm.s32 $0xFFFFFFFF;
	p2 =	slt.u32 s8, $0xFFFFF086  }
0x1c: {  	p1 =	slt.u32 s9, $0xF7A;
	s5 =	simm.s32 @!p2 $0x0  }
0x1d: {  	s5 =	simm.s32 @p1 $0x1;
	p0 =	seq.s32 s7, s2  }
0x1e: {  	s7 =	smul.u32 @!p0 $0xF7A, s2;
	p2 =	seq.s32 @!p0 s5, $0x0  }
0x1f: {  	s9 =	smul.u32 $0xF7A, s1;
	s8 =	simm.s32 @!p0 $0x1BF5;
	p2 =	por !p2, p0  }
0x20: {  	[sflag:s8] =	ssyncset.s32 @!p0 $0xFFFFF086;
	s6 =	sadd.s32 @!p0 s3, s7;
	s7 =	simm.s32 @!p0 $0x108  }
0x21: {  	s3 =	sadd.s32 s3, s9;
	s6 =	sadd.s32 @!p0 $0x88, s6;
	s7 =	simm.s32 @p2 $0x1082  }
0x22: {  	[simem:s7], [sflag:s8] =	dma.local @!p0 [hbm:s6], $0xF7A  }
0x23: {  	s9 =	sor.u32 $0xD0000000, s2;
	s6 =	simm.s32 $0x108;
	_ =	swait.ge @!p0 [sflag:s8], $0x0  }
0x24: {  	s3 =	sadd.s32 $0x88, s3;
	s6 =	simm.s32 @!p1 $0x1082;
	[sflag:s4] =	ssyncset.s32 $0xFFFFF086  }
0x25: {  	[simem:s6], [sflag:s4] =	dma.local [hbm:s3], $0xF7A  }
0x26: {  	[smem:$0x3F85] =	sst s1;
	(tag) =	ssettag s2;
	_ =	strace s9  }
0x27: {  	s1 =	sld [smem:$0x3F95]  }
0x28: {  	s2 =	sld [smem:$0x3F96]  }
0x29: {  	s4 =	sld [smem:$0x3F98]  }
0x2a: {  	p0 =	seq.s32 s5, $0x0;
	s5 =	sld [smem:$0x3F99]  }
0x2b: {  	s6 =	sld [smem:$0x3F9A]  }
0x2c: {  	s7 =	sld [smem:$0x3F9B]  }
0x2d: {  	s3 =	simm.s32 $0x108;
	s8 =	sld [smem:$0x3F9C]  }
0x2e: {  	s3 =	simm.s32 @!p0 $0x1082;
	s9 =	sld [smem:$0x3F9D]  }
0x2f: {  	lr =	sadd.s32 s0, s3;
	s0 =	sld [smem:$0x3F94]  }
0x30: {  	s3 =	sld [smem:$0x3F97]  }
0x31: {  	[smem:$0x3FA0] =	sst s10  }
0x32: {  	s10 =	sld [smem:$0x3F9E];
	_ =	sdelay $0x3  }
0x33: {  	p0 =	seq.s32 s10, $0x1;
	s10 =	sld [smem:$0x3FA0];
	_ =	sdelay $0x3  }
0x34: {  	[smem:$0x3FA0] =	sst s10  }
0x35: {  	s10 =	sld [smem:$0x3F9F];
	_ =	sdelay $0x3  }
0x36: {  	p1 =	seq.s32 s10, $0x1;
	s10 =	sld [smem:$0x3FA0];
	_ =	sdelay $0x3  }
0x37: {  	[smem:$0x3FA0] =	sst s10  }
0x38: {  	s10 =	sld [smem:$0x3FA1]  }
0x39: {  	_ = 	snop;
	(pc) =	sbr.ind lr, $3  }
0x3a: {  	_ = 	snop  }
0x3b: {  	_ = 	snop  }
0x3c: {  	p2 =	seq.s32 s10, $0x1;
	s10 =	sld [smem:$0x3FA0]  }
0x3d: {  	_ =	shalt  }
0x3e: {  	_ =	shalt  }
0x3f: {  	_ =	shalt  }
0x40: {  	_ =	shalt  }
0x41: {  	_ =	shalt  }
0x42: {  	_ =	shalt  }
0x43: {  	_ =	shalt  }
0x44: {  	_ =	shalt  }
0x45: {  	_ =	shalt  }
0x46: {  	_ =	shalt  }
0x47: {  	_ =	shalt  }
0x48: {  	_ =	shalt  }
0x49: {  	_ =	shalt  }
0x4a: {  	_ =	shalt  }
0x4b: {  	_ =	shalt  }
0x4c: {  	_ =	shalt  }
0x4d: {  	_ =	shalt  }
0x4e: {  	_ =	shalt  }
0x4f: {  	_ =	shalt  }
0x50: {  	_ =	shalt  }
0x51: {  	_ =	shalt  }
0x52: {  	_ =	shalt  }
0x53: {  	_ =	shalt  }
0x54: {  	_ =	shalt  }
0x55: {  	_ =	shalt  }
0x56: {  	_ =	shalt  }
0x57: {  	_ =	shalt  }
0x58: {  	_ =	shalt  }
0x59: {  	_ =	shalt  }
0x5a: {  	_ =	shalt  }
0x5b: {  	_ =	shalt  }
0x5c: {  	_ =	shalt  }
0x5d: {  	_ =	shalt  }
0x5e: {  	_ =	shalt  }
0x5f: {  	_ =	shalt  }
0x60: {  	_ =	shalt  }
0x61: {  	_ =	shalt  }
0x62: {  	_ =	shalt  }
0x63: {  	_ =	shalt  }
0x64: {  	_ =	shalt  }
0x65: {  	_ =	shalt  }
0x66: {  	_ =	shalt  }
0x67: {  	_ =	shalt  }
0x68: {  	_ =	shalt  }
0x69: {  	_ =	shalt  }
0x6a: {  	_ =	shalt  }
0x6b: {  	_ =	shalt  }
0x6c: {  	_ =	shalt  }
0x6d: {  	_ =	shalt  }
0x6e: {  	_ =	shalt  }
0x6f: {  	_ =	shalt  }
0x70: {  	_ =	shalt  }
0x71: {  	_ =	shalt  }
0x72: {  	_ =	shalt  }
0x73: {  	_ =	shalt  }
0x74: {  	_ =	shalt  }
0x75: {  	_ =	shalt  }
0x76: {  	_ =	shalt  }
0x77: {  	_ =	shalt  }
0x78: {  	_ =	shalt  }
0x79: {  	_ =	shalt  }
0x7a: {  	_ =	shalt  }
0x7b: {  	_ =	shalt  }
0x7c: {  	_ =	shalt  }
0x7d: {  	_ =	shalt  }
0x7e: {  	_ =	shalt  }
0x7f: {  	_ =	shalt  }
0x80: {  	_ =	shalt  }
0x81: {  	_ =	shalt  }
0x82: {  	_ =	shalt  }
0x83: {  	_ =	shalt  }
0x84: {  	_ =	shalt  }
0x85: {  	_ =	shalt  }
0x86: {  	_ =	shalt  }
0x87: {  	_ =	shalt  }
.Lfunc_end0:
.L_simem_size_0:
called_computation.2_lowered:
.L_overlay_start_0:
0x88: {  	s2 =	sld [smem:$0x3FD9]  }
0x89: {  	s3 =	sld [smem:$0x3FFE];
	_ =	sdelay $0x1  }
0x8a: {  	s1 =	srdreg.scid  }
0x8b: {  	s0 =	sand.u32 $0x1, s1  }
0x8c: {  	s16 =	sshll.u32 s0, $0xA;
	s2 =	sadd.s32 s3, s2  }
0x8d: {  	s2 =	sadd.s32 s2, s16  }
0x8e: {  	[smem:$0x3FAC] =	sst s2  }
0x8f: {  	_ = 	snop  }
0x90: {  	(tm) =	ssettm $0x1  }
0x91: {  	s17 =	sld [smem:$0x3FFB];
	_ =	sdelay $0x3  }
0x92: {  	_ =	strace s17  }
0x93: {  	s2 =	sld [smem:$0x3FFC];
	_ =	sdelay $0x3  }
0x94: {  	_ =	strace s2  }
0x95: {  	s2 =	sld [smem:$0x3FFD];
	_ =	sdelay $0x3  }
0x96: {  	_ =	strace s2  }
0x97: {  	_ =	strace $0x8FFFFFFF  }
0x98: {  	s18 =	sld [smem:$0x3FDB];
	_ =	sdelay $0x1  }
0x99: {  	s19 =	simm.s32 $_scs_section_size  }
0x9a: {  	s4 =	simm.s32 $_size__tile_overlayer_lowered;
	s5 =	simm.s32 $_tile_overlayer_lowered  }
0x9b: {  	s22 =	simm.s32 $0x1BFF;
	s21 =	sshll.u32 s5, $0x1;
	s2 =	sadd.s32 s19, s18  }
0x9c: {  	s6 =	simm.s32 $0x0;
	s20 =	sshll.u32 s4, $0x1;
	s4 =	sadd.s32 s21, s2  }
0x9d: {  	[timem:s6], [sflag:s22] =	dma.local [hbm:s4], s20  }
0x9e: {  	_ =	swait.ge [sflag:s22], s20  }
0x9f: {  	s3 =	ssub.s32 $0x0, s20;
	[sflag:s22] =	ssyncset.done $0x0  }
0xa0: {  	[sflag:s22] =	ssyncadd.s32 s3;
	_ =	sdelay $0x1  }
0xa1: {  	s23 =	simm.s32 $0x1B8B  }
0xa2: {  	_ =	swait.ge [sflag:s23], $0x1  }
0xa3: {  	[sflag:s23] =	ssyncset.done $0x0  }
0xa4: {  	s25 =	simm.s32 $0x1B8E;
	s24 =	sld [smem:$0x3FFE];
	[sflag:s23] =	ssyncadd.s32 $0xFFFFFFFF  }
0xa5: {  	s26 =	simm.s32 $execute0_lowered;
	[smem:$0x3FD2] =	sst s25  }
0xa6: {  	s4 =	sshll.u32 s26, $0x1;
	_ =	strace $0x8000004C;
	[dreg:$0x1] =	wrdreg $0xFFFFFFFF  }
0xa7: {  	s28 =	simm.s32 $_size_execute0_lowered;
	s2 =	sadd.s32 s2, s4;
	[dreg:$0x0] =	wrdreg $0x0  }
0xa8: {  	s4 =	sshll.u32 s28, $0x1;
	[dreg:$0x2] =	wrdreg s2  }
0xa9: {  	[dreg:$0x3] =	wrdreg s4  }
0xaa: {  	[dreg:$0x4] =	wrdreg $0xC0  }
0xab: {  	_ =	task [dreg:s6], $0x5FFFF  }
0xac: {  	[dreg:$0x1] =	wrdreg $0xFFFFFFFF  }
0xad: {  	[dreg:$0x0] =	wrdreg $0x60  }
0xae: {  	[dreg:$0x2] =	wrdreg s24  }
0xaf: {  	[dreg:$0x3] =	wrdreg $0x10F000  }
0xb0: {  	[dreg:$0x4] =	wrdreg $0x9  }
0xb1: {  	_ =	task.clear_ibuf [dreg:s6], $0x5FFFF;
	_ =	strace $0x9000004C  }
0xb2: {  	s29 =	simm.s32 $0x9;
	_ =	strace $0x8000004E  }
0xb3: {  	_ =	swait.ge [sflag:s29], $0x1  }
0xb4: {  	[sflag:s29] =	ssyncadd.s32 $0xFFFFFFFF  }
0xb5: {  	_ =	strace $0x9000004E  }
0xb6: {  	_ =	sfence  }
0xb7: {  	s30 =	sld [smem:$0x0];
	_ =	sdelay $0x2  }
0xb8: {  	s31 =	sshll.u32 s1, $0xD;
	s1 =	sshrl.u32 s1, $0x2  }
0xb9: {  	s3 =	sand.u32 $0x4000, s31;
	s1 =	sadd.s32 s1, s30  }
0xba: {  	s0 =	sor.u32 s3, s0;
	s1 =	sshll.u32 s1, $0x11  }
0xbb: {  	s0 =	sor.u32 s1, s0  }
0xbc: {  	s0 =	sadd.s32 $0x8F2B, s0  }
0xbd: {  	[sflag:s0] =	ssyncadd.remote.s32 $0x1  }
0xbe: {  	_ =	sfence.sel $0xFFFF  }
0xbf: {  	[dreg:$0x0] =	wrdreg $0xFFFFFFFF;
	(pc) =	sbr.abs _section_cstart, $3  }
0xc0: {  	[dreg:$0x1] =	wrdreg $0xFFFFFFFF  }
0xc1: {  	_ =	task.clear_ibuf [dreg:s6], $0x2FFFF;
	_ =	strace $0x9FFFFFFF  }
0xc2: {  	(tm) =	ssettm $0x7FFFFFFF  }
0xc3: {  	_ =	shalt  }
tec
execute0_lowered:
.L_overlay_start_1:
0x0: {  	(tag) =	ssettag $0x1  }
0x1: {  	s5 =	rddreg [dreg:$0x0]  }
0x2: {  	s2 =	rddreg [dreg:$0x1]  }
0x3: {  	s3 =	srdreg.scid;
	s1 =	stileid.u32  }
0x4: {  	s14 =	simm.s32 $0x2780;
	s15 =	simm.s32 $0x4F00;
	s16 =	simm.s32 $0x4  }
0x5: {  	s17 =	simm.s32 $0x3;
	s18 =	simm.s32 $0x80;
	s19 =	simm.s32 $0x6F00  }
0x6: {  	s20 =	simm.s32 $0x100;
	s21 =	simm.s32 $0x8F00;
	s22 =	simm.s32 $0x180  }
0x7: {  	s23 =	simm.s32 $0xAF00;
	s24 =	simm.s32 $0x1;
	s25 =	simm.s32 $0x2  }
0x8: {  	s26 =	simm.s32 $0x0;
	s6 =	sand.u32 $0x1, s3;
	s7 =	smul.u32 $0x9E00, s1  }
0x9: {  	s3 =	simm.s32 $0x0;
	s10 =	smul.u32 $0x27800, s1;
	s4 =	sshll.u32 s6, $0x4  }
0xa: {  	[smem:$0x7FF] =	sst s3;
	s8 =	smul.u32 $0x9E000, s6;
	s6 =	ssub.s32 $0x2, s6  }
0xb: {  	s4 =	sor.u32 s1, s4;
	_ =	strace $0x8000004D;
	s30 =	sshrl.u32 s6, $0x1  }
0xc: {  	s31 =	sshrl.u32 s10, $0x2;
	s9 =	smul.u32 $0x4F0, s4;
	s4 =	sadd.s32 $0x3A00, s5  }
0xd: {  	s8 =	sadd.s32 s7, s8;
	s13 =	ssub.s32 s6, s30;
	s11 =	sadd.s32 s31, s2  }
0xe: {  	s7 =	sadd.s32 s7, s2;
	s8 =	sshrl.u32 s8, $0x3;
	s10 =	sadd.s32 $0x6000, s11  }
0xf: {  	s13 =	smax.u32 s13, $0x1;
	s9 =	sadd.s32 s9, s5;
	s12 =	sadd.s32 s8, s5  }
0x10: {  	s8 =	sadd.s32 $0x2000, s11;
	s5 =	sadd.s32 $0x70000, s9;
	s6 =	sadd.s32 $0x66200, s9  }
0x11: {  	v0 =	vimm.f32 $0.0e+00;
	s9 =	sadd.s32 $0x4000, s11;
	s11 =	sadd.s32 $0x8000, s11;
	s12 =	sadd.s32 $0x17400, s12  }
.LBB2_1:
0x12: {  	[tilespmem:s3], [sflag:$0x3] =	stream.linear.gather [hbm4b:s5+s3], $0x2780, $0x38;
	[tilespmem:$0x1AD00] =	vst v63  }
0x13: {  	s29 =	simm.s32 $0x100;
	s28 =	simm.s32 $0x0  }
0x14: {  	[tilespmem:s14], [sflag:$0x3] =	stream.linear.gather [hbm4b:s6+s3], $0x2780, $0x38;
	[tilespmem:$0x1AD00] =	vst v63  }
.LBB2_2:
0x15: {  	p0 =	sne.s32 s29, $0x7F00;
	[tilespmem:s28+$0x4F30] =	vst v0;
	s30 =	smov.u32 s29;
	s29 =	sadd.s32 $0x100, s29  }
.Ltmp0:
0x16: {  	[tilespmem:s28+$0x4F20] =	vst v0;
	(pc) =	sbr.rel @p0 .LBB2_2-.Ltmp0, $3  }
0x17: {  	[tilespmem:s28+$0x4F00] =	vst v0  }
0x18: {  	[tilespmem:s28+$0x4F10] =	vst v0;
	_ =	sdelay $0x1  }
0x19: {  	s28 =	sshra.s32 s30, $0x2  }
0x1a: {  	[tilespmem:s28+$0x4F30] =	vst v0  }
0x1b: {  	[tilespmem:s28+$0x4F20] =	vst v0  }
0x1c: {  	[tilespmem:s28+$0x4F00] =	vst v0  }
0x1d: {  	[tilespmem:s28+$0x4F10] =	vst v0  }
0x1e: {  	[spmem:s7] =	stream.linear.scatter [tilespmem:s15], [sflag:$0x4], $0x2000, $0x38;
	[tilespmem:$0x1AD00] =	vst v63  }
0x1f: {  	_ =	swait.ge [sflag:s16], $0x2000  }
0x20: {  	[sflag:s16] =	ssyncset.done $0x0  }
0x21: {  	[sflag:s16] =	ssyncadd.s32 $0xFFFFE000  }
0x22: {  	[spmem:s8] =	stream.linear.scatter [tilespmem:s15], [sflag:$0x4], $0x2000, $0x38;
	[tilespmem:$0x1AD00] =	vst v63  }
0x23: {  	_ =	swait.ge [sflag:s16], $0x2000  }
0x24: {  	[sflag:s16] =	ssyncset.done $0x0  }
0x25: {  	[sflag:s16] =	ssyncadd.s32 $0xFFFFE000  }
0x26: {  	[spmem:s9] =	stream.linear.scatter [tilespmem:s15], [sflag:$0x4], $0x2000, $0x38;
	[tilespmem:$0x1AD00] =	vst v63  }
0x27: {  	_ =	swait.ge [sflag:s16], $0x2000  }
0x28: {  	[sflag:s16] =	ssyncset.done $0x0  }
0x29: {  	[sflag:s16] =	ssyncadd.s32 $0xFFFFE000  }
0x2a: {  	[spmem:s10] =	stream.linear.scatter [tilespmem:s15], [sflag:$0x4], $0x2000, $0x38;
	[tilespmem:$0x1AD00] =	vst v63  }
0x2b: {  	_ =	swait.ge [sflag:s16], $0x2000  }
0x2c: {  	[sflag:s16] =	ssyncset.done $0x0  }
0x2d: {  	[sflag:s16] =	ssyncadd.s32 $0xFFFFE000  }
0x2e: {  	[spmem:s11] =	stream.linear.scatter [tilespmem:s15], [sflag:$0x4], $0x1E00, $0x38;
	[tilespmem:$0x1AD00] =	vst v63  }
0x2f: {  	_ =	swait.ge [sflag:s16], $0x1E00  }
0x30: {  	[sflag:s16] =	ssyncset.done $0x0  }
0x31: {  	[sflag:s16] =	ssyncadd.s32 $0xFFFFE200  }
0x32: {  	_ =	swait.ge [sflag:s17], $0x2780  }
0x33: {  	[sflag:s17] =	ssyncset.done $0x0  }
0x34: {  	[sflag:s17] =	ssyncadd.s32 $0xFFFFD880  }
0x35: {  	_ =	swait.ge [sflag:s17], $0x2780  }
0x36: {  	[sflag:s17] =	ssyncset.done $0x0  }
0x37: {  	[sflag:s17] =	ssyncadd.s32 $0xFFFFD880  }
0x38: {  	s28 =	simm.s32 $0x0;
	[bflag:$0x0] =	sbarrier.arrive $0xFFFF  }
0x39: {  	[tilespmem:s15], [sflag:$0x1] =	stream.indirect.gather [hbm4b:s4+s18], $0x40, s28, s18, $0xb8;
	[tilespmem:$0x1AD00] =	vst v63  }
0x3a: {  	_ = 	snop  }
0x3b: {  	[tilespmem:s19], [sflag:$0x1] =	stream.indirect.gather [hbm4b:s4+s18], $0x40, s18, s18, $0xb8;
	[tilespmem:$0x1AD00] =	vst v63  }
0x3c: {  	_ = 	snop  }
0x3d: {  	[tilespmem:s21], [sflag:$0x1] =	stream.indirect.gather [hbm4b:s4+s18], $0x40, s20, s18, $0xb8;
	[tilespmem:$0x1AD00] =	vst v63  }
0x3e: {  	s29 =	simm.s32 $0x200;
	s30 =	simm.s32 $0x2780  }
0x3f: {  	[tilespmem:s23], [sflag:$0x1] =	stream.indirect.gather [hbm4b:s4+s18], $0x40, s22, s18, $0xb8;
	[tilespmem:$0x1AD00] =	vst v63  }
.LBB2_4:
0x40: {  	s31 =	smul.u32 $0xAB, s28;
	_ =	sdelay $0x1  }
0x41: {  	s31 =	sshrl.u32 s31, $0xA  }
0x42: {  	s31 =	sand.u32 $0x3F, s31  }
0x43: {  	s31 =	smul.u32 $0x6, s31;
	_ =	sdelay $0x1  }
0x44: {  	s31 =	ssub.s32 s28, s31  }
0x45: {  	_ =	swait.ge [sflag:s24], $0x2000;
	s31 =	sand.u32 $0xFF, s31  }
0x46: {  	[sflag:s24] =	ssyncset.done $0x0;
	s31 =	sshll.u32 s31, $0xD  }
0x47: {  	p0 =	slt.u32 s28, $0x2;
	[sflag:s24] =	ssyncadd.s32 $0xFFFFE000;
	s31 =	sadd.s32 $0x4F00, s31  }
0x48: {  	[spmem:s2] =	stream.indirect.scatter.add.f32 [tilespmem:s31], [sflag:$0x2], $0x40, s30, s18, $0xb8;
	[tilespmem:$0x1AD00] =	vst v63  }
0x49: {  	s31 =	simm.s32 @!p0 $0x2  }
0x4a: {  	p1 =	sgt.u32 @!p0 s28, $0x4A;
	_ =	swait.ge @!p0 [sflag:s31], $0x2000  }
0x4b: {  	p1 =	por p0, !p1;
	[sflag:s31] =	ssyncset.done @!p0 $0x0  }
0x4c: {  	[sflag:s31] =	ssyncadd.s32 @!p0 $0xFFFFE000;
	s31 =	sadd.s32 @p1 $0x4, s28  }
0x4d: {  	s0 =	smul.u32 @p1 $0xAB, s31;
	_ =	sdelay $0x1  }
0x4e: {  	s0 =	sshrl.u32 @p1 s0, $0xA  }
0x4f: {  	s0 =	sand.u32 @p1 $0x3F, s0  }
0x50: {  	s0 =	smul.u32 @p1 $0x6, s0  }
0x51: {  	s28 =	sadd.s32 $0x1, s28  }
0x52: {  	p0 =	sne.s32 s28, $0x4F;
	s0 =	ssub.s32 @p1 s31, s0  }
.Ltmp1:
0x53: {  	s0 =	sand.u32 @p1 $0xFF, s0;
	(pc) =	sbr.rel @p0 .LBB2_4-.Ltmp1, $4  }
0x54: {  	s0 =	sshll.u32 @p1 s0, $0xD  }
0x55: {  	s0 =	sadd.s32 @p1 $0x4F00, s0  }
0x56: {  	[tilespmem:s0], [sflag:$0x1] =	stream.indirect.gather @p1 [hbm4b:s4+s18], $0x40, s29, s18, $0xb8;
	[tilespmem:$0x1AD00] =	vst v63  }
0x57: {  	s30 =	sadd.s32 $0x80, s30;
	s29 =	sadd.s32 $0x80, s29  }
0x58: {  	_ =	swait.ge [sflag:s25], $0x2000  }
0x59: {  	[sflag:s25] =	ssyncset.done $0x0  }
0x5a: {  	[sflag:s25] =	ssyncadd.s32 $0xFFFFE000  }
0x5b: {  	_ =	swait.ge [sflag:s25], $0x2000  }
0x5c: {  	s0 =	sshll.u32 s1, $0x6;
	s26 =	sadd.s32 $0x1, s26;
	[sflag:s25] =	ssyncset.done $0x0  }
0x5d: {  	s28 =	sshrl.u32 s7, $0x3;
	p0 =	sne.s32 s26, s13;
	[sflag:s25] =	ssyncadd.s32 $0xFFFFE000  }
.Ltmp2:
0x5e: {  	s0 =	sor.u32 $0x1C04, s0;
	[bflag:$0x0] =	sbarrier.arrive $0xFFFF;
	(pc) =	sbr.rel @p0 .LBB2_1-.Ltmp2, $4  }
0x5f: {  	[hbm:s12], [sflag:s0] =	dma.local [spmem:s28], $0x13C0  }
0x60: {  	_ =	swait.ge [sflag:s16], $0x13C0  }
0x61: {  	[sflag:s16] =	ssyncset.done $0x0  }
0x62: {  	[sflag:s16] =	ssyncadd.s32 $0xFFFFEC40  }
0x63: {  	_ =	sfence.sel $0x180000  }
0x64: {  	[bflag:$0x0] =	sbarrier.arrive $0xFFFF  }
0x65: {  	_ =	strace $0x9000004D  }
0x66: {  	[bflag:$0x2] =	sbarrier.arrive $0xFFFF  }
0x67: {  	p0 =	sne.s32 s1, $0x0;
	s0 =	rddreg [dreg:$0x2]  }
0x68: {  	s0 =	sadd.s32 @!p0 $0x100000, s0  }
0x69: {  	[sflag:s0] =	ssyncadd.tile.s32 @!p0 $0x1;
	_ =	shalt  }
.Lfunc_end2:
_tile_overlayer_lowered:
.L_overlay_start_2:
0x6a: {  	(tag) =	ssettag $0x2  }
0x6b: {  	s0 =	rddreg [dreg:$0x0];
	s2 =	stileid.u32  }
0x6c: {  	s1 =	rddreg [dreg:$0x1];
	p0 =	sne.s32 s2, $0x0  }
0x6d: {  	s3 =	rddreg [dreg:$0x2];
	[bflag:$0x3] =	sbarrier.arrive $0xFFFF;
	s2 =	simm.s32 @!p0 $0x1C04  }
0x6e: {  	[timem:s3], [sflag:s2] =	dma.local @!p0 [hbm:s0], s1  }
0x6f: {  	s0 =	simm.s32 @!p0 $0x4  }
0x70: {  	_ =	swait.ge @!p0 [sflag:s0], s1  }
0x71: {  	s1 =	ssub.s32 @!p0 $0x0, s1;
	[sflag:s0] =	ssyncset.done @!p0 $0x0  }
0x72: {  	[sflag:s0] =	ssyncadd.s32 @!p0 s1  }
0x73: {  	[bflag:$0x3] =	sbarrier.arrive $0xFFFF  }
0x74: {  	_ =	shalt  }

// kernel: kernel.8.cloned.1.call-start
scs
__scs_entry_jumppad:
0x0: {  	(pc) =	sbr.rel $0x88, $3  }
0x1: {  	(tag) =	ssettag $0x0;
	lr =	simm.s32 $0x1  }
0x2: {  	[smem:$0x3F85] =	sst lr;
	_ =	strace $0xD0000000  }
0x3: {  	_ = 	snop  }
0x4: {  	_ = 	snop  }
0x5: {  	_ = 	snop  }
0x6: {  	_ = 	snop  }
0x7: {  	_ = 	snop  }
__scs_overlays_trampoline_lowered:
0x8: {  	[smem:$0x3F94] =	sst s0  }
0x9: {  	[smem:$0x3F95] =	sst s1  }
0xa: {  	[smem:$0x3F96] =	sst s2  }
0xb: {  	[smem:$0x3F97] =	sst s3  }
0xc: {  	[smem:$0x3F98] =	sst s4  }
0xd: {  	[smem:$0x3F99] =	sst s5  }
0xe: {  	[smem:$0x3F9A] =	sst s6  }
0xf: {  	[smem:$0x3F9B] =	sst s7  }
0x10: {  	[smem:$0x3F9C] =	sst s8  }
0x11: {  	[smem:$0x3F9D] =	sst s9;
	s0 =	simm.s32 @!p0 $0x0  }
0x12: {  	s1 =	sld [smem:$0x3F83];
	s0 =	simm.s32 @p0 $0x1  }
0x13: {  	[smem:$0x3F9E] =	sst s0;
	s0 =	simm.s32 @!p1 $0x0  }
0x14: {  	s2 =	sld [smem:$0x3F82];
	s0 =	simm.s32 @p1 $0x1  }
0x15: {  	[smem:$0x3F9F] =	sst s0;
	s0 =	simm.s32 @!p2 $0x0  }
0x16: {  	s3 =	sld [smem:$0x3FDB];
	s0 =	simm.s32 @p2 $0x1  }
0x17: {  	s4 =	simm.s32 $0x1BF5;
	[smem:$0x3FA1] =	sst s0  }
0x18: {  	s0 =	sld [smem:$0x3F84];
	_ =	swait.ge [sflag:s4], $0x0  }
0x19: {  	s7 =	sld [smem:$0x3F85]  }
0x1a: {  	s8 =	sadd.s32 $0xFFFFE003, lr  }
0x1b: {  	s9 =	sadd.s32 $0xFFFFFEF7, lr;
	s5 =	simm.s32 $0xFFFFFFFF;
	p2 =	slt.u32 s8, $0xFFFFF086  }
0x1c: {  	p1 =	slt.u32 s9, $0xF7A;
	s5 =	simm.s32 @!p2 $0x0  }
0x1d: {  	s5 =	simm.s32 @p1 $0x1;
	p0 =	seq.s32 s7, s2  }
0x1e: {  	s7 =	smul.u32 @!p0 $0xF7A, s2;
	p2 =	seq.s32 @!p0 s5, $0x0  }
0x1f: {  	s9 =	smul.u32 $0xF7A, s1;
	s8 =	simm.s32 @!p0 $0x1BF5;
	p2 =	por !p2, p0  }
0x20: {  	[sflag:s8] =	ssyncset.s32 @!p0 $0xFFFFF086;
	s6 =	sadd.s32 @!p0 s3, s7;
	s7 =	simm.s32 @!p0 $0x108  }
0x21: {  	s3 =	sadd.s32 s3, s9;
	s6 =	sadd.s32 @!p0 $0x88, s6;
	s7 =	simm.s32 @p2 $0x1082  }
0x22: {  	[simem:s7], [sflag:s8] =	dma.local @!p0 [hbm:s6], $0xF7A  }
0x23: {  	s9 =	sor.u32 $0xD0000000, s2;
	s6 =	simm.s32 $0x108;
	_ =	swait.ge @!p0 [sflag:s8], $0x0  }
0x24: {  	s3 =	sadd.s32 $0x88, s3;
	s6 =	simm.s32 @!p1 $0x1082;
	[sflag:s4] =	ssyncset.s32 $0xFFFFF086  }
0x25: {  	[simem:s6], [sflag:s4] =	dma.local [hbm:s3], $0xF7A  }
0x26: {  	[smem:$0x3F85] =	sst s1;
	(tag) =	ssettag s2;
	_ =	strace s9  }
0x27: {  	s1 =	sld [smem:$0x3F95]  }
0x28: {  	s2 =	sld [smem:$0x3F96]  }
0x29: {  	s4 =	sld [smem:$0x3F98]  }
0x2a: {  	p0 =	seq.s32 s5, $0x0;
	s5 =	sld [smem:$0x3F99]  }
0x2b: {  	s6 =	sld [smem:$0x3F9A]  }
0x2c: {  	s7 =	sld [smem:$0x3F9B]  }
0x2d: {  	s3 =	simm.s32 $0x108;
	s8 =	sld [smem:$0x3F9C]  }
0x2e: {  	s3 =	simm.s32 @!p0 $0x1082;
	s9 =	sld [smem:$0x3F9D]  }
0x2f: {  	lr =	sadd.s32 s0, s3;
	s0 =	sld [smem:$0x3F94]  }
0x30: {  	s3 =	sld [smem:$0x3F97]  }
0x31: {  	[smem:$0x3FA0] =	sst s10  }
0x32: {  	s10 =	sld [smem:$0x3F9E];
	_ =	sdelay $0x3  }
0x33: {  	p0 =	seq.s32 s10, $0x1;
	s10 =	sld [smem:$0x3FA0];
	_ =	sdelay $0x3  }
0x34: {  	[smem:$0x3FA0] =	sst s10  }
0x35: {  	s10 =	sld [smem:$0x3F9F];
	_ =	sdelay $0x3  }
0x36: {  	p1 =	seq.s32 s10, $0x1;
	s10 =	sld [smem:$0x3FA0];
	_ =	sdelay $0x3  }
0x37: {  	[smem:$0x3FA0] =	sst s10  }
0x38: {  	s10 =	sld [smem:$0x3FA1]  }
0x39: {  	_ = 	snop;
	(pc) =	sbr.ind lr, $3  }
0x3a: {  	_ = 	snop  }
0x3b: {  	_ = 	snop  }
0x3c: {  	p2 =	seq.s32 s10, $0x1;
	s10 =	sld [smem:$0x3FA0]  }
0x3d: {  	_ =	shalt  }
0x3e: {  	_ =	shalt  }
0x3f: {  	_ =	shalt  }
0x40: {  	_ =	shalt  }
0x41: {  	_ =	shalt  }
0x42: {  	_ =	shalt  }
0x43: {  	_ =	shalt  }
0x44: {  	_ =	shalt  }
0x45: {  	_ =	shalt  }
0x46: {  	_ =	shalt  }
0x47: {  	_ =	shalt  }
0x48: {  	_ =	shalt  }
0x49: {  	_ =	shalt  }
0x4a: {  	_ =	shalt  }
0x4b: {  	_ =	shalt  }
0x4c: {  	_ =	shalt  }
0x4d: {  	_ =	shalt  }
0x4e: {  	_ =	shalt  }
0x4f: {  	_ =	shalt  }
0x50: {  	_ =	shalt  }
0x51: {  	_ =	shalt  }
0x52: {  	_ =	shalt  }
0x53: {  	_ =	shalt  }
0x54: {  	_ =	shalt  }
0x55: {  	_ =	shalt  }
0x56: {  	_ =	shalt  }
0x57: {  	_ =	shalt  }
0x58: {  	_ =	shalt  }
0x59: {  	_ =	shalt  }
0x5a: {  	_ =	shalt  }
0x5b: {  	_ =	shalt  }
0x5c: {  	_ =	shalt  }
0x5d: {  	_ =	shalt  }
0x5e: {  	_ =	shalt  }
0x5f: {  	_ =	shalt  }
0x60: {  	_ =	shalt  }
0x61: {  	_ =	shalt  }
0x62: {  	_ =	shalt  }
0x63: {  	_ =	shalt  }
0x64: {  	_ =	shalt  }
0x65: {  	_ =	shalt  }
0x66: {  	_ =	shalt  }
0x67: {  	_ =	shalt  }
0x68: {  	_ =	shalt  }
0x69: {  	_ =	shalt  }
0x6a: {  	_ =	shalt  }
0x6b: {  	_ =	shalt  }
0x6c: {  	_ =	shalt  }
0x6d: {  	_ =	shalt  }
0x6e: {  	_ =	shalt  }
0x6f: {  	_ =	shalt  }
0x70: {  	_ =	shalt  }
0x71: {  	_ =	shalt  }
0x72: {  	_ =	shalt  }
0x73: {  	_ =	shalt  }
0x74: {  	_ =	shalt  }
0x75: {  	_ =	shalt  }
0x76: {  	_ =	shalt  }
0x77: {  	_ =	shalt  }
0x78: {  	_ =	shalt  }
0x79: {  	_ =	shalt  }
0x7a: {  	_ =	shalt  }
0x7b: {  	_ =	shalt  }
0x7c: {  	_ =	shalt  }
0x7d: {  	_ =	shalt  }
0x7e: {  	_ =	shalt  }
0x7f: {  	_ =	shalt  }
0x80: {  	_ =	shalt  }
0x81: {  	_ =	shalt  }
0x82: {  	_ =	shalt  }
0x83: {  	_ =	shalt  }
0x84: {  	_ =	shalt  }
0x85: {  	_ =	shalt  }
0x86: {  	_ =	shalt  }
0x87: {  	_ =	shalt  }
.Lfunc_end0:
.L_simem_size_0:
called_computation_lowered:
.L_overlay_start_0:
0x88: {  	s2 =	sld [smem:$0x3FD9]  }
0x89: {  	s3 =	sld [smem:$0x3FFE];
	_ =	sdelay $0x1  }
0x8a: {  	s1 =	srdreg.scid  }
0x8b: {  	s0 =	sand.u32 $0x1, s1  }
0x8c: {  	s16 =	sshll.u32 s0, $0xA;
	s2 =	sadd.s32 s3, s2  }
0x8d: {  	s2 =	sadd.s32 s2, s16  }
0x8e: {  	[smem:$0x3FAC] =	sst s2  }
0x8f: {  	_ = 	snop  }
0x90: {  	(tm) =	ssettm $0x1  }
0x91: {  	s17 =	sld [smem:$0x3FFB];
	_ =	sdelay $0x3  }
0x92: {  	_ =	strace s17  }
0x93: {  	s2 =	sld [smem:$0x3FFC];
	_ =	sdelay $0x3  }
0x94: {  	_ =	strace s2  }
0x95: {  	s2 =	sld [smem:$0x3FFD];
	_ =	sdelay $0x3  }
0x96: {  	_ =	strace s2  }
0x97: {  	_ =	strace $0x8FFFFFFF  }
0x98: {  	s18 =	sld [smem:$0x3FDB];
	_ =	sdelay $0x1  }
0x99: {  	s19 =	simm.s32 $_scs_section_size  }
0x9a: {  	s4 =	simm.s32 $_size__tile_overlayer_lowered;
	s5 =	simm.s32 $_tile_overlayer_lowered  }
0x9b: {  	s22 =	simm.s32 $0x1BFF;
	s21 =	sshll.u32 s5, $0x1;
	s2 =	sadd.s32 s19, s18  }
0x9c: {  	s6 =	simm.s32 $0x0;
	s20 =	sshll.u32 s4, $0x1;
	s4 =	sadd.s32 s21, s2  }
0x9d: {  	[timem:s6], [sflag:s22] =	dma.local [hbm:s4], s20  }
0x9e: {  	_ =	swait.ge [sflag:s22], s20  }
0x9f: {  	s3 =	ssub.s32 $0x0, s20;
	[sflag:s22] =	ssyncset.done $0x0  }
0xa0: {  	[sflag:s22] =	ssyncadd.s32 s3;
	_ =	sdelay $0x1  }
0xa1: {  	s23 =	simm.s32 $0x1B8B  }
0xa2: {  	_ =	swait.ge [sflag:s23], $0x1  }
0xa3: {  	[sflag:s23] =	ssyncset.done $0x0  }
0xa4: {  	s25 =	simm.s32 $0x1B8E;
	s24 =	sld [smem:$0x3FFE];
	[sflag:s23] =	ssyncadd.s32 $0xFFFFFFFF  }
0xa5: {  	s26 =	simm.s32 $execute0_lowered;
	[smem:$0x3FD2] =	sst s25  }
0xa6: {  	s4 =	sshll.u32 s26, $0x1;
	_ =	strace $0x80000046;
	[dreg:$0x1] =	wrdreg $0xFFFFFFFF  }
0xa7: {  	s28 =	simm.s32 $_size_execute0_lowered;
	s2 =	sadd.s32 s2, s4;
	[dreg:$0x0] =	wrdreg $0x0  }
0xa8: {  	s4 =	sshll.u32 s28, $0x1;
	[dreg:$0x2] =	wrdreg s2  }
0xa9: {  	[dreg:$0x3] =	wrdreg s4  }
0xaa: {  	[dreg:$0x4] =	wrdreg $0xC0  }
0xab: {  	_ =	task [dreg:s6], $0x5FFFF  }
0xac: {  	[dreg:$0x1] =	wrdreg $0xFFFFFFFF  }
0xad: {  	[dreg:$0x0] =	wrdreg $0x60  }
0xae: {  	[dreg:$0x2] =	wrdreg s24  }
0xaf: {  	[dreg:$0x3] =	wrdreg $0x15D000  }
0xb0: {  	[dreg:$0x4] =	wrdreg $0x9  }
0xb1: {  	_ =	task.clear_ibuf [dreg:s6], $0x5FFFF;
	_ =	strace $0x90000046  }
0xb2: {  	s29 =	simm.s32 $0x9;
	_ =	strace $0x80000048  }
0xb3: {  	_ =	swait.ge [sflag:s29], $0x1  }
0xb4: {  	[sflag:s29] =	ssyncadd.s32 $0xFFFFFFFF  }
0xb5: {  	_ =	strace $0x90000048  }
0xb6: {  	_ =	sfence  }
0xb7: {  	s30 =	sld [smem:$0x0];
	_ =	sdelay $0x2  }
0xb8: {  	s31 =	sshll.u32 s1, $0xD;
	s1 =	sshrl.u32 s1, $0x2  }
0xb9: {  	s3 =	sand.u32 $0x4000, s31;
	s1 =	sadd.s32 s1, s30  }
0xba: {  	s0 =	sor.u32 s3, s0;
	s1 =	sshll.u32 s1, $0x11  }
0xbb: {  	s0 =	sor.u32 s1, s0  }
0xbc: {  	s0 =	sadd.s32 $0x8F2B, s0  }
0xbd: {  	[sflag:s0] =	ssyncadd.remote.s32 $0x1  }
0xbe: {  	_ =	sfence.sel $0xFFFF  }
0xbf: {  	[dreg:$0x0] =	wrdreg $0xFFFFFFFF;
	(pc) =	sbr.abs _section_cstart, $3  }
0xc0: {  	[dreg:$0x1] =	wrdreg $0xFFFFFFFF  }
0xc1: {  	_ =	task.clear_ibuf [dreg:s6], $0x2FFFF;
	_ =	strace $0x9FFFFFFF  }
0xc2: {  	(tm) =	ssettm $0x7FFFFFFF  }
0xc3: {  	_ =	shalt  }
tec
execute0_lowered:
.L_overlay_start_1:
0x0: {  	(tag) =	ssettag $0x1  }
0x1: {  	s6 =	rddreg [dreg:$0x0]  }
0x2: {  	s2 =	rddreg [dreg:$0x1]  }
0x3: {  	s3 =	simm.s32 $0x0;
	s0 =	stileid.u32;
	s4 =	srdreg.scid  }
0x4: {  	s16 =	simm.s32 $0x9D00;
	s17 =	simm.s32 $0x4;
	s18 =	simm.s32 $0x3  }
0x5: {  	s19 =	simm.s32 $0x80;
	s20 =	simm.s32 $0xBD00;
	s21 =	simm.s32 $0x100  }
0x6: {  	s22 =	simm.s32 $0xDD00;
	s23 =	simm.s32 $0x180;
	s24 =	simm.s32 $0xFD00  }
0x7: {  	s25 =	simm.s32 $0x1;
	s26 =	simm.s32 $0x2;
	s8 =	smul.u32 $0x9E00, s0  }
0x8: {  	s28 =	simm.s32 $0x0;
	[smem:$0x7FF] =	sst s3;
	s9 =	smul.u32 $0x9D0, s0  }
0x9: {  	s13 =	sand.u32 $0x1, s4;
	s4 =	sadd.s32 $0x2B000, s6;
	s11 =	smul.u32 $0x27800, s0  }
0xa: {  	s5 =	sadd.s32 $0x17600, s6;
	_ =	strace $0x80000047;
	s7 =	smul.u32 $0x9E000, s13  }
0xb: {  	s10 =	ssub.s32 $0x2, s13;
	p0 =	seq.s32 s13, $0x1;
	s9 =	sadd.s32 s9, s6  }
0xc: {  	s12 =	sshrl.u32 s10, $0x1;
	s30 =	sshrl.u32 s11, $0x2;
	s7 =	sadd.s32 s8, s7  }
.Ltmp0:
0xd: {  	s15 =	ssub.s32 s10, s12;
	s31 =	sadd.s32 s30, s2;
	(pc) =	sbr.rel .LBB2_1-.Ltmp0, $4  }
0xe: {  	s8 =	sadd.s32 s8, s2;
	s7 =	sshrl.u32 s7, $0x3;
	s10 =	sadd.s32 $0x4000, s31  }
0xf: {  	s11 =	sadd.s32 $0x6000, s31;
	s12 =	sadd.s32 $0x8000, s31;
	s14 =	sadd.s32 s7, s6  }
0x10: {  	s6 =	sadd.s32 $0xD800, s9;
	s7 =	sadd.s32 $0x3A00, s9;
	s9 =	sadd.s32 $0x2000, s31  }
0x11: {  	v0 =	vimm.f32 $0.0e+00;
	s13 =	sadd.s32 $0x3EA00, s14;
	s14 =	smax.u32 s15, $0x1;
	s15 =	simm.s32 $0x4E80  }
.LBB2_8:
0x12: {  	_ =	swait.ge [sflag:s26], $0x2000  }
0x13: {  	[sflag:s26] =	ssyncset.done $0x0  }
0x14: {  	[sflag:s26] =	ssyncadd.s32 $0xFFFFE000  }
0x15: {  	s0 =	stileid.u32;
	_ =	swait.ge [sflag:s26], $0x2000  }
0x16: {  	s1 =	sshrl.u32 s8, $0x3;
	s28 =	sadd.s32 $0x1, s28;
	[sflag:s26] =	ssyncset.done $0x0  }
0x17: {  	s0 =	sshll.u32 s0, $0x6;
	p1 =	sne.s32 s28, s14;
	[sflag:s26] =	ssyncadd.s32 $0xFFFFE000  }
.Ltmp1:
0x18: {  	s0 =	sor.u32 $0x1C04, s0;
	[bflag:$0x0] =	sbarrier.arrive $0xFFFF;
	(pc) =	sbr.rel @!p1 .LBB2_9-.Ltmp1, $4  }
0x19: {  	[hbm:s13], [sflag:s0] =	dma.local [spmem:s1], $0x13C0  }
0x1a: {  	_ =	swait.ge [sflag:s17], $0x13C0  }
0x1b: {  	[sflag:s17] =	ssyncset.done $0x0  }
0x1c: {  	[sflag:s17] =	ssyncadd.s32 $0xFFFFEC40  }
.LBB2_1:
0x1d: {  	[tilespmem:s3], [sflag:$0x3] =	stream.linear.gather [hbm4b:s6+s3], $0x4E80, $0x38;
	[tilespmem:$0x1FB00] =	vst v63  }
0x1e: {  	s30 =	simm.s32 $0x100;
	s29 =	simm.s32 $0x0  }
0x1f: {  	[tilespmem:s15], [sflag:$0x3] =	stream.linear.gather [hbm4b:s7+s3], $0x4E80, $0x38;
	[tilespmem:$0x1FB00] =	vst v63  }
.LBB2_2:
0x20: {  	p1 =	sne.s32 s30, $0x7F00;
	[tilespmem:s29+$0x9D30] =	vst v0;
	s31 =	smov.u32 s30;
	s30 =	sadd.s32 $0x100, s30  }
.Ltmp2:
0x21: {  	[tilespmem:s29+$0x9D20] =	vst v0;
	(pc) =	sbr.rel @p1 .LBB2_2-.Ltmp2, $3  }
0x22: {  	[tilespmem:s29+$0x9D00] =	vst v0  }
0x23: {  	[tilespmem:s29+$0x9D10] =	vst v0;
	_ =	sdelay $0x1  }
0x24: {  	s29 =	sshra.s32 s31, $0x2  }
0x25: {  	[tilespmem:s29+$0x9D30] =	vst v0  }
0x26: {  	[tilespmem:s29+$0x9D20] =	vst v0  }
0x27: {  	[tilespmem:s29+$0x9D00] =	vst v0  }
0x28: {  	[tilespmem:s29+$0x9D10] =	vst v0  }
0x29: {  	[spmem:s8] =	stream.linear.scatter [tilespmem:s16], [sflag:$0x4], $0x2000, $0x38;
	[tilespmem:$0x1FB00] =	vst v63  }
0x2a: {  	_ =	swait.ge [sflag:s17], $0x2000  }
0x2b: {  	[sflag:s17] =	ssyncset.done $0x0  }
0x2c: {  	[sflag:s17] =	ssyncadd.s32 $0xFFFFE000  }
0x2d: {  	[spmem:s9] =	stream.linear.scatter [tilespmem:s16], [sflag:$0x4], $0x2000, $0x38;
	[tilespmem:$0x1FB00] =	vst v63  }
0x2e: {  	_ =	swait.ge [sflag:s17], $0x2000  }
0x2f: {  	[sflag:s17] =	ssyncset.done $0x0  }
0x30: {  	[sflag:s17] =	ssyncadd.s32 $0xFFFFE000  }
0x31: {  	[spmem:s10] =	stream.linear.scatter [tilespmem:s16], [sflag:$0x4], $0x2000, $0x38;
	[tilespmem:$0x1FB00] =	vst v63  }
0x32: {  	_ =	swait.ge [sflag:s17], $0x2000  }
0x33: {  	[sflag:s17] =	ssyncset.done $0x0  }
0x34: {  	[sflag:s17] =	ssyncadd.s32 $0xFFFFE000  }
0x35: {  	[spmem:s11] =	stream.linear.scatter [tilespmem:s16], [sflag:$0x4], $0x2000, $0x38;
	[tilespmem:$0x1FB00] =	vst v63  }
0x36: {  	_ =	swait.ge [sflag:s17], $0x2000  }
0x37: {  	[sflag:s17] =	ssyncset.done $0x0  }
0x38: {  	[sflag:s17] =	ssyncadd.s32 $0xFFFFE000  }
0x39: {  	[spmem:s12] =	stream.linear.scatter [tilespmem:s16], [sflag:$0x4], $0x1E00, $0x38;
	[tilespmem:$0x1FB00] =	vst v63  }
0x3a: {  	_ =	swait.ge [sflag:s17], $0x1E00  }
0x3b: {  	[sflag:s17] =	ssyncset.done $0x0  }
0x3c: {  	[sflag:s17] =	ssyncadd.s32 $0xFFFFE200  }
0x3d: {  	_ =	swait.ge [sflag:s18], $0x4E80  }
0x3e: {  	[sflag:s18] =	ssyncset.done $0x0  }
0x3f: {  	[sflag:s18] =	ssyncadd.s32 $0xFFFFB180  }
.Ltmp3:
0x40: {  	_ =	swait.ge [sflag:s18], $0x4E80;
	(pc) =	sbr.rel @!p0 .LBB2_4-.Ltmp3, $4  }
0x41: {  	[sflag:s18] =	ssyncset.done $0x0  }
0x42: {  	[sflag:s18] =	ssyncadd.s32 $0xFFFFB180  }
0x43: {  	[bflag:$0x0] =	sbarrier.arrive $0xFFFF  }
0x44: {  	s29 =	simm.s32 $0x0  }
0x45: {  	[tilespmem:s16], [sflag:$0x1] =	stream.indirect.gather [hbm4b:s5+s19], $0x40, s29, s19, $0xb8;
	[tilespmem:$0x1FB00] =	vst v63  }
0x46: {  	_ = 	snop  }
0x47: {  	[tilespmem:s20], [sflag:$0x1] =	stream.indirect.gather [hbm4b:s5+s19], $0x40, s19, s19, $0xb8;
	[tilespmem:$0x1FB00] =	vst v63  }
0x48: {  	_ = 	snop  }
0x49: {  	[tilespmem:s22], [sflag:$0x1] =	stream.indirect.gather [hbm4b:s5+s19], $0x40, s21, s19, $0xb8;
	[tilespmem:$0x1FB00] =	vst v63  }
0x4a: {  	s30 =	simm.s32 $0x200;
	s31 =	simm.s32 $0x4E80  }
0x4b: {  	[tilespmem:s24], [sflag:$0x1] =	stream.indirect.gather [hbm4b:s5+s19], $0x40, s23, s19, $0xb8;
	[tilespmem:$0x1FB00] =	vst v63  }
.LBB2_7:
0x4c: {  	s0 =	smul.u32 $0xAB, s29;
	_ =	sdelay $0x1  }
0x4d: {  	s0 =	sshrl.u32 s0, $0xA  }
0x4e: {  	s0 =	sand.u32 $0x3F, s0  }
0x4f: {  	s0 =	smul.u32 $0x6, s0;
	_ =	sdelay $0x1  }
0x50: {  	s0 =	ssub.s32 s29, s0  }
0x51: {  	_ =	swait.ge [sflag:s25], $0x2000;
	s0 =	sand.u32 $0xFF, s0  }
0x52: {  	[sflag:s25] =	ssyncset.done $0x0;
	s0 =	sshll.u32 s0, $0xD  }
0x53: {  	p1 =	slt.u32 s29, $0x2;
	[sflag:s25] =	ssyncadd.s32 $0xFFFFE000;
	s0 =	sadd.s32 $0x9D00, s0  }
0x54: {  	[spmem:s2] =	stream.indirect.scatter.add.f32 [tilespmem:s0], [sflag:$0x2], $0x40, s31, s19, $0xb8;
	[tilespmem:$0x1FB00] =	vst v63  }
0x55: {  	s0 =	simm.s32 @!p1 $0x2  }
0x56: {  	p2 =	sgt.u32 @!p1 s29, $0x98;
	_ =	swait.ge @!p1 [sflag:s0], $0x2000  }
0x57: {  	p2 =	por p1, !p2;
	[sflag:s0] =	ssyncset.done @!p1 $0x0  }
0x58: {  	[sflag:s0] =	ssyncadd.s32 @!p1 $0xFFFFE000;
	s0 =	sadd.s32 @p2 $0x4, s29  }
0x59: {  	s1 =	smul.u32 @p2 $0xAB, s0;
	_ =	sdelay $0x1  }
0x5a: {  	s1 =	sshrl.u32 @p2 s1, $0xA  }
0x5b: {  	s1 =	sand.u32 @p2 $0x3F, s1  }
0x5c: {  	s1 =	smul.u32 @p2 $0x6, s1  }
0x5d: {  	s29 =	sadd.s32 $0x1, s29  }
0x5e: {  	p1 =	sne.s32 s29, $0x9D;
	s0 =	ssub.s32 @p2 s0, s1  }
.Ltmp4:
0x5f: {  	s0 =	sand.u32 @p2 $0xFF, s0;
	(pc) =	sbr.rel @p1 .LBB2_7-.Ltmp4, $4  }
0x60: {  	s0 =	sshll.u32 @p2 s0, $0xD  }
0x61: {  	s0 =	sadd.s32 @p2 $0x9D00, s0  }
0x62: {  	[tilespmem:s0], [sflag:$0x1] =	stream.indirect.gather @p2 [hbm4b:s5+s19], $0x40, s30, s19, $0xb8;
	[tilespmem:$0x1FB00] =	vst v63  }
0x63: {  	s31 =	sadd.s32 $0x80, s31;
	s30 =	sadd.s32 $0x80, s30  }
.Ltmp5:
0x64: {  	_ = 	snop;
	(pc) =	sbr.rel .LBB2_8-.Ltmp5, $1  }
0x65: {  	_ =	sdelay $0x3  }
.LBB2_4:
0x66: {  	[tilespmem:s16], [sflag:$0x1] =	stream.indirect.gather [hbm4b:s4+s19], $0x40, s29, s19, $0xb8;
	[tilespmem:$0x1FB00] =	vst v63  }
0x67: {  	_ = 	snop  }
0x68: {  	[tilespmem:s20], [sflag:$0x1] =	stream.indirect.gather [hbm4b:s4+s19], $0x40, s19, s19, $0xb8;
	[tilespmem:$0x1FB00] =	vst v63  }
0x69: {  	_ = 	snop  }
0x6a: {  	[tilespmem:s22], [sflag:$0x1] =	stream.indirect.gather [hbm4b:s4+s19], $0x40, s21, s19, $0xb8;
	[tilespmem:$0x1FB00] =	vst v63  }
0x6b: {  	s30 =	simm.s32 $0x200;
	s31 =	simm.s32 $0x4E80  }
0x6c: {  	[tilespmem:s24], [sflag:$0x1] =	stream.indirect.gather [hbm4b:s4+s19], $0x40, s23, s19, $0xb8;
	[tilespmem:$0x1FB00] =	vst v63  }
.LBB2_5:
0x6d: {  	s0 =	smul.u32 $0xAB, s29;
	_ =	sdelay $0x1  }
0x6e: {  	s0 =	sshrl.u32 s0, $0xA  }
0x6f: {  	s0 =	sand.u32 $0x3F, s0  }
0x70: {  	s0 =	smul.u32 $0x6, s0;
	_ =	sdelay $0x1  }
0x71: {  	s0 =	ssub.s32 s29, s0  }
0x72: {  	_ =	swait.ge [sflag:s25], $0x2000;
	s0 =	sand.u32 $0xFF, s0  }
0x73: {  	[sflag:s25] =	ssyncset.done $0x0;
	s0 =	sshll.u32 s0, $0xD  }
0x74: {  	p1 =	slt.u32 s29, $0x2;
	[sflag:s25] =	ssyncadd.s32 $0xFFFFE000;
	s0 =	sadd.s32 $0x9D00, s0  }
0x75: {  	[spmem:s2] =	stream.indirect.scatter.add.f32 [tilespmem:s0], [sflag:$0x2], $0x40, s31, s19, $0xb8;
	[tilespmem:$0x1FB00] =	vst v63  }
0x76: {  	s0 =	simm.s32 @!p1 $0x2  }
0x77: {  	p2 =	sgt.u32 @!p1 s29, $0x98;
	_ =	swait.ge @!p1 [sflag:s0], $0x2000  }
0x78: {  	p2 =	por p1, !p2;
	[sflag:s0] =	ssyncset.done @!p1 $0x0  }
0x79: {  	[sflag:s0] =	ssyncadd.s32 @!p1 $0xFFFFE000;
	s0 =	sadd.s32 @p2 $0x4, s29  }
0x7a: {  	s1 =	smul.u32 @p2 $0xAB, s0;
	_ =	sdelay $0x1  }
0x7b: {  	s1 =	sshrl.u32 @p2 s1, $0xA  }
0x7c: {  	s1 =	sand.u32 @p2 $0x3F, s1  }
0x7d: {  	s1 =	smul.u32 @p2 $0x6, s1  }
0x7e: {  	s29 =	sadd.s32 $0x1, s29  }
0x7f: {  	p1 =	seq.s32 s29, $0x9D;
	s0 =	ssub.s32 @p2 s0, s1  }
.Ltmp6:
0x80: {  	s0 =	sand.u32 @p2 $0xFF, s0;
	(pc) =	sbr.rel @!p1 .LBB2_5-.Ltmp6, $4  }
0x81: {  	s0 =	sshll.u32 @p2 s0, $0xD  }
0x82: {  	s0 =	sadd.s32 @p2 $0x9D00, s0  }
0x83: {  	[tilespmem:s0], [sflag:$0x1] =	stream.indirect.gather @p2 [hbm4b:s4+s19], $0x40, s30, s19, $0xb8;
	[tilespmem:$0x1FB00] =	vst v63  }
0x84: {  	s31 =	sadd.s32 $0x80, s31;
	s30 =	sadd.s32 $0x80, s30  }
.Ltmp7:
0x85: {  	_ = 	snop;
	(pc) =	sbr.rel .LBB2_8-.Ltmp7, $1  }
0x86: {  	_ =	sdelay $0x3  }
.LBB2_9:
0x87: {  	_ =	sfence.sel $0x180000  }
0x88: {  	[bflag:$0x0] =	sbarrier.arrive $0xFFFF  }
0x89: {  	_ =	strace $0x90000047  }
0x8a: {  	s0 =	stileid.u32;
	[bflag:$0x2] =	sbarrier.arrive $0xFFFF  }
0x8b: {  	p0 =	sne.s32 s0, $0x0;
	s0 =	rddreg [dreg:$0x2]  }
0x8c: {  	s0 =	sadd.s32 @!p0 $0x100000, s0  }
0x8d: {  	[sflag:s0] =	ssyncadd.tile.s32 @!p0 $0x1;
	_ =	shalt  }
.Lfunc_end2:
_tile_overlayer_lowered:
.L_overlay_start_2:
0x8e: {  	(tag) =	ssettag $0x2  }
0x8f: {  	s0 =	rddreg [dreg:$0x0];
	s2 =	stileid.u32  }
0x90: {  	s1 =	rddreg [dreg:$0x1];
	p0 =	sne.s32 s2, $0x0  }
0x91: {  	s3 =	rddreg [dreg:$0x2];
	[bflag:$0x3] =	sbarrier.arrive $0xFFFF;
	s2 =	simm.s32 @!p0 $0x1C04  }
0x92: {  	[timem:s3], [sflag:s2] =	dma.local @!p0 [hbm:s0], s1  }
0x93: {  	s0 =	simm.s32 @!p0 $0x4  }
0x94: {  	_ =	swait.ge @!p0 [sflag:s0], s1  }
0x95: {  	s1 =	ssub.s32 @!p0 $0x0, s1;
	[sflag:s0] =	ssyncset.done @!p0 $0x0  }
0x96: {  	[sflag:s0] =	ssyncadd.s32 @!p0 s1  }
0x97: {  	[bflag:$0x3] =	sbarrier.arrive $0xFFFF  }
0x98: {  	_ =	shalt  }

</sc_bundles>
